<compile_context>
chip_gen: v7x
topology: tpu7x:2x2x1
jax: 0.10.2.dev20260603
libtpu: 0.0.44.dev20260713+nightly
codegen_flags: <defaults>
</compile_context>

<pallas_src>
import functools

import jax
import jax.numpy as jnp
from jax import lax
from jax.experimental import pallas as pl
from jax.experimental.pallas import tpu as pltpu
from jax.experimental.pallas import tpu_sc as plsc

N = 10000
D = 128
H = 2
C = 64
G = 64
NC = 10
NB = 512
NP = 10240
NT = 10016
E0 = 320000
EE = E0 + N
CH = 3200
NCH = 104
EP = CH * NCH
EPS = 1e-16
NEG = -1e30


def _tc_layer(xt, wt, bias_t, am, pone, den=None, pre_w=None):
    grid = NP // NB
    have_den = den is not None

    def body(*refs):
        if have_den:
            xt_ref, den_ref, wt_ref, b_ref, am_ref, po_ref, xl_ref, at_ref, pool_ref, mx_ref = refs
        else:
            xt_ref, pw_ref, wt_ref, b_ref, am_ref, po_ref, xl_ref, at_ref, pool_ref, mx_ref = refs
        i = pl.program_id(0)
        if have_den:
            xv = xt_ref[...]
            d0 = den_ref[0:1, :] + EPS
            d1 = den_ref[1:2, :] + EPS
            xv = jnp.concatenate([xv[0:64, :] / d0, xv[64:128, :] / d1], axis=0)
        else:
            xv = jnp.dot(pw_ref[...], xt_ref[...],
                         preferred_element_type=jnp.float32)
        b = b_ref[:, 0:1]
        x = jnp.maximum(xv + b, 0.0)
        xl_ref[...] = jnp.dot(wt_ref[...], x, preferred_element_type=jnp.float32)
        at = jnp.dot(am_ref[...], x, preferred_element_type=jnp.float32)
        at_ref[...] = at

        @pl.when(i == 0)
        def _():
            pool_ref[...] = jnp.zeros_like(pool_ref)
            mx_ref[...] = jnp.full_like(mx_ref, NEG)

        pool_ref[...] += lax.dot_general(
            po_ref[...], x, (((0,), (1,)), ((), ())),
            preferred_element_type=jnp.float32)
        m = jnp.maximum(jnp.maximum(at[:, 0:128], at[:, 128:256]),
                        jnp.maximum(at[:, 256:384], at[:, 384:512]))
        mx_ref[...] = jnp.maximum(mx_ref[...], m)

    in_specs = [pl.BlockSpec((D, NB), lambda i: (0, i))]
    args = [xt]
    if have_den:
        in_specs.append(pl.BlockSpec((8, NB), lambda i: (0, i)))
        args.append(den)
    else:
        in_specs.append(pl.BlockSpec((D, D), lambda i: (0, 0)))
        args.append(pre_w)
    in_specs += [
        pl.BlockSpec((D, D), lambda i: (0, 0)),
        pl.BlockSpec((D, 128), lambda i: (0, 0)),
        pl.BlockSpec((8, D), lambda i: (0, 0)),
        pl.BlockSpec((NB, G), lambda i: (i, 0)),
    ]
    args += [wt, bias_t, am, pone]
    out_shape = [
        jax.ShapeDtypeStruct((D, NP), jnp.float32),
        jax.ShapeDtypeStruct((8, NP), jnp.float32),
        jax.ShapeDtypeStruct((G, D), jnp.float32),
        jax.ShapeDtypeStruct((8, 128), jnp.float32),
    ]
    out_specs = [
        pl.BlockSpec((D, NB), lambda i: (0, i)),
        pl.BlockSpec((8, NB), lambda i: (0, i)),
        pl.BlockSpec((G, D), lambda i: (0, 0)),
        pl.BlockSpec((8, 128), lambda i: (0, 0)),
    ]
    return pl.pallas_call(
        body, grid=(grid,), in_specs=in_specs, out_specs=out_specs,
        out_shape=out_shape)(*args)


def _tc_final_pool(xt, den, bias_t, pone):
    grid = NP // NB

    def body(xt_ref, den_ref, b_ref, po_ref, pool_ref):
        i = pl.program_id(0)
        xv = xt_ref[...]
        d0 = den_ref[0:1, :] + EPS
        d1 = den_ref[1:2, :] + EPS
        xv = jnp.concatenate([xv[0:64, :] / d0, xv[64:128, :] / d1], axis=0)
        x = jnp.maximum(xv + b_ref[:, 0:1], 0.0)

        @pl.when(i == 0)
        def _():
            pool_ref[...] = jnp.zeros_like(pool_ref)

        pool_ref[...] += lax.dot_general(
            po_ref[...], x, (((0,), (1,)), ((), ())),
            preferred_element_type=jnp.float32)

    return pl.pallas_call(
        body, grid=(grid,),
        in_specs=[
            pl.BlockSpec((D, NB), lambda i: (0, i)),
            pl.BlockSpec((8, NB), lambda i: (0, i)),
            pl.BlockSpec((D, 128), lambda i: (0, 0)),
            pl.BlockSpec((NB, G), lambda i: (i, 0)),
        ],
        out_specs=pl.BlockSpec((G, D), lambda i: (0, 0)),
        out_shape=jax.ShapeDtypeStruct((G, D), jnp.float32),
    )(xt, den, bias_t, pone)


def _tc_head(p0, p1, p2, wp1, bp1r, wp2p, bp2r):
    def body(p0_ref, p1_ref, p2_ref, w1_ref, b1_ref, w2_ref, b2_ref, out_ref):
        e = p0_ref[...] + p1_ref[...] + p2_ref[...]
        h = jnp.maximum(
            jnp.dot(e, w1_ref[...], preferred_element_type=jnp.float32)
            + b1_ref[0:1, :], 0.0)
        pred = (jnp.dot(h, w2_ref[...], preferred_element_type=jnp.float32)
                + b2_ref[0:1, :])
        mask = lax.broadcasted_iota(jnp.int32, (G, 128), 1) < NC
        pm = jnp.where(mask, pred, NEG)
        mx = jnp.max(pm, axis=1, keepdims=True)
        s = jnp.sum(jnp.where(mask, jnp.exp(pm - mx), 0.0), axis=1, keepdims=True)
        out_ref[...] = pm - mx - jnp.log(s)

    return pl.pallas_call(
        body,
        out_shape=jax.ShapeDtypeStruct((G, 128), jnp.float32),
    )(p0, p1, p2, wp1, bp1r, wp2p, bp2r)


def _sc_edge(xlt, attn, src_p, dst_p, mrow):
    mesh = plsc.VectorSubcoreMesh(core_axis_name="c", subcore_axis_name="s")
    xlt1 = xlt.reshape(D * NP)
    attn1 = attn.reshape(8 * NP)
    mrow1 = mrow.reshape(32)

    @functools.partial(
        pl.kernel,
        out_type=(jax.ShapeDtypeStruct((D * NP,), jnp.float32),
                  jax.ShapeDtypeStruct((8 * NP,), jnp.float32)),
        mesh=mesh,
        compiler_params=pltpu.CompilerParams(needs_layout_passes=False),
        scratch_types=[
            pltpu.VMEM((NT,), jnp.float32),
            pltpu.VMEM((NT,), jnp.float32),
            pltpu.VMEM((NT,), jnp.float32),
            pltpu.VMEM((NT,), jnp.float32),
            pltpu.VMEM((NP,), jnp.float32),
            pltpu.VMEM((NP,), jnp.float32),
            pltpu.VMEM((NP,), jnp.float32),
            pltpu.VMEM((NP,), jnp.float32),
            pltpu.VMEM((NT,), jnp.float32),
            pltpu.VMEM((NT,), jnp.float32),
            pltpu.VMEM((NP,), jnp.float32),
            pltpu.VMEM((CH,), jnp.int32),
            pltpu.VMEM((CH,), jnp.int32),
            pltpu.VMEM((CH,), jnp.int32),
            pltpu.VMEM((CH,), jnp.int32),
            pltpu.VMEM((16,), jnp.float32),
            pltpu.SemaphoreType.DMA,
            pltpu.SemaphoreType.DMA,
            pltpu.SemaphoreType.DMA,
            pltpu.SemaphoreType.DMA,
        ],
    )
    def k(xlt_h, attn_h, src_h, dst_h, mrow_h,
          acc_out, den_out,
          t0, t1, t2, t3, a0, a1_, a2_, a3, asrc_v, adst_v, den_v,
          s0b, s1b, d0b, d1b, mvec_v, ss0, ss1, ds0, ds1):
        tbl = (t0, t1, t2, t3)
        acc = (a0, a1_, a2_, a3)
        hh = lax.axis_index("c")
        tt = lax.axis_index("s")
        row0 = 64 * hh + 4 * tt

        for c in range(4):
            pltpu.sync_copy(xlt_h.at[pl.ds((row0 + c) * NP, NT)], tbl[c])
        pltpu.sync_copy(attn_h.at[pl.ds(hh * NP, NT)], asrc_v)
        pltpu.sync_copy(attn_h.at[pl.ds((2 + hh) * NP, NT)], adst_v)
        pltpu.sync_copy(mrow_h.at[pl.ds(hh * 16, 16)], mvec_v)

        def zbody(i, _):
            z = jnp.zeros((16,), jnp.float32)
            for c in range(4):
                acc[c][pl.ds(i * 16, 16)] = z
            den_v[pl.ds(i * 16, 16)] = z
            return 0

        lax.fori_loop(0, NP // 16, zbody, 0)
        mv = mvec_v[...]

        bufs = ((s0b, d0b, ss0, ds0), (s1b, d1b, ss1, ds1))
        for b in range(2):
            pltpu.async_copy(src_h.at[pl.ds(b * CH, CH)], bufs[b][0], bufs[b][2])
            pltpu.async_copy(dst_h.at[pl.ds(b * CH, CH)], bufs[b][1], bufs[b][3])

        def chunk_body(i, _):
            for b in range(2):
                g = 2 * i + b
                sb, db, ssem, dsem = bufs[b]
                pltpu.make_async_copy(src_h.at[pl.ds(g * CH, CH)], sb, ssem).wait()
                pltpu.make_async_copy(dst_h.at[pl.ds(g * CH, CH)], db, dsem).wait()

                @plsc.parallel_loop(0, CH // 16, unroll=8)
                def ebody(j):
                    sv = sb[pl.ds(j * 16, 16)]
                    dv = db[pl.ds(j * 16, 16)]
                    a1 = plsc.load_gather(asrc_v, [sv])
                    a2 = plsc.load_gather(adst_v, [dv])
                    raw = a1 + a2
                    lr2 = jnp.where(raw >= 0, raw, raw * 0.2)
                    w = jnp.exp(lr2 - mv)
                    plsc.addupdate_scatter(den_v, [dv], w)
                    for c in range(4):
                        gch = plsc.load_gather(tbl[c], [sv])
                        plsc.addupdate_scatter(acc[c], [dv], gch * w)

                @pl.when(g + 2 < NCH)
                def _():
                    pltpu.async_copy(
                        src_h.at[pl.ds((g + 2) * CH, CH)], sb, ssem)
                    pltpu.async_copy(
                        dst_h.at[pl.ds((g + 2) * CH, CH)], db, dsem)
            return 0

        lax.fori_loop(0, NCH // 2, chunk_body, 0)

        z = jnp.zeros((16,), jnp.float32)
        for c in range(4):
            acc[c][pl.ds(N, 16)] = z
        den_v[pl.ds(N, 16)] = z

        for c in range(4):
            pltpu.sync_copy(acc[c], acc_out.at[pl.ds((row0 + c) * NP, NP)])

        @pl.when(tt == 0)
        def _():
            pltpu.sync_copy(den_v, den_out.at[pl.ds(hh * NP, NP)])

    acc1, den1 = k(xlt1, attn1, src_p, dst_p, mrow1)
    return acc1.reshape(D, NP), den1.reshape(8, NP)


def _attn_mat(w, att_src, att_dst):
    wr = w.reshape(D, H, C)
    vs = jnp.einsum("dhc,hc->hd", wr, att_src)
    vd = jnp.einsum("dhc,hc->hd", wr, att_dst)
    return jnp.concatenate([vs, vd, jnp.zeros((4, D), jnp.float32)], axis=0)


def _mshift(mx):
    mxv = jnp.max(mx, axis=1)
    ub = mxv[:2] + mxv[2:4]
    m = jnp.where(ub >= 0, ub, 0.2 * ub)
    return jnp.broadcast_to(m[:, None], (2, 16)).astype(jnp.float32)


def kernel(x, edge_index, batch, W_pre, b_pre, W1, att_src1, att_dst1, bias1,
           W2, att_src2, att_dst2, bias2, Wp1, bp1, Wp2, bp2):
    xt = jnp.zeros((D, NP), jnp.float32).at[:, :N].set(x.T)
    loop = jnp.arange(N, dtype=jnp.int32)
    src = jnp.concatenate([edge_index[0], loop,
                           jnp.full((EP - EE,), N, jnp.int32)])
    dst = jnp.concatenate([edge_index[1], loop,
                           jnp.full((EP - EE,), N, jnp.int32)])
    pone = jnp.zeros((NP, G), jnp.float32).at[:N].set(
        (batch[:, None] == jnp.arange(G)[None, :]).astype(jnp.float32))
    bcol_pre = jnp.broadcast_to(b_pre[:, None], (D, 128))
    bcol1 = jnp.broadcast_to(bias1[:, None], (D, 128))
    bcol2 = jnp.broadcast_to(bias2[:, None], (D, 128))
    am1 = _attn_mat(W1, att_src1, att_dst1)
    am2 = _attn_mat(W2, att_src2, att_dst2)
    wp2p = jnp.zeros((D, 128), jnp.float32).at[:, :NC].set(Wp2)
    bp1r = jnp.broadcast_to(bp1[None, :], (8, D))
    bp2r = jnp.zeros((8, 128), jnp.float32).at[:, :NC].set(
        jnp.broadcast_to(bp2[None, :], (8, NC)))

    xl1, attn1, pool0, mx1 = _tc_layer(xt, W1.T, bcol_pre, am1, pone,
                                       pre_w=W_pre.T)
    mrow1 = _mshift(mx1)

    acc1, den1 = _sc_edge(xl1, attn1, src, dst, mrow1)

    xl2, attn2, pool1, mx2 = _tc_layer(acc1, W2.T, bcol1, am2, pone, den=den1)
    mrow2 = _mshift(mx2)

    acc2, den2 = _sc_edge(xl2, attn2, src, dst, mrow2)

    pool2 = _tc_final_pool(acc2, den2, bcol2, pone)

    out = _tc_head(pool0, pool1, pool2, Wp1, bp1r, wp2p, bp2r)
    return out[:, :NC]

# --- scband reference (transcript-rebuilt; emitter-appended) ---
"""Pipeline reference for scband-gat-25383256720122 (READ-ONLY COPY).

The authoritative reference and input builder live on the scoring server;
editing this copy changes nothing except your own understanding.
"""

import jax, jax.numpy as jnp
import numpy as np

N = 10000
E = 320000
D = 128
H = 2
C = 64  # D // H per-head channels
G = 64  # number of graphs in batch
NC = 10  # num_classes


def gat_conv(x, src, dst, W, att_src, att_dst, bias):
    # x: [N, D] -> lin -> [N, H, C]
    xl = (x @ W).reshape(N, H, C)
    a_src = (xl * att_src[None, :, :]).sum(-1)  # [N, H]
    a_dst = (xl * att_dst[None, :, :]).sum(-1)  # [N, H]
    e = a_src[src] + a_dst[dst]                 # [E', H]
    e = jax.nn.leaky_relu(e, negative_slope=0.2)
    # softmax over incoming edges per destination node
    e_max = jax.ops.segment_max(e, dst, num_segments=N)
    e = jnp.exp(e - e_max[dst])
    denom = jax.ops.segment_sum(e, dst, num_segments=N)
    alpha = e / (denom[dst] + 1e-16)            # [E', H]
    msg = xl[src] * alpha[:, :, None]           # [E', H, C]
    out = jax.ops.segment_sum(msg, dst, num_segments=N)  # aggr='add'
    return out.reshape(N, H * C) + bias


def setup_inputs(seed: int = 0) -> dict:
    key = jax.random.key(seed)
    ks = jax.random.split(key, 20)
    inp = {}
    inp["x"] = jax.random.normal(ks[0], (N, D), dtype=jnp.float32)
    inp["edge_index"] = jax.random.randint(ks[1], (2, E), 0, N, dtype=jnp.int32)
    inp["batch"] = jnp.sort(jax.random.randint(ks[2], (N,), 0, G, dtype=jnp.int32))
    s = 1.0 / np.sqrt(D)
    inp["W_pre"] = jax.random.normal(ks[3], (D, D), dtype=jnp.float32) * s
    inp["b_pre"] = jnp.zeros((D,), dtype=jnp.float32)
    inp["W1"] = jax.random.normal(ks[4], (D, H * C), dtype=jnp.float32) * s
    inp["att_src1"] = jax.random.normal(ks[5], (H, C), dtype=jnp.float32) * (1.0 / np.sqrt(C))
    inp["att_dst1"] = jax.random.normal(ks[6], (H, C), dtype=jnp.float32) * (1.0 / np.sqrt(C))
    inp["bias1"] = jnp.zeros((H * C,), dtype=jnp.float32)
    inp["W2"] = jax.random.normal(ks[7], (D, H * C), dtype=jnp.float32) * s
    inp["att_src2"] = jax.random.normal(ks[8], (H, C), dtype=jnp.float32) * (1.0 / np.sqrt(C))
    inp["att_dst2"] = jax.random.normal(ks[9], (H, C), dtype=jnp.float32) * (1.0 / np.sqrt(C))
    inp["bias2"] = jnp.zeros((H * C,), dtype=jnp.float32)
    inp["Wp1"] = jax.random.normal(ks[10], (D, D), dtype=jnp.float32) * s
    inp["bp1"] = jnp.zeros((D,), dtype=jnp.float32)
    inp["Wp2"] = jax.random.normal(ks[11], (D, NC), dtype=jnp.float32) * s
    inp["bp2"] = jnp.zeros((NC,), dtype=jnp.float32)
    return inp


def reference(x, edge_index, batch, W_pre, b_pre, W1, att_src1, att_dst1, bias1,
              W2, att_src2, att_dst2, bias2, Wp1, bp1, Wp2, bp2):
    src = edge_index[0]
    dst = edge_index[1]
    # PyG GATConv adds self-loops by default
    loop = jnp.arange(N, dtype=src.dtype)
    src = jnp.concatenate([src, loop])
    dst = jnp.concatenate([dst, loop])

    x = jax.nn.relu(x @ W_pre + b_pre)
    reprs = [jax.ops.segment_sum(x, batch, num_segments=G)]
    # dropout p is 0.0 / eval mode -> identity
    for (W, a_s, a_d, b) in ((W1, att_src1, att_dst1, bias1),
                             (W2, att_src2, att_dst2, bias2)):
        x = gat_conv(x, src, dst, W, a_s, a_d, b)
        x = jax.nn.relu(x)
        reprs.append(jax.ops.segment_sum(x, batch, num_segments=G))
    embed = jnp.stack(reprs, axis=-1).sum(-1)  # [G, D]
    h = jax.nn.relu(embed @ Wp1 + bp1)
    pred = h @ Wp2 + bp2
    return jax.nn.log_softmax(pred, axis=-1)

if __name__ == "__main__":
    import jax
    _d = setup_inputs()
    print(jax.jit(kernel)(*tuple(_d.values())))

</pallas_src>

<mosaic_0001>
#map = affine_map<(d0, d1) -> (0)>
module attributes {stable_mosaic.version = 14 : i64} {
  func.func @k(%arg0: i32, %arg1: i32, %arg2: memref<1310720xf32, #tpu.memory_space<hbm>>, %arg3: memref<81920xf32, #tpu.memory_space<hbm>>, %arg4: memref<332800xi32, #tpu.memory_space<hbm>>, %arg5: memref<332800xi32, #tpu.memory_space<hbm>>, %arg6: memref<32xf32, #tpu.memory_space<hbm>>, %arg7: memref<1310720xf32, #tpu.memory_space<hbm>>, %arg8: memref<81920xf32, #tpu.memory_space<hbm>>, %arg9: memref<10016xf32, #tpu.memory_space<vmem>>, %arg10: memref<10016xf32, #tpu.memory_space<vmem>>, %arg11: memref<10016xf32, #tpu.memory_space<vmem>>, %arg12: memref<10016xf32, #tpu.memory_space<vmem>>, %arg13: memref<10240xf32, #tpu.memory_space<vmem>>, %arg14: memref<10240xf32, #tpu.memory_space<vmem>>, %arg15: memref<10240xf32, #tpu.memory_space<vmem>>, %arg16: memref<10240xf32, #tpu.memory_space<vmem>>, %arg17: memref<10016xf32, #tpu.memory_space<vmem>>, %arg18: memref<10016xf32, #tpu.memory_space<vmem>>, %arg19: memref<10240xf32, #tpu.memory_space<vmem>>, %arg20: memref<3200xi32, #tpu.memory_space<vmem>>, %arg21: memref<3200xi32, #tpu.memory_space<vmem>>, %arg22: memref<3200xi32, #tpu.memory_space<vmem>>, %arg23: memref<3200xi32, #tpu.memory_space<vmem>>, %arg24: memref<16xf32, #tpu.memory_space<vmem>>, %arg25: memref<!tpu.dma_semaphore, #tpu.memory_space<semaphore_mem>>, %arg26: memref<!tpu.dma_semaphore, #tpu.memory_space<semaphore_mem>>, %arg27: memref<!tpu.dma_semaphore, #tpu.memory_space<semaphore_mem>>, %arg28: memref<!tpu.dma_semaphore, #tpu.memory_space<semaphore_mem>>) attributes {dimension_semantics = [#tpu.dimension_semantics<core_parallel>, #tpu.dimension_semantics<subcore_parallel>], iteration_bounds = array<i64: 2, 16>, scalar_prefetch = 0 : i64, scratch_operands = 20 : i64, tpu.core_type = #tpu.core_type<sc_vector_subcore>, window_params = [{transform_indices = #map}, {transform_indices = #map}, {transform_indices = #map}, {transform_indices = #map}, {transform_indices = #map}, {transform_indices = #map}, {transform_indices = #map}]} {
    %mul3A = arith.constant 64 : i32
    %mul3A_0 = arith.muli %mul3A, %arg0 : i32
    %mul3A_1 = arith.constant 4 : i32
    %mul3A_2 = arith.muli %mul3A_1, %arg1 : i32
    %add3A = arith.addi %mul3A_0, %mul3A_2 : i32
    %add3A_3 = arith.constant 0 : i32
    %add3A_4 = arith.addi %add3A, %add3A_3 : i32
    %mul3A_5 = arith.constant 10240 : i32
    %mul3A_6 = arith.muli %add3A_4, %mul3A_5 : i32
    "tpu.region"() ({
      %run_scoped3A = tpu.sem_alloc : memref<!tpu.dma_semaphore, #tpu.memory_space<semaphore_mem>>
      %dma_start3A_84 = tpu.memref_slice %arg2[%mul3A_6] : memref<1310720xf32, #tpu.memory_space<hbm>> -> memref<10016xf32, #tpu.memory_space<hbm>>
      %dma_start3A_85 = tpu.memref_slice %arg2[%mul3A_6] : memref<1310720xf32, #tpu.memory_space<hbm>> -> memref<10016xf32, #tpu.memory_space<hbm>>
      tpu.enqueue_dma source(%dma_start3A_85 : memref<10016xf32, #tpu.memory_space<hbm>>) target(%arg9 : memref<10016xf32, #tpu.memory_space<vmem>>) target_semaphore(%run_scoped3A : memref<!tpu.dma_semaphore, #tpu.memory_space<semaphore_mem>>)
      %dma_wait3A = tpu.memref_slice %arg2[%mul3A_6] : memref<1310720xf32, #tpu.memory_space<hbm>> -> memref<10016xf32, #tpu.memory_space<hbm>>
      %dma_wait3A_86 = tpu.memref_slice %arg2[%mul3A_6] : memref<1310720xf32, #tpu.memory_space<hbm>> -> memref<10016xf32, #tpu.memory_space<hbm>>
      tpu.wait_dma2 semaphore(%run_scoped3A : memref<!tpu.dma_semaphore, #tpu.memory_space<semaphore_mem>>) src(%dma_wait3A_86 : memref<10016xf32, #tpu.memory_space<hbm>>) dst(%arg9 : memref<10016xf32, #tpu.memory_space<vmem>>)
      tpu.yield
    }) : () -> ()
    %add3A_7 = arith.constant 1 : i32
    %add3A_8 = arith.addi %add3A, %add3A_7 : i32
    %mul3A_9 = arith.constant 10240 : i32
    %mul3A_10 = arith.muli %add3A_8, %mul3A_9 : i32
    "tpu.region"() ({
      %run_scoped3A = tpu.sem_alloc : memref<!tpu.dma_semaphore, #tpu.memory_space<semaphore_mem>>
      %dma_start3A_84 = tpu.memref_slice %arg2[%mul3A_10] : memref<1310720xf32, #tpu.memory_space<hbm>> -> memref<10016xf32, #tpu.memory_space<hbm>>
      %dma_start3A_85 = tpu.memref_slice %arg2[%mul3A_10] : memref<1310720xf32, #tpu.memory_space<hbm>> -> memref<10016xf32, #tpu.memory_space<hbm>>
      tpu.enqueue_dma source(%dma_start3A_85 : memref<10016xf32, #tpu.memory_space<hbm>>) target(%arg10 : memref<10016xf32, #tpu.memory_space<vmem>>) target_semaphore(%run_scoped3A : memref<!tpu.dma_semaphore, #tpu.memory_space<semaphore_mem>>)
      %dma_wait3A = tpu.memref_slice %arg2[%mul3A_10] : memref<1310720xf32, #tpu.memory_space<hbm>> -> memref<10016xf32, #tpu.memory_space<hbm>>
      %dma_wait3A_86 = tpu.memref_slice %arg2[%mul3A_10] : memref<1310720xf32, #tpu.memory_space<hbm>> -> memref<10016xf32, #tpu.memory_space<hbm>>
      tpu.wait_dma2 semaphore(%run_scoped3A : memref<!tpu.dma_semaphore, #tpu.memory_space<semaphore_mem>>) src(%dma_wait3A_86 : memref<10016xf32, #tpu.memory_space<hbm>>) dst(%arg10 : memref<10016xf32, #tpu.memory_space<vmem>>)
      tpu.yield
    }) : () -> ()
    %add3A_11 = arith.constant 2 : i32
    %add3A_12 = arith.addi %add3A, %add3A_11 : i32
    %mul3A_13 = arith.constant 10240 : i32
    %mul3A_14 = arith.muli %add3A_12, %mul3A_13 : i32
    "tpu.region"() ({
      %run_scoped3A = tpu.sem_alloc : memref<!tpu.dma_semaphore, #tpu.memory_space<semaphore_mem>>
      %dma_start3A_84 = tpu.memref_slice %arg2[%mul3A_14] : memref<1310720xf32, #tpu.memory_space<hbm>> -> memref<10016xf32, #tpu.memory_space<hbm>>
      %dma_start3A_85 = tpu.memref_slice %arg2[%mul3A_14] : memref<1310720xf32, #tpu.memory_space<hbm>> -> memref<10016xf32, #tpu.memory_space<hbm>>
      tpu.enqueue_dma source(%dma_start3A_85 : memref<10016xf32, #tpu.memory_space<hbm>>) target(%arg11 : memref<10016xf32, #tpu.memory_space<vmem>>) target_semaphore(%run_scoped3A : memref<!tpu.dma_semaphore, #tpu.memory_space<semaphore_mem>>)
      %dma_wait3A = tpu.memref_slice %arg2[%mul3A_14] : memref<1310720xf32, #tpu.memory_space<hbm>> -> memref<10016xf32, #tpu.memory_space<hbm>>
      %dma_wait3A_86 = tpu.memref_slice %arg2[%mul3A_14] : memref<1310720xf32, #tpu.memory_space<hbm>> -> memref<10016xf32, #tpu.memory_space<hbm>>
      tpu.wait_dma2 semaphore(%run_scoped3A : memref<!tpu.dma_semaphore, #tpu.memory_space<semaphore_mem>>) src(%dma_wait3A_86 : memref<10016xf32, #tpu.memory_space<hbm>>) dst(%arg11 : memref<10016xf32, #tpu.memory_space<vmem>>)
      tpu.yield
    }) : () -> ()
    %add3A_15 = arith.constant 3 : i32
    %add3A_16 = arith.addi %add3A, %add3A_15 : i32
    %mul3A_17 = arith.constant 10240 : i32
    %mul3A_18 = arith.muli %add3A_16, %mul3A_17 : i32
    "tpu.region"() ({
      %run_scoped3A = tpu.sem_alloc : memref<!tpu.dma_semaphore, #tpu.memory_space<semaphore_mem>>
      %dma_start3A_84 = tpu.memref_slice %arg2[%mul3A_18] : memref<1310720xf32, #tpu.memory_space<hbm>> -> memref<10016xf32, #tpu.memory_space<hbm>>
      %dma_start3A_85 = tpu.memref_slice %arg2[%mul3A_18] : memref<1310720xf32, #tpu.memory_space<hbm>> -> memref<10016xf32, #tpu.memory_space<hbm>>
      tpu.enqueue_dma source(%dma_start3A_85 : memref<10016xf32, #tpu.memory_space<hbm>>) target(%arg12 : memref<10016xf32, #tpu.memory_space<vmem>>) target_semaphore(%run_scoped3A : memref<!tpu.dma_semaphore, #tpu.memory_space<semaphore_mem>>)
      %dma_wait3A = tpu.memref_slice %arg2[%mul3A_18] : memref<1310720xf32, #tpu.memory_space<hbm>> -> memref<10016xf32, #tpu.memory_space<hbm>>
      %dma_wait3A_86 = tpu.memref_slice %arg2[%mul3A_18] : memref<1310720xf32, #tpu.memory_space<hbm>> -> memref<10016xf32, #tpu.memory_space<hbm>>
      tpu.wait_dma2 semaphore(%run_scoped3A : memref<!tpu.dma_semaphore, #tpu.memory_space<semaphore_mem>>) src(%dma_wait3A_86 : memref<10016xf32, #tpu.memory_space<hbm>>) dst(%arg12 : memref<10016xf32, #tpu.memory_space<vmem>>)
      tpu.yield
    }) : () -> ()
    %mul3A_19 = arith.constant 10240 : i32
    %mul3A_20 = arith.muli %arg0, %mul3A_19 : i32
    "tpu.region"() ({
      %run_scoped3A = tpu.sem_alloc : memref<!tpu.dma_semaphore, #tpu.memory_space<semaphore_mem>>
      %dma_start3A_84 = tpu.memref_slice %arg3[%mul3A_20] : memref<81920xf32, #tpu.memory_space<hbm>> -> memref<10016xf32, #tpu.memory_space<hbm>>
      %dma_start3A_85 = tpu.memref_slice %arg3[%mul3A_20] : memref<81920xf32, #tpu.memory_space<hbm>> -> memref<10016xf32, #tpu.memory_space<hbm>>
      tpu.enqueue_dma source(%dma_start3A_85 : memref<10016xf32, #tpu.memory_space<hbm>>) target(%arg17 : memref<10016xf32, #tpu.memory_space<vmem>>) target_semaphore(%run_scoped3A : memref<!tpu.dma_semaphore, #tpu.memory_space<semaphore_mem>>)
      %dma_wait3A = tpu.memref_slice %arg3[%mul3A_20] : memref<81920xf32, #tpu.memory_space<hbm>> -> memref<10016xf32, #tpu.memory_space<hbm>>
      %dma_wait3A_86 = tpu.memref_slice %arg3[%mul3A_20] : memref<81920xf32, #tpu.memory_space<hbm>> -> memref<10016xf32, #tpu.memory_space<hbm>>
      tpu.wait_dma2 semaphore(%run_scoped3A : memref<!tpu.dma_semaphore, #tpu.memory_space<semaphore_mem>>) src(%dma_wait3A_86 : memref<10016xf32, #tpu.memory_space<hbm>>) dst(%arg17 : memref<10016xf32, #tpu.memory_space<vmem>>)
      tpu.yield
    }) : () -> ()
    %add3A_21 = arith.constant 2 : i32
    %add3A_22 = arith.addi %add3A_21, %arg0 : i32
    %mul3A_23 = arith.constant 10240 : i32
    %mul3A_24 = arith.muli %add3A_22, %mul3A_23 : i32
    "tpu.region"() ({
      %run_scoped3A = tpu.sem_alloc : memref<!tpu.dma_semaphore, #tpu.memory_space<semaphore_mem>>
      %dma_start3A_84 = tpu.memref_slice %arg3[%mul3A_24] : memref<81920xf32, #tpu.memory_space<hbm>> -> memref<10016xf32, #tpu.memory_space<hbm>>
      %dma_start3A_85 = tpu.memref_slice %arg3[%mul3A_24] : memref<81920xf32, #tpu.memory_space<hbm>> -> memref<10016xf32, #tpu.memory_space<hbm>>
      tpu.enqueue_dma source(%dma_start3A_85 : memref<10016xf32, #tpu.memory_space<hbm>>) target(%arg18 : memref<10016xf32, #tpu.memory_space<vmem>>) target_semaphore(%run_scoped3A : memref<!tpu.dma_semaphore, #tpu.memory_space<semaphore_mem>>)
      %dma_wait3A = tpu.memref_slice %arg3[%mul3A_24] : memref<81920xf32, #tpu.memory_space<hbm>> -> memref<10016xf32, #tpu.memory_space<hbm>>
      %dma_wait3A_86 = tpu.memref_slice %arg3[%mul3A_24] : memref<81920xf32, #tpu.memory_space<hbm>> -> memref<10016xf32, #tpu.memory_space<hbm>>
      tpu.wait_dma2 semaphore(%run_scoped3A : memref<!tpu.dma_semaphore, #tpu.memory_space<semaphore_mem>>) src(%dma_wait3A_86 : memref<10016xf32, #tpu.memory_space<hbm>>) dst(%arg18 : memref<10016xf32, #tpu.memory_space<vmem>>)
      tpu.yield
    }) : () -> ()
    %mul3A_25 = arith.constant 16 : i32
    %mul3A_26 = arith.muli %arg0, %mul3A_25 : i32
    "tpu.region"() ({
      %run_scoped3A = tpu.sem_alloc : memref<!tpu.dma_semaphore, #tpu.memory_space<semaphore_mem>>
      %dma_start3A_84 = tpu.memref_slice %arg6[%mul3A_26] : memref<32xf32, #tpu.memory_space<hbm>> -> memref<16xf32, #tpu.memory_space<hbm>>
      %dma_start3A_85 = tpu.memref_slice %arg6[%mul3A_26] : memref<32xf32, #tpu.memory_space<hbm>> -> memref<16xf32, #tpu.memory_space<hbm>>
      tpu.enqueue_dma source(%dma_start3A_85 : memref<16xf32, #tpu.memory_space<hbm>>) target(%arg24 : memref<16xf32, #tpu.memory_space<vmem>>) target_semaphore(%run_scoped3A : memref<!tpu.dma_semaphore, #tpu.memory_space<semaphore_mem>>)
      %dma_wait3A = tpu.memref_slice %arg6[%mul3A_26] : memref<32xf32, #tpu.memory_space<hbm>> -> memref<16xf32, #tpu.memory_space<hbm>>
      %dma_wait3A_86 = tpu.memref_slice %arg6[%mul3A_26] : memref<32xf32, #tpu.memory_space<hbm>> -> memref<16xf32, #tpu.memory_space<hbm>>
      tpu.wait_dma2 semaphore(%run_scoped3A : memref<!tpu.dma_semaphore, #tpu.memory_space<semaphore_mem>>) src(%dma_wait3A_86 : memref<16xf32, #tpu.memory_space<hbm>>) dst(%arg24 : memref<16xf32, #tpu.memory_space<vmem>>)
      tpu.yield
    }) : () -> ()
    %scan3A = arith.constant 0 : i32
    %scan3A_27 = arith.constant 0 : i32
    %scan3A_28 = arith.constant 640 : i32
    %scan3A_29 = arith.addi %scan3A_27, %scan3A_28 : i32
    %scan3A_30 = arith.constant 1 : i32
    %scan3A_31 = scf.for %scan3A_84 = %scan3A_27 to %scan3A_29 step %scan3A_30 iter_args(%scan3A_85 = %scan3A) -> (i32)  : i32 {
      %broadcast_in_dim3A_86 = arith.constant 0.000000e+00 : f32
      %broadcast_in_dim3A_87 = vector.broadcast %broadcast_in_dim3A_86 : f32 to vector<16xf32>
      %mul3A_88 = arith.constant 16 : i32
      %mul3A_89 = arith.muli %scan3A_84, %mul3A_88 : i32
      %swap3A_90 = arith.index_cast %mul3A_89 : i32 to index
      %swap3A_91 = tpu.vector_load %arg13[%swap3A_90] {strides = array<i32>} : memref<10240xf32, #tpu.memory_space<vmem>>, vector<16xf32>,
      tpu.vector_store %arg13[%swap3A_90], %broadcast_in_dim3A_87 {strides = array<i32>} : memref<10240xf32, #tpu.memory_space<vmem>>, vector<16xf32>,
      %mul3A_92 = arith.constant 16 : i32
      %mul3A_93 = arith.muli %scan3A_84, %mul3A_92 : i32
      %swap3A_94 = arith.index_cast %mul3A_93 : i32 to index
      %swap3A_95 = tpu.vector_load %arg14[%swap3A_94] {strides = array<i32>} : memref<10240xf32, #tpu.memory_space<vmem>>, vector<16xf32>,
      tpu.vector_store %arg14[%swap3A_94], %broadcast_in_dim3A_87 {strides = array<i32>} : memref<10240xf32, #tpu.memory_space<vmem>>, vector<16xf32>,
      %mul3A_96 = arith.constant 16 : i32
      %mul3A_97 = arith.muli %scan3A_84, %mul3A_96 : i32
      %swap3A_98 = arith.index_cast %mul3A_97 : i32 to index
      %swap3A_99 = tpu.vector_load %arg15[%swap3A_98] {strides = array<i32>} : memref<10240xf32, #tpu.memory_space<vmem>>, vector<16xf32>,
      tpu.vector_store %arg15[%swap3A_98], %broadcast_in_dim3A_87 {strides = array<i32>} : memref<10240xf32, #tpu.memory_space<vmem>>, vector<16xf32>,
      %mul3A_100 = arith.constant 16 : i32
      %mul3A_101 = arith.muli %scan3A_84, %mul3A_100 : i32
      %swap3A_102 = arith.index_cast %mul3A_101 : i32 to index
      %swap3A_103 = tpu.vector_load %arg16[%swap3A_102] {strides = array<i32>} : memref<10240xf32, #tpu.memory_space<vmem>>, vector<16xf32>,
      tpu.vector_store %arg16[%swap3A_102], %broadcast_in_dim3A_87 {strides = array<i32>} : memref<10240xf32, #tpu.memory_space<vmem>>, vector<16xf32>,
      %mul3A_104 = arith.constant 16 : i32
      %mul3A_105 = arith.muli %scan3A_84, %mul3A_104 : i32
      %swap3A_106 = arith.index_cast %mul3A_105 : i32 to index
      %swap3A_107 = tpu.vector_load %arg19[%swap3A_106] {strides = array<i32>} : memref<10240xf32, #tpu.memory_space<vmem>>, vector<16xf32>,
      tpu.vector_store %arg19[%swap3A_106], %broadcast_in_dim3A_87 {strides = array<i32>} : memref<10240xf32, #tpu.memory_space<vmem>>, vector<16xf32>,
      %scan3A_108 = arith.constant 0 : i32
      scf.yield %scan3A_108 : i32
    }
    %scan3A_32 = arith.constant 640 : i32
    %get3A = arith.constant 0 : index
    %get3A_33 = tpu.vector_load %arg24[%get3A] {strides = array<i32>} : memref<16xf32, #tpu.memory_space<vmem>>, vector<16xf32>,
    %dma_start3A = arith.constant 0 : i32
    %dma_start3A_34 = tpu.memref_slice %arg4[%dma_start3A] : memref<332800xi32, #tpu.memory_space<hbm>> -> memref<3200xi32, #tpu.memory_space<hbm>>
    %dma_start3A_35 = arith.constant 0 : i32
    %dma_start3A_36 = tpu.memref_slice %arg4[%dma_start3A_35] : memref<332800xi32, #tpu.memory_space<hbm>> -> memref<3200xi32, #tpu.memory_space<hbm>>
    tpu.enqueue_dma source(%dma_start3A_36 : memref<3200xi32, #tpu.memory_space<hbm>>) target(%arg20 : memref<3200xi32, #tpu.memory_space<vmem>>) target_semaphore(%arg25 : memref<!tpu.dma_semaphore, #tpu.memory_space<semaphore_mem>>)
    %dma_start3A_37 = arith.constant 0 : i32
    %dma_start3A_38 = tpu.memref_slice %arg5[%dma_start3A_37] : memref<332800xi32, #tpu.memory_space<hbm>> -> memref<3200xi32, #tpu.memory_space<hbm>>
    %dma_start3A_39 = arith.constant 0 : i32
    %dma_start3A_40 = tpu.memref_slice %arg5[%dma_start3A_39] : memref<332800xi32, #tpu.memory_space<hbm>> -> memref<3200xi32, #tpu.memory_space<hbm>>
    tpu.enqueue_dma source(%dma_start3A_40 : memref<3200xi32, #tpu.memory_space<hbm>>) target(%arg22 : memref<3200xi32, #tpu.memory_space<vmem>>) target_semaphore(%arg27 : memref<!tpu.dma_semaphore, #tpu.memory_space<semaphore_mem>>)
    %dma_start3A_41 = arith.constant 3200 : i32
    %dma_start3A_42 = tpu.memref_slice %arg4[%dma_start3A_41] : memref<332800xi32, #tpu.memory_space<hbm>> -> memref<3200xi32, #tpu.memory_space<hbm>>
    %dma_start3A_43 = arith.constant 3200 : i32
    %dma_start3A_44 = tpu.memref_slice %arg4[%dma_start3A_43] : memref<332800xi32, #tpu.memory_space<hbm>> -> memref<3200xi32, #tpu.memory_space<hbm>>
    tpu.enqueue_dma source(%dma_start3A_44 : memref<3200xi32, #tpu.memory_space<hbm>>) target(%arg21 : memref<3200xi32, #tpu.memory_space<vmem>>) target_semaphore(%arg26 : memref<!tpu.dma_semaphore, #tpu.memory_space<semaphore_mem>>)
    %dma_start3A_45 = arith.constant 3200 : i32
    %dma_start3A_46 = tpu.memref_slice %arg5[%dma_start3A_45] : memref<332800xi32, #tpu.memory_space<hbm>> -> memref<3200xi32, #tpu.memory_space<hbm>>
    %dma_start3A_47 = arith.constant 3200 : i32
    %dma_start3A_48 = tpu.memref_slice %arg5[%dma_start3A_47] : memref<332800xi32, #tpu.memory_space<hbm>> -> memref<3200xi32, #tpu.memory_space<hbm>>
    tpu.enqueue_dma source(%dma_start3A_48 : memref<3200xi32, #tpu.memory_space<hbm>>) target(%arg23 : memref<3200xi32, #tpu.memory_space<vmem>>) target_semaphore(%arg28 : memref<!tpu.dma_semaphore, #tpu.memory_space<semaphore_mem>>)
    %scan3A_49 = arith.constant 0 : i32
    %scan3A_50 = arith.constant 0 : i32
    %scan3A_51 = arith.constant 52 : i32
    %scan3A_52 = arith.addi %scan3A_50, %scan3A_51 : i32
    %scan3A_53 = arith.constant 1 : i32
    %scan3A_54 = scf.for %scan3A_84 = %scan3A_50 to %scan3A_52 step %scan3A_53 iter_args(%scan3A_85 = %scan3A_49) -> (i32)  : i32 {
      %mul3A_86 = arith.constant 2 : i32
      %mul3A_87 = arith.muli %mul3A_86, %scan3A_84 : i32
      %add3A_88 = arith.constant 0 : i32
      %add3A_89 = arith.addi %mul3A_87, %add3A_88 : i32
      %mul3A_90 = arith.constant 3200 : i32
      %mul3A_91 = arith.muli %add3A_89, %mul3A_90 : i32
      %dma_wait3A = tpu.memref_slice %arg4[%mul3A_91] : memref<332800xi32, #tpu.memory_space<hbm>> -> memref<3200xi32, #tpu.memory_space<hbm>>
      %dma_wait3A_92 = tpu.memref_slice %arg4[%mul3A_91] : memref<332800xi32, #tpu.memory_space<hbm>> -> memref<3200xi32, #tpu.memory_space<hbm>>
      tpu.wait_dma2 semaphore(%arg25 : memref<!tpu.dma_semaphore, #tpu.memory_space<semaphore_mem>>) src(%dma_wait3A_92 : memref<3200xi32, #tpu.memory_space<hbm>>) dst(%arg20 : memref<3200xi32, #tpu.memory_space<vmem>>)
      %mul3A_93 = arith.constant 3200 : i32
      %mul3A_94 = arith.muli %add3A_89, %mul3A_93 : i32
      %dma_wait3A_95 = tpu.memref_slice %arg5[%mul3A_94] : memref<332800xi32, #tpu.memory_space<hbm>> -> memref<3200xi32, #tpu.memory_space<hbm>>
      %dma_wait3A_96 = tpu.memref_slice %arg5[%mul3A_94] : memref<332800xi32, #tpu.memory_space<hbm>> -> memref<3200xi32, #tpu.memory_space<hbm>>
      tpu.wait_dma2 semaphore(%arg27 : memref<!tpu.dma_semaphore, #tpu.memory_space<semaphore_mem>>) src(%dma_wait3A_96 : memref<3200xi32, #tpu.memory_space<hbm>>) dst(%arg22 : memref<3200xi32, #tpu.memory_space<vmem>>)
      %parallel_loop3A = arith.constant 0 : i32
      %parallel_loop3A_97 = arith.constant 200 : i32
      %parallel_loop3A_98 = arith.constant 1 : i32
      scf.for %parallel_loop3A_128 = %parallel_loop3A to %parallel_loop3A_97 step %parallel_loop3A_98  : i32 {
        %parallel_loop3A_129 = arith.constant 16 : i32
        %parallel_loop3A_130 = arith.muli %parallel_loop3A_128, %parallel_loop3A_129 : i32
        %parallel_loop3A_131 = arith.index_cast %parallel_loop3A_130 : i32 to index
        %parallel_loop3A_132 = tpu.vector_load %arg20[%parallel_loop3A_131] {strides = array<i32>} : memref<3200xi32, #tpu.memory_space<vmem>>, vector<16xi32>,
        %parallel_loop3A_133 = arith.constant 16 : i32
        %parallel_loop3A_134 = arith.muli %parallel_loop3A_128, %parallel_loop3A_133 : i32
        %parallel_loop3A_135 = arith.index_cast %parallel_loop3A_134 : i32 to index
        %parallel_loop3A_136 = tpu.vector_load %arg22[%parallel_loop3A_135] {strides = array<i32>} : memref<3200xi32, #tpu.memory_space<vmem>>, vector<16xi32>,
        %parallel_loop3A_137 = tpu.vector_load_idx %arg17[%parallel_loop3A_132] : memref<10016xf32, #tpu.memory_space<vmem>>[vector<16xi32>], vector<16xf32>,
        %parallel_loop3A_138 = tpu.vector_load_idx %arg18[%parallel_loop3A_136] : memref<10016xf32, #tpu.memory_space<vmem>>[vector<16xi32>], vector<16xf32>,
        %parallel_loop3A_139 = arith.addf %parallel_loop3A_137, %parallel_loop3A_138 : vector<16xf32>
        %parallel_loop3A_140 = arith.constant 0.000000e+00 : f32
        %parallel_loop3A_141 = vector.broadcast %parallel_loop3A_140 : f32 to vector<16xf32>
        %parallel_loop3A_142 = arith.cmpf oge, %parallel_loop3A_139, %parallel_loop3A_141 : vector<16xf32>
        %parallel_loop3A_143 = arith.constant 2.000000e-01 : f32
        %parallel_loop3A_144 = vector.broadcast %parallel_loop3A_143 : f32 to vector<16xf32>
        %parallel_loop3A_145 = arith.mulf %parallel_loop3A_139, %parallel_loop3A_144 : vector<16xf32>
        %parallel_loop3A_146 = arith.select %parallel_loop3A_142, %parallel_loop3A_139, %parallel_loop3A_145 : vector<16xi1>, vector<16xf32>
        %parallel_loop3A_147 = arith.subf %parallel_loop3A_146, %get3A_33 : vector<16xf32>
        %parallel_loop3A_148 = math.exp %parallel_loop3A_147 : vector<16xf32>
        tpu.vector_store_idx %arg19[%parallel_loop3A_136], %parallel_loop3A_148 {add = true} : memref<10240xf32, #tpu.memory_space<vmem>>[vector<16xi32>], vector<16xf32>,
        %parallel_loop3A_149 = tpu.vector_load_idx %arg9[%parallel_loop3A_132] : memref<10016xf32, #tpu.memory_space<vmem>>[vector<16xi32>], vector<16xf32>,
        %parallel_loop3A_150 = arith.mulf %parallel_loop3A_149, %parallel_loop3A_148 : vector<16xf32>
        tpu.vector_store_idx %arg13[%parallel_loop3A_136], %parallel_loop3A_150 {add = true} : memref<10240xf32, #tpu.memory_space<vmem>>[vector<16xi32>], vector<16xf32>,
        %parallel_loop3A_151 = tpu.vector_load_idx %arg10[%parallel_loop3A_132] : memref<10016xf32, #tpu.memory_space<vmem>>[vector<16xi32>], vector<16xf32>,
        %parallel_loop3A_152 = arith.mulf %parallel_loop3A_151, %parallel_loop3A_148 : vector<16xf32>
        tpu.vector_store_idx %arg14[%parallel_loop3A_136], %parallel_loop3A_152 {add = true} : memref<10240xf32, #tpu.memory_space<vmem>>[vector<16xi32>], vector<16xf32>,
        %parallel_loop3A_153 = tpu.vector_load_idx %arg11[%parallel_loop3A_132] : memref<10016xf32, #tpu.memory_space<vmem>>[vector<16xi32>], vector<16xf32>,
        %parallel_loop3A_154 = arith.mulf %parallel_loop3A_153, %parallel_loop3A_148 : vector<16xf32>
        tpu.vector_store_idx %arg15[%parallel_loop3A_136], %parallel_loop3A_154 {add = true} : memref<10240xf32, #tpu.memory_space<vmem>>[vector<16xi32>], vector<16xf32>,
        %parallel_loop3A_155 = tpu.vector_load_idx %arg12[%parallel_loop3A_132] : memref<10016xf32, #tpu.memory_space<vmem>>[vector<16xi32>], vector<16xf32>,
        %parallel_loop3A_156 = arith.mulf %parallel_loop3A_155, %parallel_loop3A_148 : vector<16xf32>
        tpu.vector_store_idx %arg16[%parallel_loop3A_136], %parallel_loop3A_156 {add = true} : memref<10240xf32, #tpu.memory_space<vmem>>[vector<16xi32>], vector<16xf32>,
      } {sc.loop_unroll_factor = 8 : i64, sc.parallel_access}
      %add3A_99 = arith.constant 2 : i32
      %add3A_100 = arith.addi %add3A_89, %add3A_99 : i32
      %lt3A = arith.constant 104 : i32
      %lt3A_101 = arith.cmpi slt, %add3A_100, %lt3A : i32
      %convert_element_type3A_102 = arith.extui %lt3A_101 : i1 to i32
      %cond3A_103 = arith.constant 0 : i32
      %cond3A_104 = arith.cmpi ne, %convert_element_type3A_102, %cond3A_103 : i32
      scf.if %cond3A_104 {
        %add3A_128 = arith.constant 2 : i32
        %add3A_129 = arith.addi %add3A_89, %add3A_128 : i32
        %mul3A_130 = arith.constant 3200 : i32
        %mul3A_131 = arith.muli %add3A_129, %mul3A_130 : i32
        %dma_start3A_132 = tpu.memref_slice %arg4[%mul3A_131] : memref<332800xi32, #tpu.memory_space<hbm>> -> memref<3200xi32, #tpu.memory_space<hbm>>
        %dma_start3A_133 = tpu.memref_slice %arg4[%mul3A_131] : memref<332800xi32, #tpu.memory_space<hbm>> -> memref<3200xi32, #tpu.memory_space<hbm>>
        tpu.enqueue_dma source(%dma_start3A_133 : memref<3200xi32, #tpu.memory_space<hbm>>) target(%arg20 : memref<3200xi32, #tpu.memory_space<vmem>>) target_semaphore(%arg25 : memref<!tpu.dma_semaphore, #tpu.memory_space<semaphore_mem>>)
        %add3A_134 = arith.constant 2 : i32
        %add3A_135 = arith.addi %add3A_89, %add3A_134 : i32
        %mul3A_136 = arith.constant 3200 : i32
        %mul3A_137 = arith.muli %add3A_135, %mul3A_136 : i32
        %dma_start3A_138 = tpu.memref_slice %arg5[%mul3A_137] : memref<332800xi32, #tpu.memory_space<hbm>> -> memref<3200xi32, #tpu.memory_space<hbm>>
        %dma_start3A_139 = tpu.memref_slice %arg5[%mul3A_137] : memref<332800xi32, #tpu.memory_space<hbm>> -> memref<3200xi32, #tpu.memory_space<hbm>>
        tpu.enqueue_dma source(%dma_start3A_139 : memref<3200xi32, #tpu.memory_space<hbm>>) target(%arg22 : memref<3200xi32, #tpu.memory_space<vmem>>) target_semaphore(%arg27 : memref<!tpu.dma_semaphore, #tpu.memory_space<semaphore_mem>>)
      } else {
      }
      %mul3A_105 = arith.constant 2 : i32
      %mul3A_106 = arith.muli %mul3A_105, %scan3A_84 : i32
      %add3A_107 = arith.constant 1 : i32
      %add3A_108 = arith.addi %mul3A_106, %add3A_107 : i32
      %mul3A_109 = arith.constant 3200 : i32
      %mul3A_110 = arith.muli %add3A_108, %mul3A_109 : i32
      %dma_wait3A_111 = tpu.memref_slice %arg4[%mul3A_110] : memref<332800xi32, #tpu.memory_space<hbm>> -> memref<3200xi32, #tpu.memory_space<hbm>>
      %dma_wait3A_112 = tpu.memref_slice %arg4[%mul3A_110] : memref<332800xi32, #tpu.memory_space<hbm>> -> memref<3200xi32, #tpu.memory_space<hbm>>
      tpu.wait_dma2 semaphore(%arg26 : memref<!tpu.dma_semaphore, #tpu.memory_space<semaphore_mem>>) src(%dma_wait3A_112 : memref<3200xi32, #tpu.memory_space<hbm>>) dst(%arg21 : memref<3200xi32, #tpu.memory_space<vmem>>)
      %mul3A_113 = arith.constant 3200 : i32
      %mul3A_114 = arith.muli %add3A_108, %mul3A_113 : i32
      %dma_wait3A_115 = tpu.memref_slice %arg5[%mul3A_114] : memref<332800xi32, #tpu.memory_space<hbm>> -> memref<3200xi32, #tpu.memory_space<hbm>>
      %dma_wait3A_116 = tpu.memref_slice %arg5[%mul3A_114] : memref<332800xi32, #tpu.memory_space<hbm>> -> memref<3200xi32, #tpu.memory_space<hbm>>
      tpu.wait_dma2 semaphore(%arg28 : memref<!tpu.dma_semaphore, #tpu.memory_space<semaphore_mem>>) src(%dma_wait3A_116 : memref<3200xi32, #tpu.memory_space<hbm>>) dst(%arg23 : memref<3200xi32, #tpu.memory_space<vmem>>)
      %parallel_loop3A_117 = arith.constant 0 : i32
      %parallel_loop3A_118 = arith.constant 200 : i32
      %parallel_loop3A_119 = arith.constant 1 : i32
      scf.for %parallel_loop3A_128 = %parallel_loop3A_117 to %parallel_loop3A_118 step %parallel_loop3A_119  : i32 {
        %parallel_loop3A_129 = arith.constant 16 : i32
        %parallel_loop3A_130 = arith.muli %parallel_loop3A_128, %parallel_loop3A_129 : i32
        %parallel_loop3A_131 = arith.index_cast %parallel_loop3A_130 : i32 to index
        %parallel_loop3A_132 = tpu.vector_load %arg21[%parallel_loop3A_131] {strides = array<i32>} : memref<3200xi32, #tpu.memory_space<vmem>>, vector<16xi32>,
        %parallel_loop3A_133 = arith.constant 16 : i32
        %parallel_loop3A_134 = arith.muli %parallel_loop3A_128, %parallel_loop3A_133 : i32
        %parallel_loop3A_135 = arith.index_cast %parallel_loop3A_134 : i32 to index
        %parallel_loop3A_136 = tpu.vector_load %arg23[%parallel_loop3A_135] {strides = array<i32>} : memref<3200xi32, #tpu.memory_space<vmem>>, vector<16xi32>,
        %parallel_loop3A_137 = tpu.vector_load_idx %arg17[%parallel_loop3A_132] : memref<10016xf32, #tpu.memory_space<vmem>>[vector<16xi32>], vector<16xf32>,
        %parallel_loop3A_138 = tpu.vector_load_idx %arg18[%parallel_loop3A_136] : memref<10016xf32, #tpu.memory_space<vmem>>[vector<16xi32>], vector<16xf32>,
        %parallel_loop3A_139 = arith.addf %parallel_loop3A_137, %parallel_loop3A_138 : vector<16xf32>
        %parallel_loop3A_140 = arith.constant 0.000000e+00 : f32
        %parallel_loop3A_141 = vector.broadcast %parallel_loop3A_140 : f32 to vector<16xf32>
        %parallel_loop3A_142 = arith.cmpf oge, %parallel_loop3A_139, %parallel_loop3A_141 : vector<16xf32>
        %parallel_loop3A_143 = arith.constant 2.000000e-01 : f32
        %parallel_loop3A_144 = vector.broadcast %parallel_loop3A_143 : f32 to vector<16xf32>
        %parallel_loop3A_145 = arith.mulf %parallel_loop3A_139, %parallel_loop3A_144 : vector<16xf32>
        %parallel_loop3A_146 = arith.select %parallel_loop3A_142, %parallel_loop3A_139, %parallel_loop3A_145 : vector<16xi1>, vector<16xf32>
        %parallel_loop3A_147 = arith.subf %parallel_loop3A_146, %get3A_33 : vector<16xf32>
        %parallel_loop3A_148 = math.exp %parallel_loop3A_147 : vector<16xf32>
        tpu.vector_store_idx %arg19[%parallel_loop3A_136], %parallel_loop3A_148 {add = true} : memref<10240xf32, #tpu.memory_space<vmem>>[vector<16xi32>], vector<16xf32>,
        %parallel_loop3A_149 = tpu.vector_load_idx %arg9[%parallel_loop3A_132] : memref<10016xf32, #tpu.memory_space<vmem>>[vector<16xi32>], vector<16xf32>,
        %parallel_loop3A_150 = arith.mulf %parallel_loop3A_149, %parallel_loop3A_148 : vector<16xf32>
        tpu.vector_store_idx %arg13[%parallel_loop3A_136], %parallel_loop3A_150 {add = true} : memref<10240xf32, #tpu.memory_space<vmem>>[vector<16xi32>], vector<16xf32>,
        %parallel_loop3A_151 = tpu.vector_load_idx %arg10[%parallel_loop3A_132] : memref<10016xf32, #tpu.memory_space<vmem>>[vector<16xi32>], vector<16xf32>,
        %parallel_loop3A_152 = arith.mulf %parallel_loop3A_151, %parallel_loop3A_148 : vector<16xf32>
        tpu.vector_store_idx %arg14[%parallel_loop3A_136], %parallel_loop3A_152 {add = true} : memref<10240xf32, #tpu.memory_space<vmem>>[vector<16xi32>], vector<16xf32>,
        %parallel_loop3A_153 = tpu.vector_load_idx %arg11[%parallel_loop3A_132] : memref<10016xf32, #tpu.memory_space<vmem>>[vector<16xi32>], vector<16xf32>,
        %parallel_loop3A_154 = arith.mulf %parallel_loop3A_153, %parallel_loop3A_148 : vector<16xf32>
        tpu.vector_store_idx %arg15[%parallel_loop3A_136], %parallel_loop3A_154 {add = true} : memref<10240xf32, #tpu.memory_space<vmem>>[vector<16xi32>], vector<16xf32>,
        %parallel_loop3A_155 = tpu.vector_load_idx %arg12[%parallel_loop3A_132] : memref<10016xf32, #tpu.memory_space<vmem>>[vector<16xi32>], vector<16xf32>,
        %parallel_loop3A_156 = arith.mulf %parallel_loop3A_155, %parallel_loop3A_148 : vector<16xf32>
        tpu.vector_store_idx %arg16[%parallel_loop3A_136], %parallel_loop3A_156 {add = true} : memref<10240xf32, #tpu.memory_space<vmem>>[vector<16xi32>], vector<16xf32>,
      } {sc.loop_unroll_factor = 8 : i64, sc.parallel_access}
      %add3A_120 = arith.constant 2 : i32
      %add3A_121 = arith.addi %add3A_108, %add3A_120 : i32
      %lt3A_122 = arith.constant 104 : i32
      %lt3A_123 = arith.cmpi slt, %add3A_121, %lt3A_122 : i32
      %convert_element_type3A_124 = arith.extui %lt3A_123 : i1 to i32
      %cond3A_125 = arith.constant 0 : i32
      %cond3A_126 = arith.cmpi ne, %convert_element_type3A_124, %cond3A_125 : i32
      scf.if %cond3A_126 {
        %add3A_128 = arith.constant 2 : i32
        %add3A_129 = arith.addi %add3A_108, %add3A_128 : i32
        %mul3A_130 = arith.constant 3200 : i32
        %mul3A_131 = arith.muli %add3A_129, %mul3A_130 : i32
        %dma_start3A_132 = tpu.memref_slice %arg4[%mul3A_131] : memref<332800xi32, #tpu.memory_space<hbm>> -> memref<3200xi32, #tpu.memory_space<hbm>>
        %dma_start3A_133 = tpu.memref_slice %arg4[%mul3A_131] : memref<332800xi32, #tpu.memory_space<hbm>> -> memref<3200xi32, #tpu.memory_space<hbm>>
        tpu.enqueue_dma source(%dma_start3A_133 : memref<3200xi32, #tpu.memory_space<hbm>>) target(%arg21 : memref<3200xi32, #tpu.memory_space<vmem>>) target_semaphore(%arg26 : memref<!tpu.dma_semaphore, #tpu.memory_space<semaphore_mem>>)
        %add3A_134 = arith.constant 2 : i32
        %add3A_135 = arith.addi %add3A_108, %add3A_134 : i32
        %mul3A_136 = arith.constant 3200 : i32
        %mul3A_137 = arith.muli %add3A_135, %mul3A_136 : i32
        %dma_start3A_138 = tpu.memref_slice %arg5[%mul3A_137] : memref<332800xi32, #tpu.memory_space<hbm>> -> memref<3200xi32, #tpu.memory_space<hbm>>
        %dma_start3A_139 = tpu.memref_slice %arg5[%mul3A_137] : memref<332800xi32, #tpu.memory_space<hbm>> -> memref<3200xi32, #tpu.memory_space<hbm>>
        tpu.enqueue_dma source(%dma_start3A_139 : memref<3200xi32, #tpu.memory_space<hbm>>) target(%arg23 : memref<3200xi32, #tpu.memory_space<vmem>>) target_semaphore(%arg28 : memref<!tpu.dma_semaphore, #tpu.memory_space<semaphore_mem>>)
      } else {
      }
      %scan3A_127 = arith.constant 0 : i32
      scf.yield %scan3A_127 : i32
    }
    %scan3A_55 = arith.constant 52 : i32
    %broadcast_in_dim3A = arith.constant 0.000000e+00 : f32
    %broadcast_in_dim3A_56 = vector.broadcast %broadcast_in_dim3A : f32 to vector<16xf32>
    %swap3A = arith.constant 10000 : index
    %swap3A_57 = tpu.vector_load %arg13[%swap3A] {strides = array<i32>} : memref<10240xf32, #tpu.memory_space<vmem>>, vector<16xf32>,
    tpu.vector_store %arg13[%swap3A], %broadcast_in_dim3A_56 {strides = array<i32>} : memref<10240xf32, #tpu.memory_space<vmem>>, vector<16xf32>,
    %swap3A_58 = arith.constant 10000 : index
    %swap3A_59 = tpu.vector_load %arg14[%swap3A_58] {strides = array<i32>} : memref<10240xf32, #tpu.memory_space<vmem>>, vector<16xf32>,
    tpu.vector_store %arg14[%swap3A_58], %broadcast_in_dim3A_56 {strides = array<i32>} : memref<10240xf32, #tpu.memory_space<vmem>>, vector<16xf32>,
    %swap3A_60 = arith.constant 10000 : index
    %swap3A_61 = tpu.vector_load %arg15[%swap3A_60] {strides = array<i32>} : memref<10240xf32, #tpu.memory_space<vmem>>, vector<16xf32>,
    tpu.vector_store %arg15[%swap3A_60], %broadcast_in_dim3A_56 {strides = array<i32>} : memref<10240xf32, #tpu.memory_space<vmem>>, vector<16xf32>,
    %swap3A_62 = arith.constant 10000 : index
    %swap3A_63 = tpu.vector_load %arg16[%swap3A_62] {strides = array<i32>} : memref<10240xf32, #tpu.memory_space<vmem>>, vector<16xf32>,
    tpu.vector_store %arg16[%swap3A_62], %broadcast_in_dim3A_56 {strides = array<i32>} : memref<10240xf32, #tpu.memory_space<vmem>>, vector<16xf32>,
    %swap3A_64 = arith.constant 10000 : index
    %swap3A_65 = tpu.vector_load %arg19[%swap3A_64] {strides = array<i32>} : memref<10240xf32, #tpu.memory_space<vmem>>, vector<16xf32>,
    tpu.vector_store %arg19[%swap3A_64], %broadcast_in_dim3A_56 {strides = array<i32>} : memref<10240xf32, #tpu.memory_space<vmem>>, vector<16xf32>,
    %add3A_66 = arith.constant 0 : i32
    %add3A_67 = arith.addi %add3A, %add3A_66 : i32
    %mul3A_68 = arith.constant 10240 : i32
    %mul3A_69 = arith.muli %add3A_67, %mul3A_68 : i32
    "tpu.region"() ({
      %run_scoped3A = tpu.sem_alloc : memref<!tpu.dma_semaphore, #tpu.memory_space<semaphore_mem>>
      %dma_start3A_84 = tpu.memref_slice %arg7[%mul3A_69] : memref<1310720xf32, #tpu.memory_space<hbm>> -> memref<10240xf32, #tpu.memory_space<hbm>>
      %dma_start3A_85 = tpu.memref_slice %arg7[%mul3A_69] : memref<1310720xf32, #tpu.memory_space<hbm>> -> memref<10240xf32, #tpu.memory_space<hbm>>
      tpu.enqueue_dma source(%arg13 : memref<10240xf32, #tpu.memory_space<vmem>>) target(%dma_start3A_85 : memref<10240xf32, #tpu.memory_space<hbm>>) target_semaphore(%run_scoped3A : memref<!tpu.dma_semaphore, #tpu.memory_space<semaphore_mem>>)
      %dma_wait3A = tpu.memref_slice %arg7[%mul3A_69] : memref<1310720xf32, #tpu.memory_space<hbm>> -> memref<10240xf32, #tpu.memory_space<hbm>>
      %dma_wait3A_86 = tpu.memref_slice %arg7[%mul3A_69] : memref<1310720xf32, #tpu.memory_space<hbm>> -> memref<10240xf32, #tpu.memory_space<hbm>>
      tpu.wait_dma2 semaphore(%run_scoped3A : memref<!tpu.dma_semaphore, #tpu.memory_space<semaphore_mem>>) src(%arg13 : memref<10240xf32, #tpu.memory_space<vmem>>) dst(%dma_wait3A_86 : memref<10240xf32, #tpu.memory_space<hbm>>)
      tpu.yield
    }) : () -> ()
    %add3A_70 = arith.constant 1 : i32
    %add3A_71 = arith.addi %add3A, %add3A_70 : i32
    %mul3A_72 = arith.constant 10240 : i32
    %mul3A_73 = arith.muli %add3A_71, %mul3A_72 : i32
    "tpu.region"() ({
      %run_scoped3A = tpu.sem_alloc : memref<!tpu.dma_semaphore, #tpu.memory_space<semaphore_mem>>
      %dma_start3A_84 = tpu.memref_slice %arg7[%mul3A_73] : memref<1310720xf32, #tpu.memory_space<hbm>> -> memref<10240xf32, #tpu.memory_space<hbm>>
      %dma_start3A_85 = tpu.memref_slice %arg7[%mul3A_73] : memref<1310720xf32, #tpu.memory_space<hbm>> -> memref<10240xf32, #tpu.memory_space<hbm>>
      tpu.enqueue_dma source(%arg14 : memref<10240xf32, #tpu.memory_space<vmem>>) target(%dma_start3A_85 : memref<10240xf32, #tpu.memory_space<hbm>>) target_semaphore(%run_scoped3A : memref<!tpu.dma_semaphore, #tpu.memory_space<semaphore_mem>>)
      %dma_wait3A = tpu.memref_slice %arg7[%mul3A_73] : memref<1310720xf32, #tpu.memory_space<hbm>> -> memref<10240xf32, #tpu.memory_space<hbm>>
      %dma_wait3A_86 = tpu.memref_slice %arg7[%mul3A_73] : memref<1310720xf32, #tpu.memory_space<hbm>> -> memref<10240xf32, #tpu.memory_space<hbm>>
      tpu.wait_dma2 semaphore(%run_scoped3A : memref<!tpu.dma_semaphore, #tpu.memory_space<semaphore_mem>>) src(%arg14 : memref<10240xf32, #tpu.memory_space<vmem>>) dst(%dma_wait3A_86 : memref<10240xf32, #tpu.memory_space<hbm>>)
      tpu.yield
    }) : () -> ()
    %add3A_74 = arith.constant 2 : i32
    %add3A_75 = arith.addi %add3A, %add3A_74 : i32
    %mul3A_76 = arith.constant 10240 : i32
    %mul3A_77 = arith.muli %add3A_75, %mul3A_76 : i32
    "tpu.region"() ({
      %run_scoped3A = tpu.sem_alloc : memref<!tpu.dma_semaphore, #tpu.memory_space<semaphore_mem>>
      %dma_start3A_84 = tpu.memref_slice %arg7[%mul3A_77] : memref<1310720xf32, #tpu.memory_space<hbm>> -> memref<10240xf32, #tpu.memory_space<hbm>>
      %dma_start3A_85 = tpu.memref_slice %arg7[%mul3A_77] : memref<1310720xf32, #tpu.memory_space<hbm>> -> memref<10240xf32, #tpu.memory_space<hbm>>
      tpu.enqueue_dma source(%arg15 : memref<10240xf32, #tpu.memory_space<vmem>>) target(%dma_start3A_85 : memref<10240xf32, #tpu.memory_space<hbm>>) target_semaphore(%run_scoped3A : memref<!tpu.dma_semaphore, #tpu.memory_space<semaphore_mem>>)
      %dma_wait3A = tpu.memref_slice %arg7[%mul3A_77] : memref<1310720xf32, #tpu.memory_space<hbm>> -> memref<10240xf32, #tpu.memory_space<hbm>>
      %dma_wait3A_86 = tpu.memref_slice %arg7[%mul3A_77] : memref<1310720xf32, #tpu.memory_space<hbm>> -> memref<10240xf32, #tpu.memory_space<hbm>>
      tpu.wait_dma2 semaphore(%run_scoped3A : memref<!tpu.dma_semaphore, #tpu.memory_space<semaphore_mem>>) src(%arg15 : memref<10240xf32, #tpu.memory_space<vmem>>) dst(%dma_wait3A_86 : memref<10240xf32, #tpu.memory_space<hbm>>)
      tpu.yield
    }) : () -> ()
    %add3A_78 = arith.constant 3 : i32
    %add3A_79 = arith.addi %add3A, %add3A_78 : i32
    %mul3A_80 = arith.constant 10240 : i32
    %mul3A_81 = arith.muli %add3A_79, %mul3A_80 : i32
    "tpu.region"() ({
      %run_scoped3A = tpu.sem_alloc : memref<!tpu.dma_semaphore, #tpu.memory_space<semaphore_mem>>
      %dma_start3A_84 = tpu.memref_slice %arg7[%mul3A_81] : memref<1310720xf32, #tpu.memory_space<hbm>> -> memref<10240xf32, #tpu.memory_space<hbm>>
      %dma_start3A_85 = tpu.memref_slice %arg7[%mul3A_81] : memref<1310720xf32, #tpu.memory_space<hbm>> -> memref<10240xf32, #tpu.memory_space<hbm>>
      tpu.enqueue_dma source(%arg16 : memref<10240xf32, #tpu.memory_space<vmem>>) target(%dma_start3A_85 : memref<10240xf32, #tpu.memory_space<hbm>>) target_semaphore(%run_scoped3A : memref<!tpu.dma_semaphore, #tpu.memory_space<semaphore_mem>>)
      %dma_wait3A = tpu.memref_slice %arg7[%mul3A_81] : memref<1310720xf32, #tpu.memory_space<hbm>> -> memref<10240xf32, #tpu.memory_space<hbm>>
      %dma_wait3A_86 = tpu.memref_slice %arg7[%mul3A_81] : memref<1310720xf32, #tpu.memory_space<hbm>> -> memref<10240xf32, #tpu.memory_space<hbm>>
      tpu.wait_dma2 semaphore(%run_scoped3A : memref<!tpu.dma_semaphore, #tpu.memory_space<semaphore_mem>>) src(%arg16 : memref<10240xf32, #tpu.memory_space<vmem>>) dst(%dma_wait3A_86 : memref<10240xf32, #tpu.memory_space<hbm>>)
      tpu.yield
    }) : () -> ()
    %eq3A = arith.constant 0 : i32
    %eq3A_82 = arith.cmpi eq, %arg1, %eq3A : i32
    %convert_element_type3A = arith.extui %eq3A_82 : i1 to i32
    %cond3A = arith.constant 0 : i32
    %cond3A_83 = arith.cmpi ne, %convert_element_type3A, %cond3A : i32
    scf.if %cond3A_83 {
      %mul3A_84 = arith.constant 10240 : i32
      %mul3A_85 = arith.muli %arg0, %mul3A_84 : i32
      "tpu.region"() ({
        %run_scoped3A = tpu.sem_alloc : memref<!tpu.dma_semaphore, #tpu.memory_space<semaphore_mem>>
        %dma_start3A_86 = tpu.memref_slice %arg8[%mul3A_85] : memref<81920xf32, #tpu.memory_space<hbm>> -> memref<10240xf32, #tpu.memory_space<hbm>>
        %dma_start3A_87 = tpu.memref_slice %arg8[%mul3A_85] : memref<81920xf32, #tpu.memory_space<hbm>> -> memref<10240xf32, #tpu.memory_space<hbm>>
        tpu.enqueue_dma source(%arg19 : memref<10240xf32, #tpu.memory_space<vmem>>) target(%dma_start3A_87 : memref<10240xf32, #tpu.memory_space<hbm>>) target_semaphore(%run_scoped3A : memref<!tpu.dma_semaphore, #tpu.memory_space<semaphore_mem>>)
        %dma_wait3A = tpu.memref_slice %arg8[%mul3A_85] : memref<81920xf32, #tpu.memory_space<hbm>> -> memref<10240xf32, #tpu.memory_space<hbm>>
        %dma_wait3A_88 = tpu.memref_slice %arg8[%mul3A_85] : memref<81920xf32, #tpu.memory_space<hbm>> -> memref<10240xf32, #tpu.memory_space<hbm>>
        tpu.wait_dma2 semaphore(%run_scoped3A : memref<!tpu.dma_semaphore, #tpu.memory_space<semaphore_mem>>) src(%arg19 : memref<10240xf32, #tpu.memory_space<vmem>>) dst(%dma_wait3A_88 : memref<10240xf32, #tpu.memory_space<hbm>>)
        tpu.yield
      }) : () -> ()
    } else {
    }
    return
  }
}

#map = affine_map<(d0, d1) -> (0)>
module attributes {stable_mosaic.version = 14 : i64} {
  func.func @k(%arg0: i32, %arg1: i32, %arg2: memref<1310720xf32, #tpu.memory_space<hbm>>, %arg3: memref<81920xf32, #tpu.memory_space<hbm>>, %arg4: memref<332800xi32, #tpu.memory_space<hbm>>, %arg5: memref<332800xi32, #tpu.memory_space<hbm>>, %arg6: memref<32xf32, #tpu.memory_space<hbm>>, %arg7: memref<1310720xf32, #tpu.memory_space<hbm>>, %arg8: memref<81920xf32, #tpu.memory_space<hbm>>, %arg9: memref<10016xf32, #tpu.memory_space<vmem>>, %arg10: memref<10016xf32, #tpu.memory_space<vmem>>, %arg11: memref<10016xf32, #tpu.memory_space<vmem>>, %arg12: memref<10016xf32, #tpu.memory_space<vmem>>, %arg13: memref<10240xf32, #tpu.memory_space<vmem>>, %arg14: memref<10240xf32, #tpu.memory_space<vmem>>, %arg15: memref<10240xf32, #tpu.memory_space<vmem>>, %arg16: memref<10240xf32, #tpu.memory_space<vmem>>, %arg17: memref<10016xf32, #tpu.memory_space<vmem>>, %arg18: memref<10016xf32, #tpu.memory_space<vmem>>, %arg19: memref<10240xf32, #tpu.memory_space<vmem>>, %arg20: memref<3200xi32, #tpu.memory_space<vmem>>, %arg21: memref<3200xi32, #tpu.memory_space<vmem>>, %arg22: memref<3200xi32, #tpu.memory_space<vmem>>, %arg23: memref<3200xi32, #tpu.memory_space<vmem>>, %arg24: memref<16xf32, #tpu.memory_space<vmem>>, %arg25: memref<!tpu.dma_semaphore, #tpu.memory_space<semaphore_mem>>, %arg26: memref<!tpu.dma_semaphore, #tpu.memory_space<semaphore_mem>>, %arg27: memref<!tpu.dma_semaphore, #tpu.memory_space<semaphore_mem>>, %arg28: memref<!tpu.dma_semaphore, #tpu.memory_space<semaphore_mem>>) attributes {dimension_semantics = [#tpu.dimension_semantics<core_parallel>, #tpu.dimension_semantics<subcore_parallel>], iteration_bounds = array<i64: 2, 16>, scalar_prefetch = 0 : i64, scratch_operands = 20 : i64, tpu.core_type = #tpu.core_type<sc_vector_subcore>, window_params = [{transform_indices = #map}, {transform_indices = #map}, {transform_indices = #map}, {transform_indices = #map}, {transform_indices = #map}, {transform_indices = #map}, {transform_indices = #map}]} {
    %mul3A = arith.constant 64 : i32
    %mul3A_0 = arith.muli %mul3A, %arg0 : i32
    %mul3A_1 = arith.constant 4 : i32
    %mul3A_2 = arith.muli %mul3A_1, %arg1 : i32
    %add3A = arith.addi %mul3A_0, %mul3A_2 : i32
    %add3A_3 = arith.constant 0 : i32
    %add3A_4 = arith.addi %add3A, %add3A_3 : i32
    %mul3A_5 = arith.constant 10240 : i32
    %mul3A_6 = arith.muli %add3A_4, %mul3A_5 : i32
    "tpu.region"() ({
      %run_scoped3A = tpu.sem_alloc : memref<!tpu.dma_semaphore, #tpu.memory_space<semaphore_mem>>
      %dma_start3A_84 = tpu.memref_slice %arg2[%mul3A_6] : memref<1310720xf32, #tpu.memory_space<hbm>> -> memref<10016xf32, #tpu.memory_space<hbm>>
      %dma_start3A_85 = tpu.memref_slice %arg2[%mul3A_6] : memref<1310720xf32, #tpu.memory_space<hbm>> -> memref<10016xf32, #tpu.memory_space<hbm>>
      tpu.enqueue_dma source(%dma_start3A_85 : memref<10016xf32, #tpu.memory_space<hbm>>) target(%arg9 : memref<10016xf32, #tpu.memory_space<vmem>>) target_semaphore(%run_scoped3A : memref<!tpu.dma_semaphore, #tpu.memory_space<semaphore_mem>>)
      %dma_wait3A = tpu.memref_slice %arg2[%mul3A_6] : memref<1310720xf32, #tpu.memory_space<hbm>> -> memref<10016xf32, #tpu.memory_space<hbm>>
      %dma_wait3A_86 = tpu.memref_slice %arg2[%mul3A_6] : memref<1310720xf32, #tpu.memory_space<hbm>> -> memref<10016xf32, #tpu.memory_space<hbm>>
      tpu.wait_dma2 semaphore(%run_scoped3A : memref<!tpu.dma_semaphore, #tpu.memory_space<semaphore_mem>>) src(%dma_wait3A_86 : memref<10016xf32, #tpu.memory_space<hbm>>) dst(%arg9 : memref<10016xf32, #tpu.memory_space<vmem>>)
      tpu.yield
    }) : () -> ()
    %add3A_7 = arith.constant 1 : i32
    %add3A_8 = arith.addi %add3A, %add3A_7 : i32
    %mul3A_9 = arith.constant 10240 : i32
    %mul3A_10 = arith.muli %add3A_8, %mul3A_9 : i32
    "tpu.region"() ({
      %run_scoped3A = tpu.sem_alloc : memref<!tpu.dma_semaphore, #tpu.memory_space<semaphore_mem>>
      %dma_start3A_84 = tpu.memref_slice %arg2[%mul3A_10] : memref<1310720xf32, #tpu.memory_space<hbm>> -> memref<10016xf32, #tpu.memory_space<hbm>>
      %dma_start3A_85 = tpu.memref_slice %arg2[%mul3A_10] : memref<1310720xf32, #tpu.memory_space<hbm>> -> memref<10016xf32, #tpu.memory_space<hbm>>
      tpu.enqueue_dma source(%dma_start3A_85 : memref<10016xf32, #tpu.memory_space<hbm>>) target(%arg10 : memref<10016xf32, #tpu.memory_space<vmem>>) target_semaphore(%run_scoped3A : memref<!tpu.dma_semaphore, #tpu.memory_space<semaphore_mem>>)
      %dma_wait3A = tpu.memref_slice %arg2[%mul3A_10] : memref<1310720xf32, #tpu.memory_space<hbm>> -> memref<10016xf32, #tpu.memory_space<hbm>>
      %dma_wait3A_86 = tpu.memref_slice %arg2[%mul3A_10] : memref<1310720xf32, #tpu.memory_space<hbm>> -> memref<10016xf32, #tpu.memory_space<hbm>>
      tpu.wait_dma2 semaphore(%run_scoped3A : memref<!tpu.dma_semaphore, #tpu.memory_space<semaphore_mem>>) src(%dma_wait3A_86 : memref<10016xf32, #tpu.memory_space<hbm>>) dst(%arg10 : memref<10016xf32, #tpu.memory_space<vmem>>)
      tpu.yield
    }) : () -> ()
    %add3A_11 = arith.constant 2 : i32
    %add3A_12 = arith.addi %add3A, %add3A_11 : i32
    %mul3A_13 = arith.constant 10240 : i32
    %mul3A_14 = arith.muli %add3A_12, %mul3A_13 : i32
    "tpu.region"() ({
      %run_scoped3A = tpu.sem_alloc : memref<!tpu.dma_semaphore, #tpu.memory_space<semaphore_mem>>
      %dma_start3A_84 = tpu.memref_slice %arg2[%mul3A_14] : memref<1310720xf32, #tpu.memory_space<hbm>> -> memref<10016xf32, #tpu.memory_space<hbm>>
      %dma_start3A_85 = tpu.memref_slice %arg2[%mul3A_14] : memref<1310720xf32, #tpu.memory_space<hbm>> -> memref<10016xf32, #tpu.memory_space<hbm>>
      tpu.enqueue_dma source(%dma_start3A_85 : memref<10016xf32, #tpu.memory_space<hbm>>) target(%arg11 : memref<10016xf32, #tpu.memory_space<vmem>>) target_semaphore(%run_scoped3A : memref<!tpu.dma_semaphore, #tpu.memory_space<semaphore_mem>>)
      %dma_wait3A = tpu.memref_slice %arg2[%mul3A_14] : memref<1310720xf32, #tpu.memory_space<hbm>> -> memref<10016xf32, #tpu.memory_space<hbm>>
      %dma_wait3A_86 = tpu.memref_slice %arg2[%mul3A_14] : memref<1310720xf32, #tpu.memory_space<hbm>> -> memref<10016xf32, #tpu.memory_space<hbm>>
      tpu.wait_dma2 semaphore(%run_scoped3A : memref<!tpu.dma_semaphore, #tpu.memory_space<semaphore_mem>>) src(%dma_wait3A_86 : memref<10016xf32, #tpu.memory_space<hbm>>) dst(%arg11 : memref<10016xf32, #tpu.memory_space<vmem>>)
      tpu.yield
    }) : () -> ()
    %add3A_15 = arith.constant 3 : i32
    %add3A_16 = arith.addi %add3A, %add3A_15 : i32
    %mul3A_17 = arith.constant 10240 : i32
    %mul3A_18 = arith.muli %add3A_16, %mul3A_17 : i32
    "tpu.region"() ({
      %run_scoped3A = tpu.sem_alloc : memref<!tpu.dma_semaphore, #tpu.memory_space<semaphore_mem>>
      %dma_start3A_84 = tpu.memref_slice %arg2[%mul3A_18] : memref<1310720xf32, #tpu.memory_space<hbm>> -> memref<10016xf32, #tpu.memory_space<hbm>>
      %dma_start3A_85 = tpu.memref_slice %arg2[%mul3A_18] : memref<1310720xf32, #tpu.memory_space<hbm>> -> memref<10016xf32, #tpu.memory_space<hbm>>
      tpu.enqueue_dma source(%dma_start3A_85 : memref<10016xf32, #tpu.memory_space<hbm>>) target(%arg12 : memref<10016xf32, #tpu.memory_space<vmem>>) target_semaphore(%run_scoped3A : memref<!tpu.dma_semaphore, #tpu.memory_space<semaphore_mem>>)
      %dma_wait3A = tpu.memref_slice %arg2[%mul3A_18] : memref<1310720xf32, #tpu.memory_space<hbm>> -> memref<10016xf32, #tpu.memory_space<hbm>>
      %dma_wait3A_86 = tpu.memref_slice %arg2[%mul3A_18] : memref<1310720xf32, #tpu.memory_space<hbm>> -> memref<10016xf32, #tpu.memory_space<hbm>>
      tpu.wait_dma2 semaphore(%run_scoped3A : memref<!tpu.dma_semaphore, #tpu.memory_space<semaphore_mem>>) src(%dma_wait3A_86 : memref<10016xf32, #tpu.memory_space<hbm>>) dst(%arg12 : memref<10016xf32, #tpu.memory_space<vmem>>)
      tpu.yield
    }) : () -> ()
    %mul3A_19 = arith.constant 10240 : i32
    %mul3A_20 = arith.muli %arg0, %mul3A_19 : i32
    "tpu.region"() ({
      %run_scoped3A = tpu.sem_alloc : memref<!tpu.dma_semaphore, #tpu.memory_space<semaphore_mem>>
      %dma_start3A_84 = tpu.memref_slice %arg3[%mul3A_20] : memref<81920xf32, #tpu.memory_space<hbm>> -> memref<10016xf32, #tpu.memory_space<hbm>>
      %dma_start3A_85 = tpu.memref_slice %arg3[%mul3A_20] : memref<81920xf32, #tpu.memory_space<hbm>> -> memref<10016xf32, #tpu.memory_space<hbm>>
      tpu.enqueue_dma source(%dma_start3A_85 : memref<10016xf32, #tpu.memory_space<hbm>>) target(%arg17 : memref<10016xf32, #tpu.memory_space<vmem>>) target_semaphore(%run_scoped3A : memref<!tpu.dma_semaphore, #tpu.memory_space<semaphore_mem>>)
      %dma_wait3A = tpu.memref_slice %arg3[%mul3A_20] : memref<81920xf32, #tpu.memory_space<hbm>> -> memref<10016xf32, #tpu.memory_space<hbm>>
      %dma_wait3A_86 = tpu.memref_slice %arg3[%mul3A_20] : memref<81920xf32, #tpu.memory_space<hbm>> -> memref<10016xf32, #tpu.memory_space<hbm>>
      tpu.wait_dma2 semaphore(%run_scoped3A : memref<!tpu.dma_semaphore, #tpu.memory_space<semaphore_mem>>) src(%dma_wait3A_86 : memref<10016xf32, #tpu.memory_space<hbm>>) dst(%arg17 : memref<10016xf32, #tpu.memory_space<vmem>>)
      tpu.yield
    }) : () -> ()
    %add3A_21 = arith.constant 2 : i32
    %add3A_22 = arith.addi %add3A_21, %arg0 : i32
    %mul3A_23 = arith.constant 10240 : i32
    %mul3A_24 = arith.muli %add3A_22, %mul3A_23 : i32
    "tpu.region"() ({
      %run_scoped3A = tpu.sem_alloc : memref<!tpu.dma_semaphore, #tpu.memory_space<semaphore_mem>>
      %dma_start3A_84 = tpu.memref_slice %arg3[%mul3A_24] : memref<81920xf32, #tpu.memory_space<hbm>> -> memref<10016xf32, #tpu.memory_space<hbm>>
      %dma_start3A_85 = tpu.memref_slice %arg3[%mul3A_24] : memref<81920xf32, #tpu.memory_space<hbm>> -> memref<10016xf32, #tpu.memory_space<hbm>>
      tpu.enqueue_dma source(%dma_start3A_85 : memref<10016xf32, #tpu.memory_space<hbm>>) target(%arg18 : memref<10016xf32, #tpu.memory_space<vmem>>) target_semaphore(%run_scoped3A : memref<!tpu.dma_semaphore, #tpu.memory_space<semaphore_mem>>)
      %dma_wait3A = tpu.memref_slice %arg3[%mul3A_24] : memref<81920xf32, #tpu.memory_space<hbm>> -> memref<10016xf32, #tpu.memory_space<hbm>>
      %dma_wait3A_86 = tpu.memref_slice %arg3[%mul3A_24] : memref<81920xf32, #tpu.memory_space<hbm>> -> memref<10016xf32, #tpu.memory_space<hbm>>
      tpu.wait_dma2 semaphore(%run_scoped3A : memref<!tpu.dma_semaphore, #tpu.memory_space<semaphore_mem>>) src(%dma_wait3A_86 : memref<10016xf32, #tpu.memory_space<hbm>>) dst(%arg18 : memref<10016xf32, #tpu.memory_space<vmem>>)
      tpu.yield
    }) : () -> ()
    %mul3A_25 = arith.constant 16 : i32
    %mul3A_26 = arith.muli %arg0, %mul3A_25 : i32
    "tpu.region"() ({
      %run_scoped3A = tpu.sem_alloc : memref<!tpu.dma_semaphore, #tpu.memory_space<semaphore_mem>>
      %dma_start3A_84 = tpu.memref_slice %arg6[%mul3A_26] : memref<32xf32, #tpu.memory_space<hbm>> -> memref<16xf32, #tpu.memory_space<hbm>>
      %dma_start3A_85 = tpu.memref_slice %arg6[%mul3A_26] : memref<32xf32, #tpu.memory_space<hbm>> -> memref<16xf32, #tpu.memory_space<hbm>>
      tpu.enqueue_dma source(%dma_start3A_85 : memref<16xf32, #tpu.memory_space<hbm>>) target(%arg24 : memref<16xf32, #tpu.memory_space<vmem>>) target_semaphore(%run_scoped3A : memref<!tpu.dma_semaphore, #tpu.memory_space<semaphore_mem>>)
      %dma_wait3A = tpu.memref_slice %arg6[%mul3A_26] : memref<32xf32, #tpu.memory_space<hbm>> -> memref<16xf32, #tpu.memory_space<hbm>>
      %dma_wait3A_86 = tpu.memref_slice %arg6[%mul3A_26] : memref<32xf32, #tpu.memory_space<hbm>> -> memref<16xf32, #tpu.memory_space<hbm>>
      tpu.wait_dma2 semaphore(%run_scoped3A : memref<!tpu.dma_semaphore, #tpu.memory_space<semaphore_mem>>) src(%dma_wait3A_86 : memref<16xf32, #tpu.memory_space<hbm>>) dst(%arg24 : memref<16xf32, #tpu.memory_space<vmem>>)
      tpu.yield
    }) : () -> ()
    %scan3A = arith.constant 0 : i32
    %scan3A_27 = arith.constant 0 : i32
    %scan3A_28 = arith.constant 640 : i32
    %scan3A_29 = arith.addi %scan3A_27, %scan3A_28 : i32
    %scan3A_30 = arith.constant 1 : i32
    %scan3A_31 = scf.for %scan3A_84 = %scan3A_27 to %scan3A_29 step %scan3A_30 iter_args(%scan3A_85 = %scan3A) -> (i32)  : i32 {
      %broadcast_in_dim3A_86 = arith.constant 0.000000e+00 : f32
      %broadcast_in_dim3A_87 = vector.broadcast %broadcast_in_dim3A_86 : f32 to vector<16xf32>
      %mul3A_88 = arith.constant 16 : i32
      %mul3A_89 = arith.muli %scan3A_84, %mul3A_88 : i32
      %swap3A_90 = arith.index_cast %mul3A_89 : i32 to index
      %swap3A_91 = tpu.vector_load %arg13[%swap3A_90] {strides = array<i32>} : memref<10240xf32, #tpu.memory_space<vmem>>, vector<16xf32>,
      tpu.vector_store %arg13[%swap3A_90], %broadcast_in_dim3A_87 {strides = array<i32>} : memref<10240xf32, #tpu.memory_space<vmem>>, vector<16xf32>,
      %mul3A_92 = arith.constant 16 : i32
      %mul3A_93 = arith.muli %scan3A_84, %mul3A_92 : i32
      %swap3A_94 = arith.index_cast %mul3A_93 : i32 to index
      %swap3A_95 = tpu.vector_load %arg14[%swap3A_94] {strides = array<i32>} : memref<10240xf32, #tpu.memory_space<vmem>>, vector<16xf32>,
      tpu.vector_store %arg14[%swap3A_94], %broadcast_in_dim3A_87 {strides = array<i32>} : memref<10240xf32, #tpu.memory_space<vmem>>, vector<16xf32>,
      %mul3A_96 = arith.constant 16 : i32
      %mul3A_97 = arith.muli %scan3A_84, %mul3A_96 : i32
      %swap3A_98 = arith.index_cast %mul3A_97 : i32 to index
      %swap3A_99 = tpu.vector_load %arg15[%swap3A_98] {strides = array<i32>} : memref<10240xf32, #tpu.memory_space<vmem>>, vector<16xf32>,
      tpu.vector_store %arg15[%swap3A_98], %broadcast_in_dim3A_87 {strides = array<i32>} : memref<10240xf32, #tpu.memory_space<vmem>>, vector<16xf32>,
      %mul3A_100 = arith.constant 16 : i32
      %mul3A_101 = arith.muli %scan3A_84, %mul3A_100 : i32
      %swap3A_102 = arith.index_cast %mul3A_101 : i32 to index
      %swap3A_103 = tpu.vector_load %arg16[%swap3A_102] {strides = array<i32>} : memref<10240xf32, #tpu.memory_space<vmem>>, vector<16xf32>,
      tpu.vector_store %arg16[%swap3A_102], %broadcast_in_dim3A_87 {strides = array<i32>} : memref<10240xf32, #tpu.memory_space<vmem>>, vector<16xf32>,
      %mul3A_104 = arith.constant 16 : i32
      %mul3A_105 = arith.muli %scan3A_84, %mul3A_104 : i32
      %swap3A_106 = arith.index_cast %mul3A_105 : i32 to index
      %swap3A_107 = tpu.vector_load %arg19[%swap3A_106] {strides = array<i32>} : memref<10240xf32, #tpu.memory_space<vmem>>, vector<16xf32>,
      tpu.vector_store %arg19[%swap3A_106], %broadcast_in_dim3A_87 {strides = array<i32>} : memref<10240xf32, #tpu.memory_space<vmem>>, vector<16xf32>,
      %scan3A_108 = arith.constant 0 : i32
      scf.yield %scan3A_108 : i32
    }
    %scan3A_32 = arith.constant 640 : i32
    %get3A = arith.constant 0 : index
    %get3A_33 = tpu.vector_load %arg24[%get3A] {strides = array<i32>} : memref<16xf32, #tpu.memory_space<vmem>>, vector<16xf32>,
    %dma_start3A = arith.constant 0 : i32
    %dma_start3A_34 = tpu.memref_slice %arg4[%dma_start3A] : memref<332800xi32, #tpu.memory_space<hbm>> -> memref<3200xi32, #tpu.memory_space<hbm>>
    %dma_start3A_35 = arith.constant 0 : i32
    %dma_start3A_36 = tpu.memref_slice %arg4[%dma_start3A_35] : memref<332800xi32, #tpu.memory_space<hbm>> -> memref<3200xi32, #tpu.memory_space<hbm>>
    tpu.enqueue_dma source(%dma_start3A_36 : memref<3200xi32, #tpu.memory_space<hbm>>) target(%arg20 : memref<3200xi32, #tpu.memory_space<vmem>>) target_semaphore(%arg25 : memref<!tpu.dma_semaphore, #tpu.memory_space<semaphore_mem>>)
    %dma_start3A_37 = arith.constant 0 : i32
    %dma_start3A_38 = tpu.memref_slice %arg5[%dma_start3A_37] : memref<332800xi32, #tpu.memory_space<hbm>> -> memref<3200xi32, #tpu.memory_space<hbm>>
    %dma_start3A_39 = arith.constant 0 : i32
    %dma_start3A_40 = tpu.memref_slice %arg5[%dma_start3A_39] : memref<332800xi32, #tpu.memory_space<hbm>> -> memref<3200xi32, #tpu.memory_space<hbm>>
    tpu.enqueue_dma source(%dma_start3A_40 : memref<3200xi32, #tpu.memory_space<hbm>>) target(%arg22 : memref<3200xi32, #tpu.memory_space<vmem>>) target_semaphore(%arg27 : memref<!tpu.dma_semaphore, #tpu.memory_space<semaphore_mem>>)
    %dma_start3A_41 = arith.constant 3200 : i32
    %dma_start3A_42 = tpu.memref_slice %arg4[%dma_start3A_41] : memref<332800xi32, #tpu.memory_space<hbm>> -> memref<3200xi32, #tpu.memory_space<hbm>>
    %dma_start3A_43 = arith.constant 3200 : i32
    %dma_start3A_44 = tpu.memref_slice %arg4[%dma_start3A_43] : memref<332800xi32, #tpu.memory_space<hbm>> -> memref<3200xi32, #tpu.memory_space<hbm>>
    tpu.enqueue_dma source(%dma_start3A_44 : memref<3200xi32, #tpu.memory_space<hbm>>) target(%arg21 : memref<3200xi32, #tpu.memory_space<vmem>>) target_semaphore(%arg26 : memref<!tpu.dma_semaphore, #tpu.memory_space<semaphore_mem>>)
    %dma_start3A_45 = arith.constant 3200 : i32
    %dma_start3A_46 = tpu.memref_slice %arg5[%dma_start3A_45] : memref<332800xi32, #tpu.memory_space<hbm>> -> memref<3200xi32, #tpu.memory_space<hbm>>
    %dma_start3A_47 = arith.constant 3200 : i32
    %dma_start3A_48 = tpu.memref_slice %arg5[%dma_start3A_47] : memref<332800xi32, #tpu.memory_space<hbm>> -> memref<3200xi32, #tpu.memory_space<hbm>>
    tpu.enqueue_dma source(%dma_start3A_48 : memref<3200xi32, #tpu.memory_space<hbm>>) target(%arg23 : memref<3200xi32, #tpu.memory_space<vmem>>) target_semaphore(%arg28 : memref<!tpu.dma_semaphore, #tpu.memory_space<semaphore_mem>>)
    %scan3A_49 = arith.constant 0 : i32
    %scan3A_50 = arith.constant 0 : i32
    %scan3A_51 = arith.constant 52 : i32
    %scan3A_52 = arith.addi %scan3A_50, %scan3A_51 : i32
    %scan3A_53 = arith.constant 1 : i32
    %scan3A_54 = scf.for %scan3A_84 = %scan3A_50 to %scan3A_52 step %scan3A_53 iter_args(%scan3A_85 = %scan3A_49) -> (i32)  : i32 {
      %mul3A_86 = arith.constant 2 : i32
      %mul3A_87 = arith.muli %mul3A_86, %scan3A_84 : i32
      %add3A_88 = arith.constant 0 : i32
      %add3A_89 = arith.addi %mul3A_87, %add3A_88 : i32
      %mul3A_90 = arith.constant 3200 : i32
      %mul3A_91 = arith.muli %add3A_89, %mul3A_90 : i32
      %dma_wait3A = tpu.memref_slice %arg4[%mul3A_91] : memref<332800xi32, #tpu.memory_space<hbm>> -> memref<3200xi32, #tpu.memory_space<hbm>>
      %dma_wait3A_92 = tpu.memref_slice %arg4[%mul3A_91] : memref<332800xi32, #tpu.memory_space<hbm>> -> memref<3200xi32, #tpu.memory_space<hbm>>
      tpu.wait_dma2 semaphore(%arg25 : memref<!tpu.dma_semaphore, #tpu.memory_space<semaphore_mem>>) src(%dma_wait3A_92 : memref<3200xi32, #tpu.memory_space<hbm>>) dst(%arg20 : memref<3200xi32, #tpu.memory_space<vmem>>)
      %mul3A_93 = arith.constant 3200 : i32
      %mul3A_94 = arith.muli %add3A_89, %mul3A_93 : i32
      %dma_wait3A_95 = tpu.memref_slice %arg5[%mul3A_94] : memref<332800xi32, #tpu.memory_space<hbm>> -> memref<3200xi32, #tpu.memory_space<hbm>>
      %dma_wait3A_96 = tpu.memref_slice %arg5[%mul3A_94] : memref<332800xi32, #tpu.memory_space<hbm>> -> memref<3200xi32, #tpu.memory_space<hbm>>
      tpu.wait_dma2 semaphore(%arg27 : memref<!tpu.dma_semaphore, #tpu.memory_space<semaphore_mem>>) src(%dma_wait3A_96 : memref<3200xi32, #tpu.memory_space<hbm>>) dst(%arg22 : memref<3200xi32, #tpu.memory_space<vmem>>)
      %parallel_loop3A = arith.constant 0 : i32
      %parallel_loop3A_97 = arith.constant 200 : i32
      %parallel_loop3A_98 = arith.constant 1 : i32
      scf.for %parallel_loop3A_128 = %parallel_loop3A to %parallel_loop3A_97 step %parallel_loop3A_98  : i32 {
        %parallel_loop3A_129 = arith.constant 16 : i32
        %parallel_loop3A_130 = arith.muli %parallel_loop3A_128, %parallel_loop3A_129 : i32
        %parallel_loop3A_131 = arith.index_cast %parallel_loop3A_130 : i32 to index
        %parallel_loop3A_132 = tpu.vector_load %arg20[%parallel_loop3A_131] {strides = array<i32>} : memref<3200xi32, #tpu.memory_space<vmem>>, vector<16xi32>,
        %parallel_loop3A_133 = arith.constant 16 : i32
        %parallel_loop3A_134 = arith.muli %parallel_loop3A_128, %parallel_loop3A_133 : i32
        %parallel_loop3A_135 = arith.index_cast %parallel_loop3A_134 : i32 to index
        %parallel_loop3A_136 = tpu.vector_load %arg22[%parallel_loop3A_135] {strides = array<i32>} : memref<3200xi32, #tpu.memory_space<vmem>>, vector<16xi32>,
        %parallel_loop3A_137 = tpu.vector_load_idx %arg17[%parallel_loop3A_132] : memref<10016xf32, #tpu.memory_space<vmem>>[vector<16xi32>], vector<16xf32>,
        %parallel_loop3A_138 = tpu.vector_load_idx %arg18[%parallel_loop3A_136] : memref<10016xf32, #tpu.memory_space<vmem>>[vector<16xi32>], vector<16xf32>,
        %parallel_loop3A_139 = arith.addf %parallel_loop3A_137, %parallel_loop3A_138 : vector<16xf32>
        %parallel_loop3A_140 = arith.constant 0.000000e+00 : f32
        %parallel_loop3A_141 = vector.broadcast %parallel_loop3A_140 : f32 to vector<16xf32>
        %parallel_loop3A_142 = arith.cmpf oge, %parallel_loop3A_139, %parallel_loop3A_141 : vector<16xf32>
        %parallel_loop3A_143 = arith.constant 2.000000e-01 : f32
        %parallel_loop3A_144 = vector.broadcast %parallel_loop3A_143 : f32 to vector<16xf32>
        %parallel_loop3A_145 = arith.mulf %parallel_loop3A_139, %parallel_loop3A_144 : vector<16xf32>
        %parallel_loop3A_146 = arith.select %parallel_loop3A_142, %parallel_loop3A_139, %parallel_loop3A_145 : vector<16xi1>, vector<16xf32>
        %parallel_loop3A_147 = arith.subf %parallel_loop3A_146, %get3A_33 : vector<16xf32>
        %parallel_loop3A_148 = math.exp %parallel_loop3A_147 : vector<16xf32>
        tpu.vector_store_idx %arg19[%parallel_loop3A_136], %parallel_loop3A_148 {add = true} : memref<10240xf32, #tpu.memory_space<vmem>>[vector<16xi32>], vector<16xf32>,
        %parallel_loop3A_149 = tpu.vector_load_idx %arg9[%parallel_loop3A_132] : memref<10016xf32, #tpu.memory_space<vmem>>[vector<16xi32>], vector<16xf32>,
        %parallel_loop3A_150 = arith.mulf %parallel_loop3A_149, %parallel_loop3A_148 : vector<16xf32>
        tpu.vector_store_idx %arg13[%parallel_loop3A_136], %parallel_loop3A_150 {add = true} : memref<10240xf32, #tpu.memory_space<vmem>>[vector<16xi32>], vector<16xf32>,
        %parallel_loop3A_151 = tpu.vector_load_idx %arg10[%parallel_loop3A_132] : memref<10016xf32, #tpu.memory_space<vmem>>[vector<16xi32>], vector<16xf32>,
        %parallel_loop3A_152 = arith.mulf %parallel_loop3A_151, %parallel_loop3A_148 : vector<16xf32>
        tpu.vector_store_idx %arg14[%parallel_loop3A_136], %parallel_loop3A_152 {add = true} : memref<10240xf32, #tpu.memory_space<vmem>>[vector<16xi32>], vector<16xf32>,
        %parallel_loop3A_153 = tpu.vector_load_idx %arg11[%parallel_loop3A_132] : memref<10016xf32, #tpu.memory_space<vmem>>[vector<16xi32>], vector<16xf32>,
        %parallel_loop3A_154 = arith.mulf %parallel_loop3A_153, %parallel_loop3A_148 : vector<16xf32>
        tpu.vector_store_idx %arg15[%parallel_loop3A_136], %parallel_loop3A_154 {add = true} : memref<10240xf32, #tpu.memory_space<vmem>>[vector<16xi32>], vector<16xf32>,
        %parallel_loop3A_155 = tpu.vector_load_idx %arg12[%parallel_loop3A_132] : memref<10016xf32, #tpu.memory_space<vmem>>[vector<16xi32>], vector<16xf32>,
        %parallel_loop3A_156 = arith.mulf %parallel_loop3A_155, %parallel_loop3A_148 : vector<16xf32>
        tpu.vector_store_idx %arg16[%parallel_loop3A_136], %parallel_loop3A_156 {add = true} : memref<10240xf32, #tpu.memory_space<vmem>>[vector<16xi32>], vector<16xf32>,
      } {sc.loop_unroll_factor = 8 : i64, sc.parallel_access}
      %add3A_99 = arith.constant 2 : i32
      %add3A_100 = arith.addi %add3A_89, %add3A_99 : i32
      %lt3A = arith.constant 104 : i32
      %lt3A_101 = arith.cmpi slt, %add3A_100, %lt3A : i32
      %convert_element_type3A_102 = arith.extui %lt3A_101 : i1 to i32
      %cond3A_103 = arith.constant 0 : i32
      %cond3A_104 = arith.cmpi ne, %convert_element_type3A_102, %cond3A_103 : i32
      scf.if %cond3A_104 {
        %add3A_128 = arith.constant 2 : i32
        %add3A_129 = arith.addi %add3A_89, %add3A_128 : i32
        %mul3A_130 = arith.constant 3200 : i32
        %mul3A_131 = arith.muli %add3A_129, %mul3A_130 : i32
        %dma_start3A_132 = tpu.memref_slice %arg4[%mul3A_131] : memref<332800xi32, #tpu.memory_space<hbm>> -> memref<3200xi32, #tpu.memory_space<hbm>>
        %dma_start3A_133 = tpu.memref_slice %arg4[%mul3A_131] : memref<332800xi32, #tpu.memory_space<hbm>> -> memref<3200xi32, #tpu.memory_space<hbm>>
        tpu.enqueue_dma source(%dma_start3A_133 : memref<3200xi32, #tpu.memory_space<hbm>>) target(%arg20 : memref<3200xi32, #tpu.memory_space<vmem>>) target_semaphore(%arg25 : memref<!tpu.dma_semaphore, #tpu.memory_space<semaphore_mem>>)
        %add3A_134 = arith.constant 2 : i32
        %add3A_135 = arith.addi %add3A_89, %add3A_134 : i32
        %mul3A_136 = arith.constant 3200 : i32
        %mul3A_137 = arith.muli %add3A_135, %mul3A_136 : i32
        %dma_start3A_138 = tpu.memref_slice %arg5[%mul3A_137] : memref<332800xi32, #tpu.memory_space<hbm>> -> memref<3200xi32, #tpu.memory_space<hbm>>
        %dma_start3A_139 = tpu.memref_slice %arg5[%mul3A_137] : memref<332800xi32, #tpu.memory_space<hbm>> -> memref<3200xi32, #tpu.memory_space<hbm>>
        tpu.enqueue_dma source(%dma_start3A_139 : memref<3200xi32, #tpu.memory_space<hbm>>) target(%arg22 : memref<3200xi32, #tpu.memory_space<vmem>>) target_semaphore(%arg27 : memref<!tpu.dma_semaphore, #tpu.memory_space<semaphore_mem>>)
      } else {
      }
      %mul3A_105 = arith.constant 2 : i32
      %mul3A_106 = arith.muli %mul3A_105, %scan3A_84 : i32
      %add3A_107 = arith.constant 1 : i32
      %add3A_108 = arith.addi %mul3A_106, %add3A_107 : i32
      %mul3A_109 = arith.constant 3200 : i32
      %mul3A_110 = arith.muli %add3A_108, %mul3A_109 : i32
      %dma_wait3A_111 = tpu.memref_slice %arg4[%mul3A_110] : memref<332800xi32, #tpu.memory_space<hbm>> -> memref<3200xi32, #tpu.memory_space<hbm>>
      %dma_wait3A_112 = tpu.memref_slice %arg4[%mul3A_110] : memref<332800xi32, #tpu.memory_space<hbm>> -> memref<3200xi32, #tpu.memory_space<hbm>>
      tpu.wait_dma2 semaphore(%arg26 : memref<!tpu.dma_semaphore, #tpu.memory_space<semaphore_mem>>) src(%dma_wait3A_112 : memref<3200xi32, #tpu.memory_space<hbm>>) dst(%arg21 : memref<3200xi32, #tpu.memory_space<vmem>>)
      %mul3A_113 = arith.constant 3200 : i32
      %mul3A_114 = arith.muli %add3A_108, %mul3A_113 : i32
      %dma_wait3A_115 = tpu.memref_slice %arg5[%mul3A_114] : memref<332800xi32, #tpu.memory_space<hbm>> -> memref<3200xi32, #tpu.memory_space<hbm>>
      %dma_wait3A_116 = tpu.memref_slice %arg5[%mul3A_114] : memref<332800xi32, #tpu.memory_space<hbm>> -> memref<3200xi32, #tpu.memory_space<hbm>>
      tpu.wait_dma2 semaphore(%arg28 : memref<!tpu.dma_semaphore, #tpu.memory_space<semaphore_mem>>) src(%dma_wait3A_116 : memref<3200xi32, #tpu.memory_space<hbm>>) dst(%arg23 : memref<3200xi32, #tpu.memory_space<vmem>>)
      %parallel_loop3A_117 = arith.constant 0 : i32
      %parallel_loop3A_118 = arith.constant 200 : i32
      %parallel_loop3A_119 = arith.constant 1 : i32
      scf.for %parallel_loop3A_128 = %parallel_loop3A_117 to %parallel_loop3A_118 step %parallel_loop3A_119  : i32 {
        %parallel_loop3A_129 = arith.constant 16 : i32
        %parallel_loop3A_130 = arith.muli %parallel_loop3A_128, %parallel_loop3A_129 : i32
        %parallel_loop3A_131 = arith.index_cast %parallel_loop3A_130 : i32 to index
        %parallel_loop3A_132 = tpu.vector_load %arg21[%parallel_loop3A_131] {strides = array<i32>} : memref<3200xi32, #tpu.memory_space<vmem>>, vector<16xi32>,
        %parallel_loop3A_133 = arith.constant 16 : i32
        %parallel_loop3A_134 = arith.muli %parallel_loop3A_128, %parallel_loop3A_133 : i32
        %parallel_loop3A_135 = arith.index_cast %parallel_loop3A_134 : i32 to index
        %parallel_loop3A_136 = tpu.vector_load %arg23[%parallel_loop3A_135] {strides = array<i32>} : memref<3200xi32, #tpu.memory_space<vmem>>, vector<16xi32>,
        %parallel_loop3A_137 = tpu.vector_load_idx %arg17[%parallel_loop3A_132] : memref<10016xf32, #tpu.memory_space<vmem>>[vector<16xi32>], vector<16xf32>,
        %parallel_loop3A_138 = tpu.vector_load_idx %arg18[%parallel_loop3A_136] : memref<10016xf32, #tpu.memory_space<vmem>>[vector<16xi32>], vector<16xf32>,
        %parallel_loop3A_139 = arith.addf %parallel_loop3A_137, %parallel_loop3A_138 : vector<16xf32>
        %parallel_loop3A_140 = arith.constant 0.000000e+00 : f32
        %parallel_loop3A_141 = vector.broadcast %parallel_loop3A_140 : f32 to vector<16xf32>
        %parallel_loop3A_142 = arith.cmpf oge, %parallel_loop3A_139, %parallel_loop3A_141 : vector<16xf32>
        %parallel_loop3A_143 = arith.constant 2.000000e-01 : f32
        %parallel_loop3A_144 = vector.broadcast %parallel_loop3A_143 : f32 to vector<16xf32>
        %parallel_loop3A_145 = arith.mulf %parallel_loop3A_139, %parallel_loop3A_144 : vector<16xf32>
        %parallel_loop3A_146 = arith.select %parallel_loop3A_142, %parallel_loop3A_139, %parallel_loop3A_145 : vector<16xi1>, vector<16xf32>
        %parallel_loop3A_147 = arith.subf %parallel_loop3A_146, %get3A_33 : vector<16xf32>
        %parallel_loop3A_148 = math.exp %parallel_loop3A_147 : vector<16xf32>
        tpu.vector_store_idx %arg19[%parallel_loop3A_136], %parallel_loop3A_148 {add = true} : memref<10240xf32, #tpu.memory_space<vmem>>[vector<16xi32>], vector<16xf32>,
        %parallel_loop3A_149 = tpu.vector_load_idx %arg9[%parallel_loop3A_132] : memref<10016xf32, #tpu.memory_space<vmem>>[vector<16xi32>], vector<16xf32>,
        %parallel_loop3A_150 = arith.mulf %parallel_loop3A_149, %parallel_loop3A_148 : vector<16xf32>
        tpu.vector_store_idx %arg13[%parallel_loop3A_136], %parallel_loop3A_150 {add = true} : memref<10240xf32, #tpu.memory_space<vmem>>[vector<16xi32>], vector<16xf32>,
        %parallel_loop3A_151 = tpu.vector_load_idx %arg10[%parallel_loop3A_132] : memref<10016xf32, #tpu.memory_space<vmem>>[vector<16xi32>], vector<16xf32>,
        %parallel_loop3A_152 = arith.mulf %parallel_loop3A_151, %parallel_loop3A_148 : vector<16xf32>
        tpu.vector_store_idx %arg14[%parallel_loop3A_136], %parallel_loop3A_152 {add = true} : memref<10240xf32, #tpu.memory_space<vmem>>[vector<16xi32>], vector<16xf32>,
        %parallel_loop3A_153 = tpu.vector_load_idx %arg11[%parallel_loop3A_132] : memref<10016xf32, #tpu.memory_space<vmem>>[vector<16xi32>], vector<16xf32>,
        %parallel_loop3A_154 = arith.mulf %parallel_loop3A_153, %parallel_loop3A_148 : vector<16xf32>
        tpu.vector_store_idx %arg15[%parallel_loop3A_136], %parallel_loop3A_154 {add = true} : memref<10240xf32, #tpu.memory_space<vmem>>[vector<16xi32>], vector<16xf32>,
        %parallel_loop3A_155 = tpu.vector_load_idx %arg12[%parallel_loop3A_132] : memref<10016xf32, #tpu.memory_space<vmem>>[vector<16xi32>], vector<16xf32>,
        %parallel_loop3A_156 = arith.mulf %parallel_loop3A_155, %parallel_loop3A_148 : vector<16xf32>
        tpu.vector_store_idx %arg16[%parallel_loop3A_136], %parallel_loop3A_156 {add = true} : memref<10240xf32, #tpu.memory_space<vmem>>[vector<16xi32>], vector<16xf32>,
      } {sc.loop_unroll_factor = 8 : i64, sc.parallel_access}
      %add3A_120 = arith.constant 2 : i32
      %add3A_121 = arith.addi %add3A_108, %add3A_120 : i32
      %lt3A_122 = arith.constant 104 : i32
      %lt3A_123 = arith.cmpi slt, %add3A_121, %lt3A_122 : i32
      %convert_element_type3A_124 = arith.extui %lt3A_123 : i1 to i32
      %cond3A_125 = arith.constant 0 : i32
      %cond3A_126 = arith.cmpi ne, %convert_element_type3A_124, %cond3A_125 : i32
      scf.if %cond3A_126 {
        %add3A_128 = arith.constant 2 : i32
        %add3A_129 = arith.addi %add3A_108, %add3A_128 : i32
        %mul3A_130 = arith.constant 3200 : i32
        %mul3A_131 = arith.muli %add3A_129, %mul3A_130 : i32
        %dma_start3A_132 = tpu.memref_slice %arg4[%mul3A_131] : memref<332800xi32, #tpu.memory_space<hbm>> -> memref<3200xi32, #tpu.memory_space<hbm>>
        %dma_start3A_133 = tpu.memref_slice %arg4[%mul3A_131] : memref<332800xi32, #tpu.memory_space<hbm>> -> memref<3200xi32, #tpu.memory_space<hbm>>
        tpu.enqueue_dma source(%dma_start3A_133 : memref<3200xi32, #tpu.memory_space<hbm>>) target(%arg21 : memref<3200xi32, #tpu.memory_space<vmem>>) target_semaphore(%arg26 : memref<!tpu.dma_semaphore, #tpu.memory_space<semaphore_mem>>)
        %add3A_134 = arith.constant 2 : i32
        %add3A_135 = arith.addi %add3A_108, %add3A_134 : i32
        %mul3A_136 = arith.constant 3200 : i32
        %mul3A_137 = arith.muli %add3A_135, %mul3A_136 : i32
        %dma_start3A_138 = tpu.memref_slice %arg5[%mul3A_137] : memref<332800xi32, #tpu.memory_space<hbm>> -> memref<3200xi32, #tpu.memory_space<hbm>>
        %dma_start3A_139 = tpu.memref_slice %arg5[%mul3A_137] : memref<332800xi32, #tpu.memory_space<hbm>> -> memref<3200xi32, #tpu.memory_space<hbm>>
        tpu.enqueue_dma source(%dma_start3A_139 : memref<3200xi32, #tpu.memory_space<hbm>>) target(%arg23 : memref<3200xi32, #tpu.memory_space<vmem>>) target_semaphore(%arg28 : memref<!tpu.dma_semaphore, #tpu.memory_space<semaphore_mem>>)
      } else {
      }
      %scan3A_127 = arith.constant 0 : i32
      scf.yield %scan3A_127 : i32
    }
    %scan3A_55 = arith.constant 52 : i32
    %broadcast_in_dim3A = arith.constant 0.000000e+00 : f32
    %broadcast_in_dim3A_56 = vector.broadcast %broadcast_in_dim3A : f32 to vector<16xf32>
    %swap3A = arith.constant 10000 : index
    %swap3A_57 = tpu.vector_load %arg13[%swap3A] {strides = array<i32>} : memref<10240xf32, #tpu.memory_space<vmem>>, vector<16xf32>,
    tpu.vector_store %arg13[%swap3A], %broadcast_in_dim3A_56 {strides = array<i32>} : memref<10240xf32, #tpu.memory_space<vmem>>, vector<16xf32>,
    %swap3A_58 = arith.constant 10000 : index
    %swap3A_59 = tpu.vector_load %arg14[%swap3A_58] {strides = array<i32>} : memref<10240xf32, #tpu.memory_space<vmem>>, vector<16xf32>,
    tpu.vector_store %arg14[%swap3A_58], %broadcast_in_dim3A_56 {strides = array<i32>} : memref<10240xf32, #tpu.memory_space<vmem>>, vector<16xf32>,
    %swap3A_60 = arith.constant 10000 : index
    %swap3A_61 = tpu.vector_load %arg15[%swap3A_60] {strides = array<i32>} : memref<10240xf32, #tpu.memory_space<vmem>>, vector<16xf32>,
    tpu.vector_store %arg15[%swap3A_60], %broadcast_in_dim3A_56 {strides = array<i32>} : memref<10240xf32, #tpu.memory_space<vmem>>, vector<16xf32>,
    %swap3A_62 = arith.constant 10000 : index
    %swap3A_63 = tpu.vector_load %arg16[%swap3A_62] {strides = array<i32>} : memref<10240xf32, #tpu.memory_space<vmem>>, vector<16xf32>,
    tpu.vector_store %arg16[%swap3A_62], %broadcast_in_dim3A_56 {strides = array<i32>} : memref<10240xf32, #tpu.memory_space<vmem>>, vector<16xf32>,
    %swap3A_64 = arith.constant 10000 : index
    %swap3A_65 = tpu.vector_load %arg19[%swap3A_64] {strides = array<i32>} : memref<10240xf32, #tpu.memory_space<vmem>>, vector<16xf32>,
    tpu.vector_store %arg19[%swap3A_64], %broadcast_in_dim3A_56 {strides = array<i32>} : memref<10240xf32, #tpu.memory_space<vmem>>, vector<16xf32>,
    %add3A_66 = arith.constant 0 : i32
    %add3A_67 = arith.addi %add3A, %add3A_66 : i32
    %mul3A_68 = arith.constant 10240 : i32
    %mul3A_69 = arith.muli %add3A_67, %mul3A_68 : i32
    "tpu.region"() ({
      %run_scoped3A = tpu.sem_alloc : memref<!tpu.dma_semaphore, #tpu.memory_space<semaphore_mem>>
      %dma_start3A_84 = tpu.memref_slice %arg7[%mul3A_69] : memref<1310720xf32, #tpu.memory_space<hbm>> -> memref<10240xf32, #tpu.memory_space<hbm>>
      %dma_start3A_85 = tpu.memref_slice %arg7[%mul3A_69] : memref<1310720xf32, #tpu.memory_space<hbm>> -> memref<10240xf32, #tpu.memory_space<hbm>>
      tpu.enqueue_dma source(%arg13 : memref<10240xf32, #tpu.memory_space<vmem>>) target(%dma_start3A_85 : memref<10240xf32, #tpu.memory_space<hbm>>) target_semaphore(%run_scoped3A : memref<!tpu.dma_semaphore, #tpu.memory_space<semaphore_mem>>)
      %dma_wait3A = tpu.memref_slice %arg7[%mul3A_69] : memref<1310720xf32, #tpu.memory_space<hbm>> -> memref<10240xf32, #tpu.memory_space<hbm>>
      %dma_wait3A_86 = tpu.memref_slice %arg7[%mul3A_69] : memref<1310720xf32, #tpu.memory_space<hbm>> -> memref<10240xf32, #tpu.memory_space<hbm>>
      tpu.wait_dma2 semaphore(%run_scoped3A : memref<!tpu.dma_semaphore, #tpu.memory_space<semaphore_mem>>) src(%arg13 : memref<10240xf32, #tpu.memory_space<vmem>>) dst(%dma_wait3A_86 : memref<10240xf32, #tpu.memory_space<hbm>>)
      tpu.yield
    }) : () -> ()
    %add3A_70 = arith.constant 1 : i32
    %add3A_71 = arith.addi %add3A, %add3A_70 : i32
    %mul3A_72 = arith.constant 10240 : i32
    %mul3A_73 = arith.muli %add3A_71, %mul3A_72 : i32
    "tpu.region"() ({
      %run_scoped3A = tpu.sem_alloc : memref<!tpu.dma_semaphore, #tpu.memory_space<semaphore_mem>>
      %dma_start3A_84 = tpu.memref_slice %arg7[%mul3A_73] : memref<1310720xf32, #tpu.memory_space<hbm>> -> memref<10240xf32, #tpu.memory_space<hbm>>
      %dma_start3A_85 = tpu.memref_slice %arg7[%mul3A_73] : memref<1310720xf32, #tpu.memory_space<hbm>> -> memref<10240xf32, #tpu.memory_space<hbm>>
      tpu.enqueue_dma source(%arg14 : memref<10240xf32, #tpu.memory_space<vmem>>) target(%dma_start3A_85 : memref<10240xf32, #tpu.memory_space<hbm>>) target_semaphore(%run_scoped3A : memref<!tpu.dma_semaphore, #tpu.memory_space<semaphore_mem>>)
      %dma_wait3A = tpu.memref_slice %arg7[%mul3A_73] : memref<1310720xf32, #tpu.memory_space<hbm>> -> memref<10240xf32, #tpu.memory_space<hbm>>
      %dma_wait3A_86 = tpu.memref_slice %arg7[%mul3A_73] : memref<1310720xf32, #tpu.memory_space<hbm>> -> memref<10240xf32, #tpu.memory_space<hbm>>
      tpu.wait_dma2 semaphore(%run_scoped3A : memref<!tpu.dma_semaphore, #tpu.memory_space<semaphore_mem>>) src(%arg14 : memref<10240xf32, #tpu.memory_space<vmem>>) dst(%dma_wait3A_86 : memref<10240xf32, #tpu.memory_space<hbm>>)
      tpu.yield
    }) : () -> ()
    %add3A_74 = arith.constant 2 : i32
    %add3A_75 = arith.addi %add3A, %add3A_74 : i32
    %mul3A_76 = arith.constant 10240 : i32
    %mul3A_77 = arith.muli %add3A_75, %mul3A_76 : i32
    "tpu.region"() ({
      %run_scoped3A = tpu.sem_alloc : memref<!tpu.dma_semaphore, #tpu.memory_space<semaphore_mem>>
      %dma_start3A_84 = tpu.memref_slice %arg7[%mul3A_77] : memref<1310720xf32, #tpu.memory_space<hbm>> -> memref<10240xf32, #tpu.memory_space<hbm>>
      %dma_start3A_85 = tpu.memref_slice %arg7[%mul3A_77] : memref<1310720xf32, #tpu.memory_space<hbm>> -> memref<10240xf32, #tpu.memory_space<hbm>>
      tpu.enqueue_dma source(%arg15 : memref<10240xf32, #tpu.memory_space<vmem>>) target(%dma_start3A_85 : memref<10240xf32, #tpu.memory_space<hbm>>) target_semaphore(%run_scoped3A : memref<!tpu.dma_semaphore, #tpu.memory_space<semaphore_mem>>)
      %dma_wait3A = tpu.memref_slice %arg7[%mul3A_77] : memref<1310720xf32, #tpu.memory_space<hbm>> -> memref<10240xf32, #tpu.memory_space<hbm>>
      %dma_wait3A_86 = tpu.memref_slice %arg7[%mul3A_77] : memref<1310720xf32, #tpu.memory_space<hbm>> -> memref<10240xf32, #tpu.memory_space<hbm>>
      tpu.wait_dma2 semaphore(%run_scoped3A : memref<!tpu.dma_semaphore, #tpu.memory_space<semaphore_mem>>) src(%arg15 : memref<10240xf32, #tpu.memory_space<vmem>>) dst(%dma_wait3A_86 : memref<10240xf32, #tpu.memory_space<hbm>>)
      tpu.yield
    }) : () -> ()
    %add3A_78 = arith.constant 3 : i32
    %add3A_79 = arith.addi %add3A, %add3A_78 : i32
    %mul3A_80 = arith.constant 10240 : i32
    %mul3A_81 = arith.muli %add3A_79, %mul3A_80 : i32
    "tpu.region"() ({
      %run_scoped3A = tpu.sem_alloc : memref<!tpu.dma_semaphore, #tpu.memory_space<semaphore_mem>>
      %dma_start3A_84 = tpu.memref_slice %arg7[%mul3A_81] : memref<1310720xf32, #tpu.memory_space<hbm>> -> memref<10240xf32, #tpu.memory_space<hbm>>
      %dma_start3A_85 = tpu.memref_slice %arg7[%mul3A_81] : memref<1310720xf32, #tpu.memory_space<hbm>> -> memref<10240xf32, #tpu.memory_space<hbm>>
      tpu.enqueue_dma source(%arg16 : memref<10240xf32, #tpu.memory_space<vmem>>) target(%dma_start3A_85 : memref<10240xf32, #tpu.memory_space<hbm>>) target_semaphore(%run_scoped3A : memref<!tpu.dma_semaphore, #tpu.memory_space<semaphore_mem>>)
      %dma_wait3A = tpu.memref_slice %arg7[%mul3A_81] : memref<1310720xf32, #tpu.memory_space<hbm>> -> memref<10240xf32, #tpu.memory_space<hbm>>
      %dma_wait3A_86 = tpu.memref_slice %arg7[%mul3A_81] : memref<1310720xf32, #tpu.memory_space<hbm>> -> memref<10240xf32, #tpu.memory_space<hbm>>
      tpu.wait_dma2 semaphore(%run_scoped3A : memref<!tpu.dma_semaphore, #tpu.memory_space<semaphore_mem>>) src(%arg16 : memref<10240xf32, #tpu.memory_space<vmem>>) dst(%dma_wait3A_86 : memref<10240xf32, #tpu.memory_space<hbm>>)
      tpu.yield
    }) : () -> ()
    %eq3A = arith.constant 0 : i32
    %eq3A_82 = arith.cmpi eq, %arg1, %eq3A : i32
    %convert_element_type3A = arith.extui %eq3A_82 : i1 to i32
    %cond3A = arith.constant 0 : i32
    %cond3A_83 = arith.cmpi ne, %convert_element_type3A, %cond3A : i32
    scf.if %cond3A_83 {
      %mul3A_84 = arith.constant 10240 : i32
      %mul3A_85 = arith.muli %arg0, %mul3A_84 : i32
      "tpu.region"() ({
        %run_scoped3A = tpu.sem_alloc : memref<!tpu.dma_semaphore, #tpu.memory_space<semaphore_mem>>
        %dma_start3A_86 = tpu.memref_slice %arg8[%mul3A_85] : memref<81920xf32, #tpu.memory_space<hbm>> -> memref<10240xf32, #tpu.memory_space<hbm>>
        %dma_start3A_87 = tpu.memref_slice %arg8[%mul3A_85] : memref<81920xf32, #tpu.memory_space<hbm>> -> memref<10240xf32, #tpu.memory_space<hbm>>
        tpu.enqueue_dma source(%arg19 : memref<10240xf32, #tpu.memory_space<vmem>>) target(%dma_start3A_87 : memref<10240xf32, #tpu.memory_space<hbm>>) target_semaphore(%run_scoped3A : memref<!tpu.dma_semaphore, #tpu.memory_space<semaphore_mem>>)
        %dma_wait3A = tpu.memref_slice %arg8[%mul3A_85] : memref<81920xf32, #tpu.memory_space<hbm>> -> memref<10240xf32, #tpu.memory_space<hbm>>
        %dma_wait3A_88 = tpu.memref_slice %arg8[%mul3A_85] : memref<81920xf32, #tpu.memory_space<hbm>> -> memref<10240xf32, #tpu.memory_space<hbm>>
        tpu.wait_dma2 semaphore(%run_scoped3A : memref<!tpu.dma_semaphore, #tpu.memory_space<semaphore_mem>>) src(%arg19 : memref<10240xf32, #tpu.memory_space<vmem>>) dst(%dma_wait3A_88 : memref<10240xf32, #tpu.memory_space<hbm>>)
        tpu.yield
      }) : () -> ()
    } else {
    }
    return
  }
}

module attributes {stable_mosaic.version = 14 : i64} {
  func.func @body(%arg0: i32, %arg1: memref<128x512xf32, #tpu.memory_space<vmem>>, %arg2: memref<128x128xf32, #tpu.memory_space<vmem>>, %arg3: memref<128x128xf32, #tpu.memory_space<vmem>>, %arg4: memref<128x128xf32, #tpu.memory_space<vmem>>, %arg5: memref<8x128xf32, #tpu.memory_space<vmem>>, %arg6: memref<512x64xf32, #tpu.memory_space<vmem>>, %arg7: memref<128x512xf32, #tpu.memory_space<vmem>>, %arg8: memref<8x512xf32, #tpu.memory_space<vmem>>, %arg9: memref<64x128xf32, #tpu.memory_space<vmem>>, %arg10: memref<8x128xf32, #tpu.memory_space<vmem>>) attributes {dimension_semantics = [#tpu.dimension_semantics<arbitrary>], iteration_bounds = array<i64: 20>, scalar_prefetch = 0 : i64, scratch_operands = 0 : i64, tpu.core_type = #tpu.core_type<tc>, window_params = [{transform_indices = @transform_0, window_bounds = array<i64: 128, 512>}, {pipeline_mode = #tpu.pipeline_mode<synchronous>, transform_indices = @transform_1, window_bounds = array<i64: 128, 128>}, {pipeline_mode = #tpu.pipeline_mode<synchronous>, transform_indices = @transform_2, window_bounds = array<i64: 128, 128>}, {pipeline_mode = #tpu.pipeline_mode<synchronous>, transform_indices = @transform_3, window_bounds = array<i64: 128, 128>}, {pipeline_mode = #tpu.pipeline_mode<synchronous>, transform_indices = @transform_4, window_bounds = array<i64: 8, 128>}, {transform_indices = @transform_5, window_bounds = array<i64: 512, 64>}, {transform_indices = @transform_6, window_bounds = array<i64: 128, 512>}, {transform_indices = @transform_7, window_bounds = array<i64: 8, 512>}, {pipeline_mode = #tpu.pipeline_mode<synchronous>, transform_indices = @transform_8, window_bounds = array<i64: 64, 128>}, {pipeline_mode = #tpu.pipeline_mode<synchronous>, transform_indices = @transform_9, window_bounds = array<i64: 8, 128>}]} {
    %get3A = arith.constant 0 : index
    %get3A_0 = arith.constant 0 : index
    %get3A_1 = vector.load %arg2[%get3A, %get3A_0] : memref<128x128xf32, #tpu.memory_space<vmem>>, vector<128x128xf32>
    %get3A_2 = arith.constant 0 : index
    %get3A_3 = arith.constant 0 : index
    %get3A_4 = vector.load %arg1[%get3A_2, %get3A_3] : memref<128x512xf32, #tpu.memory_space<vmem>>, vector<128x512xf32>
    %dot_general3A = arith.constant dense<0.000000e+00> : vector<128x512xf32>
    %dot_general3A_5 = tpu.matmul %get3A_1, %get3A_4, %dot_general3A {dimension_numbers = #tpu.dot_dimension_numbers<[1], [0], [0], [1], [0, 0, 1, 1], [], []>, transpose_lhs_hint = false} : vector<128x128xf32>, vector<128x512xf32>, vector<128x512xf32> -> vector<128x512xf32>
    %get3A_6 = arith.constant 0 : index
    %get3A_7 = arith.constant 0 : index
    %get3A_8 = vector.load %arg4[%get3A_6, %get3A_7] : memref<128x128xf32, #tpu.memory_space<vmem>>, vector<128x1xf32>
    %add3A = vector.broadcast %get3A_8 : vector<128x1xf32> to vector<128x512xf32>
    %add3A_9 = arith.addf %dot_general3A_5, %add3A : vector<128x512xf32>
    %max3A = arith.constant 0.000000e+00 : f32
    %max3A_10 = vector.broadcast %max3A : f32 to vector<128x512xf32>
    %max3A_11 = arith.maximumf %add3A_9, %max3A_10 : vector<128x512xf32>
    %get3A_12 = arith.constant 0 : index
    %get3A_13 = arith.constant 0 : index
    %get3A_14 = vector.load %arg3[%get3A_12, %get3A_13] : memref<128x128xf32, #tpu.memory_space<vmem>>, vector<128x128xf32>
    %dot_general3A_15 = arith.constant dense<0.000000e+00> : vector<128x512xf32>
    %dot_general3A_16 = tpu.matmul %get3A_14, %max3A_11, %dot_general3A_15 {dimension_numbers = #tpu.dot_dimension_numbers<[1], [0], [0], [1], [0, 0, 1, 1], [], []>, transpose_lhs_hint = false} : vector<128x128xf32>, vector<128x512xf32>, vector<128x512xf32> -> vector<128x512xf32>
    %swap3A = arith.constant 0 : index
    %swap3A_17 = arith.constant 0 : index
    %swap3A_18 = vector.load %arg7[%swap3A, %swap3A_17] : memref<128x512xf32, #tpu.memory_space<vmem>>, vector<128x512xf32>
    tpu.vector_store %arg7[%swap3A, %swap3A_17], %dot_general3A_16 {strides = array<i32>} : memref<128x512xf32, #tpu.memory_space<vmem>>, vector<128x512xf32>,
    %get3A_19 = arith.constant 0 : index
    %get3A_20 = arith.constant 0 : index
    %get3A_21 = vector.load %arg5[%get3A_19, %get3A_20] : memref<8x128xf32, #tpu.memory_space<vmem>>, vector<8x128xf32>
    %dot_general3A_22 = arith.constant dense<0.000000e+00> : vector<8x512xf32>
    %dot_general3A_23 = tpu.matmul %get3A_21, %max3A_11, %dot_general3A_22 {dimension_numbers = #tpu.dot_dimension_numbers<[1], [0], [0], [1], [0, 0, 1, 1], [], []>, transpose_lhs_hint = false} : vector<8x128xf32>, vector<128x512xf32>, vector<8x512xf32> -> vector<8x512xf32>
    %swap3A_24 = arith.constant 0 : index
    %swap3A_25 = arith.constant 0 : index
    %swap3A_26 = vector.load %arg8[%swap3A_24, %swap3A_25] : memref<8x512xf32, #tpu.memory_space<vmem>>, vector<8x512xf32>
    tpu.vector_store %arg8[%swap3A_24, %swap3A_25], %dot_general3A_23 {strides = array<i32>} : memref<8x512xf32, #tpu.memory_space<vmem>>, vector<8x512xf32>,
    %eq3A = arith.constant 0 : i32
    %eq3A_27 = arith.cmpi eq, %arg0, %eq3A : i32
    %convert_element_type3A = arith.extui %eq3A_27 : i1 to i32
    %cond3A = arith.constant 0 : i32
    %cond3A_28 = arith.cmpi ne, %convert_element_type3A, %cond3A : i32
    scf.if %cond3A_28 {
      %broadcast_in_dim3A = arith.constant 0.000000e+00 : f32
      %broadcast_in_dim3A_54 = vector.broadcast %broadcast_in_dim3A : f32 to vector<64x128xf32>
      %swap3A_55 = arith.constant 0 : index
      %swap3A_56 = arith.constant 0 : index
      %swap3A_57 = vector.load %arg9[%swap3A_55, %swap3A_56] : memref<64x128xf32, #tpu.memory_space<vmem>>, vector<64x128xf32>
      tpu.vector_store %arg9[%swap3A_55, %swap3A_56], %broadcast_in_dim3A_54 {strides = array<i32>} : memref<64x128xf32, #tpu.memory_space<vmem>>, vector<64x128xf32>,
      %broadcast_in_dim3A_58 = arith.constant -1.000000e+30 : f32
      %broadcast_in_dim3A_59 = vector.broadcast %broadcast_in_dim3A_58 : f32 to vector<8x128xf32>
      %swap3A_60 = arith.constant 0 : index
      %swap3A_61 = arith.constant 0 : index
      %swap3A_62 = vector.load %arg10[%swap3A_60, %swap3A_61] : memref<8x128xf32, #tpu.memory_space<vmem>>, vector<8x128xf32>
      tpu.vector_store %arg10[%swap3A_60, %swap3A_61], %broadcast_in_dim3A_59 {strides = array<i32>} : memref<8x128xf32, #tpu.memory_space<vmem>>, vector<8x128xf32>,
    } else {
    }
    %get3A_29 = arith.constant 0 : index
    %get3A_30 = arith.constant 0 : index
    %get3A_31 = vector.load %arg9[%get3A_29, %get3A_30] : memref<64x128xf32, #tpu.memory_space<vmem>>, vector<64x128xf32>
    %get3A_32 = arith.constant 0 : index
    %get3A_33 = arith.constant 0 : index
    %get3A_34 = vector.load %arg6[%get3A_32, %get3A_33] : memref<512x64xf32, #tpu.memory_space<vmem>>, vector<512x64xf32>
    %dot_general3A_35 = arith.constant dense<0.000000e+00> : vector<64x128xf32>
    %dot_general3A_36 = tpu.matmul %get3A_34, %max3A_11, %dot_general3A_35 {dimension_numbers = #tpu.dot_dimension_numbers<[0], [1], [1], [0], [0, 1, 1, 0], [], []>, transpose_lhs_hint = false} : vector<512x64xf32>, vector<128x512xf32>, vector<64x128xf32> -> vector<64x128xf32>
    %add3A_37 = arith.addf %get3A_31, %dot_general3A_36 : vector<64x128xf32>
    %swap3A_38 = arith.constant 0 : index
    %swap3A_39 = arith.constant 0 : index
    %swap3A_40 = vector.load %arg9[%swap3A_38, %swap3A_39] : memref<64x128xf32, #tpu.memory_space<vmem>>, vector<64x128xf32>
    tpu.vector_store %arg9[%swap3A_38, %swap3A_39], %add3A_37 {strides = array<i32>} : memref<64x128xf32, #tpu.memory_space<vmem>>, vector<64x128xf32>,
    %slice3A = vector.extract_strided_slice %dot_general3A_23 {offsets = [0, 0], sizes = [8, 128], strides = [1, 1]} : vector<8x512xf32> to vector<8x128xf32>
    %slice3A_41 = vector.extract_strided_slice %dot_general3A_23 {offsets = [0, 128], sizes = [8, 128], strides = [1, 1]} : vector<8x512xf32> to vector<8x128xf32>
    %max3A_42 = arith.maximumf %slice3A, %slice3A_41 : vector<8x128xf32>
    %slice3A_43 = vector.extract_strided_slice %dot_general3A_23 {offsets = [0, 256], sizes = [8, 128], strides = [1, 1]} : vector<8x512xf32> to vector<8x128xf32>
    %slice3A_44 = vector.extract_strided_slice %dot_general3A_23 {offsets = [0, 384], sizes = [8, 128], strides = [1, 1]} : vector<8x512xf32> to vector<8x128xf32>
    %max3A_45 = arith.maximumf %slice3A_43, %slice3A_44 : vector<8x128xf32>
    %max3A_46 = arith.maximumf %max3A_42, %max3A_45 : vector<8x128xf32>
    %get3A_47 = arith.constant 0 : index
    %get3A_48 = arith.constant 0 : index
    %get3A_49 = vector.load %arg10[%get3A_47, %get3A_48] : memref<8x128xf32, #tpu.memory_space<vmem>>, vector<8x128xf32>
    %max3A_50 = arith.maximumf %get3A_49, %max3A_46 : vector<8x128xf32>
    %swap3A_51 = arith.constant 0 : index
    %swap3A_52 = arith.constant 0 : index
    %swap3A_53 = vector.load %arg10[%swap3A_51, %swap3A_52] : memref<8x128xf32, #tpu.memory_space<vmem>>, vector<8x128xf32>
    tpu.vector_store %arg10[%swap3A_51, %swap3A_52], %max3A_50 {strides = array<i32>} : memref<8x128xf32, #tpu.memory_space<vmem>>, vector<8x128xf32>,
    return
  }
  func.func @transform_0(%arg0: i32) -> (i32, i32) {
    %c0_i32 = arith.constant 0 : i32
    %c0_i32_0 = arith.constant 0 : i32
    return %c0_i32, %arg0 : i32, i32
  }
  func.func @transform_1(%arg0: i32) -> (i32, i32) {
    %c0_i32 = arith.constant 0 : i32
    %c0_i32_0 = arith.constant 0 : i32
    %c0_i32_1 = arith.constant 0 : i32
    return %c0_i32, %c0_i32_0 : i32, i32
  }
  func.func @transform_2(%arg0: i32) -> (i32, i32) {
    %c0_i32 = arith.constant 0 : i32
    %c0_i32_0 = arith.constant 0 : i32
    %c0_i32_1 = arith.constant 0 : i32
    return %c0_i32, %c0_i32_0 : i32, i32
  }
  func.func @transform_3(%arg0: i32) -> (i32, i32) {
    %c0_i32 = arith.constant 0 : i32
    %c0_i32_0 = arith.constant 0 : i32
    %c0_i32_1 = arith.constant 0 : i32
    return %c0_i32, %c0_i32_0 : i32, i32
  }
  func.func @transform_4(%arg0: i32) -> (i32, i32) {
    %c0_i32 = arith.constant 0 : i32
    %c0_i32_0 = arith.constant 0 : i32
    %c0_i32_1 = arith.constant 0 : i32
    return %c0_i32, %c0_i32_0 : i32, i32
  }
  func.func @transform_5(%arg0: i32) -> (i32, i32) {
    %c0_i32 = arith.constant 0 : i32
    %c0_i32_0 = arith.constant 0 : i32
    return %arg0, %c0_i32 : i32, i32
  }
  func.func @transform_6(%arg0: i32) -> (i32, i32) {
    %c0_i32 = arith.constant 0 : i32
    %c0_i32_0 = arith.constant 0 : i32
    return %c0_i32, %arg0 : i32, i32
  }
  func.func @transform_7(%arg0: i32) -> (i32, i32) {
    %c0_i32 = arith.constant 0 : i32
    %c0_i32_0 = arith.constant 0 : i32
    return %c0_i32, %arg0 : i32, i32
  }
  func.func @transform_8(%arg0: i32) -> (i32, i32) {
    %c0_i32 = arith.constant 0 : i32
    %c0_i32_0 = arith.constant 0 : i32
    %c0_i32_1 = arith.constant 0 : i32
    return %c0_i32, %c0_i32_0 : i32, i32
  }
  func.func @transform_9(%arg0: i32) -> (i32, i32) {
    %c0_i32 = arith.constant 0 : i32
    %c0_i32_0 = arith.constant 0 : i32
    %c0_i32_1 = arith.constant 0 : i32
    return %c0_i32, %c0_i32_0 : i32, i32
  }
}

module attributes {stable_mosaic.version = 14 : i64} {
  func.func @body(%arg0: i32, %arg1: memref<128x512xf32, #tpu.memory_space<vmem>>, %arg2: memref<8x512xf32, #tpu.memory_space<vmem>>, %arg3: memref<128x128xf32, #tpu.memory_space<vmem>>, %arg4: memref<128x128xf32, #tpu.memory_space<vmem>>, %arg5: memref<8x128xf32, #tpu.memory_space<vmem>>, %arg6: memref<512x64xf32, #tpu.memory_space<vmem>>, %arg7: memref<128x512xf32, #tpu.memory_space<vmem>>, %arg8: memref<8x512xf32, #tpu.memory_space<vmem>>, %arg9: memref<64x128xf32, #tpu.memory_space<vmem>>, %arg10: memref<8x128xf32, #tpu.memory_space<vmem>>) attributes {dimension_semantics = [#tpu.dimension_semantics<arbitrary>], iteration_bounds = array<i64: 20>, scalar_prefetch = 0 : i64, scratch_operands = 0 : i64, tpu.core_type = #tpu.core_type<tc>, window_params = [{transform_indices = @transform_0, window_bounds = array<i64: 128, 512>}, {transform_indices = @transform_1, window_bounds = array<i64: 8, 512>}, {pipeline_mode = #tpu.pipeline_mode<synchronous>, transform_indices = @transform_2, window_bounds = array<i64: 128, 128>}, {pipeline_mode = #tpu.pipeline_mode<synchronous>, transform_indices = @transform_3, window_bounds = array<i64: 128, 128>}, {pipeline_mode = #tpu.pipeline_mode<synchronous>, transform_indices = @transform_4, window_bounds = array<i64: 8, 128>}, {transform_indices = @transform_5, window_bounds = array<i64: 512, 64>}, {transform_indices = @transform_6, window_bounds = array<i64: 128, 512>}, {transform_indices = @transform_7, window_bounds = array<i64: 8, 512>}, {pipeline_mode = #tpu.pipeline_mode<synchronous>, transform_indices = @transform_8, window_bounds = array<i64: 64, 128>}, {pipeline_mode = #tpu.pipeline_mode<synchronous>, transform_indices = @transform_9, window_bounds = array<i64: 8, 128>}]} {
    %get3A = arith.constant 0 : index
    %get3A_0 = arith.constant 0 : index
    %get3A_1 = vector.load %arg1[%get3A, %get3A_0] : memref<128x512xf32, #tpu.memory_space<vmem>>, vector<128x512xf32>
    %get3A_2 = arith.constant 0 : index
    %get3A_3 = arith.constant 0 : index
    %get3A_4 = vector.load %arg2[%get3A_2, %get3A_3] : memref<8x512xf32, #tpu.memory_space<vmem>>, vector<1x512xf32>
    %add3A = arith.constant 1.000000e-16 : f32
    %add3A_5 = vector.broadcast %add3A : f32 to vector<1x512xf32>
    %add3A_6 = arith.addf %get3A_4, %add3A_5 : vector<1x512xf32>
    %get3A_7 = arith.constant 1 : index
    %get3A_8 = arith.constant 0 : index
    %get3A_9 = vector.load %arg2[%get3A_7, %get3A_8] : memref<8x512xf32, #tpu.memory_space<vmem>>, vector<1x512xf32>
    %add3A_10 = arith.constant 1.000000e-16 : f32
    %add3A_11 = vector.broadcast %add3A_10 : f32 to vector<1x512xf32>
    %add3A_12 = arith.addf %get3A_9, %add3A_11 : vector<1x512xf32>
    %slice3A = vector.extract_strided_slice %get3A_1 {offsets = [0, 0], sizes = [64, 512], strides = [1, 1]} : vector<128x512xf32> to vector<64x512xf32>
    %div3A = vector.broadcast %add3A_6 : vector<1x512xf32> to vector<64x512xf32>
    %div3A_13 = arith.divf %slice3A, %div3A : vector<64x512xf32>
    %slice3A_14 = vector.extract_strided_slice %get3A_1 {offsets = [64, 0], sizes = [64, 512], strides = [1, 1]} : vector<128x512xf32> to vector<64x512xf32>
    %div3A_15 = vector.broadcast %add3A_12 : vector<1x512xf32> to vector<64x512xf32>
    %div3A_16 = arith.divf %slice3A_14, %div3A_15 : vector<64x512xf32>
    %concatenate3A = tpu.concatenate %div3A_13, %div3A_16 in 0 : vector<64x512xf32>, vector<64x512xf32> -> vector<128x512xf32>
    %get3A_17 = arith.constant 0 : index
    %get3A_18 = arith.constant 0 : index
    %get3A_19 = vector.load %arg4[%get3A_17, %get3A_18] : memref<128x128xf32, #tpu.memory_space<vmem>>, vector<128x1xf32>
    %add3A_20 = vector.broadcast %get3A_19 : vector<128x1xf32> to vector<128x512xf32>
    %add3A_21 = arith.addf %concatenate3A, %add3A_20 : vector<128x512xf32>
    %max3A = arith.constant 0.000000e+00 : f32
    %max3A_22 = vector.broadcast %max3A : f32 to vector<128x512xf32>
    %max3A_23 = arith.maximumf %add3A_21, %max3A_22 : vector<128x512xf32>
    %get3A_24 = arith.constant 0 : index
    %get3A_25 = arith.constant 0 : index
    %get3A_26 = vector.load %arg3[%get3A_24, %get3A_25] : memref<128x128xf32, #tpu.memory_space<vmem>>, vector<128x128xf32>
    %dot_general3A = arith.constant dense<0.000000e+00> : vector<128x512xf32>
    %dot_general3A_27 = tpu.matmul %get3A_26, %max3A_23, %dot_general3A {dimension_numbers = #tpu.dot_dimension_numbers<[1], [0], [0], [1], [0, 0, 1, 1], [], []>, transpose_lhs_hint = false} : vector<128x128xf32>, vector<128x512xf32>, vector<128x512xf32> -> vector<128x512xf32>
    %swap3A = arith.constant 0 : index
    %swap3A_28 = arith.constant 0 : index
    %swap3A_29 = vector.load %arg7[%swap3A, %swap3A_28] : memref<128x512xf32, #tpu.memory_space<vmem>>, vector<128x512xf32>
    tpu.vector_store %arg7[%swap3A, %swap3A_28], %dot_general3A_27 {strides = array<i32>} : memref<128x512xf32, #tpu.memory_space<vmem>>, vector<128x512xf32>,
    %get3A_30 = arith.constant 0 : index
    %get3A_31 = arith.constant 0 : index
    %get3A_32 = vector.load %arg5[%get3A_30, %get3A_31] : memref<8x128xf32, #tpu.memory_space<vmem>>, vector<8x128xf32>
    %dot_general3A_33 = arith.constant dense<0.000000e+00> : vector<8x512xf32>
    %dot_general3A_34 = tpu.matmul %get3A_32, %max3A_23, %dot_general3A_33 {dimension_numbers = #tpu.dot_dimension_numbers<[1], [0], [0], [1], [0, 0, 1, 1], [], []>, transpose_lhs_hint = false} : vector<8x128xf32>, vector<128x512xf32>, vector<8x512xf32> -> vector<8x512xf32>
    %swap3A_35 = arith.constant 0 : index
    %swap3A_36 = arith.constant 0 : index
    %swap3A_37 = vector.load %arg8[%swap3A_35, %swap3A_36] : memref<8x512xf32, #tpu.memory_space<vmem>>, vector<8x512xf32>
    tpu.vector_store %arg8[%swap3A_35, %swap3A_36], %dot_general3A_34 {strides = array<i32>} : memref<8x512xf32, #tpu.memory_space<vmem>>, vector<8x512xf32>,
    %eq3A = arith.constant 0 : i32
    %eq3A_38 = arith.cmpi eq, %arg0, %eq3A : i32
    %convert_element_type3A = arith.extui %eq3A_38 : i1 to i32
    %cond3A = arith.constant 0 : i32
    %cond3A_39 = arith.cmpi ne, %convert_element_type3A, %cond3A : i32
    scf.if %cond3A_39 {
      %broadcast_in_dim3A = arith.constant 0.000000e+00 : f32
      %broadcast_in_dim3A_66 = vector.broadcast %broadcast_in_dim3A : f32 to vector<64x128xf32>
      %swap3A_67 = arith.constant 0 : index
      %swap3A_68 = arith.constant 0 : index
      %swap3A_69 = vector.load %arg9[%swap3A_67, %swap3A_68] : memref<64x128xf32, #tpu.memory_space<vmem>>, vector<64x128xf32>
      tpu.vector_store %arg9[%swap3A_67, %swap3A_68], %broadcast_in_dim3A_66 {strides = array<i32>} : memref<64x128xf32, #tpu.memory_space<vmem>>, vector<64x128xf32>,
      %broadcast_in_dim3A_70 = arith.constant -1.000000e+30 : f32
      %broadcast_in_dim3A_71 = vector.broadcast %broadcast_in_dim3A_70 : f32 to vector<8x128xf32>
      %swap3A_72 = arith.constant 0 : index
      %swap3A_73 = arith.constant 0 : index
      %swap3A_74 = vector.load %arg10[%swap3A_72, %swap3A_73] : memref<8x128xf32, #tpu.memory_space<vmem>>, vector<8x128xf32>
      tpu.vector_store %arg10[%swap3A_72, %swap3A_73], %broadcast_in_dim3A_71 {strides = array<i32>} : memref<8x128xf32, #tpu.memory_space<vmem>>, vector<8x128xf32>,
    } else {
    }
    %get3A_40 = arith.constant 0 : index
    %get3A_41 = arith.constant 0 : index
    %get3A_42 = vector.load %arg9[%get3A_40, %get3A_41] : memref<64x128xf32, #tpu.memory_space<vmem>>, vector<64x128xf32>
    %get3A_43 = arith.constant 0 : index
    %get3A_44 = arith.constant 0 : index
    %get3A_45 = vector.load %arg6[%get3A_43, %get3A_44] : memref<512x64xf32, #tpu.memory_space<vmem>>, vector<512x64xf32>
    %dot_general3A_46 = arith.constant dense<0.000000e+00> : vector<64x128xf32>
    %dot_general3A_47 = tpu.matmul %get3A_45, %max3A_23, %dot_general3A_46 {dimension_numbers = #tpu.dot_dimension_numbers<[0], [1], [1], [0], [0, 1, 1, 0], [], []>, transpose_lhs_hint = false} : vector<512x64xf32>, vector<128x512xf32>, vector<64x128xf32> -> vector<64x128xf32>
    %add3A_48 = arith.addf %get3A_42, %dot_general3A_47 : vector<64x128xf32>
    %swap3A_49 = arith.constant 0 : index
    %swap3A_50 = arith.constant 0 : index
    %swap3A_51 = vector.load %arg9[%swap3A_49, %swap3A_50] : memref<64x128xf32, #tpu.memory_space<vmem>>, vector<64x128xf32>
    tpu.vector_store %arg9[%swap3A_49, %swap3A_50], %add3A_48 {strides = array<i32>} : memref<64x128xf32, #tpu.memory_space<vmem>>, vector<64x128xf32>,
    %slice3A_52 = vector.extract_strided_slice %dot_general3A_34 {offsets = [0, 0], sizes = [8, 128], strides = [1, 1]} : vector<8x512xf32> to vector<8x128xf32>
    %slice3A_53 = vector.extract_strided_slice %dot_general3A_34 {offsets = [0, 128], sizes = [8, 128], strides = [1, 1]} : vector<8x512xf32> to vector<8x128xf32>
    %max3A_54 = arith.maximumf %slice3A_52, %slice3A_53 : vector<8x128xf32>
    %slice3A_55 = vector.extract_strided_slice %dot_general3A_34 {offsets = [0, 256], sizes = [8, 128], strides = [1, 1]} : vector<8x512xf32> to vector<8x128xf32>
    %slice3A_56 = vector.extract_strided_slice %dot_general3A_34 {offsets = [0, 384], sizes = [8, 128], strides = [1, 1]} : vector<8x512xf32> to vector<8x128xf32>
    %max3A_57 = arith.maximumf %slice3A_55, %slice3A_56 : vector<8x128xf32>
    %max3A_58 = arith.maximumf %max3A_54, %max3A_57 : vector<8x128xf32>
    %get3A_59 = arith.constant 0 : index
    %get3A_60 = arith.constant 0 : index
    %get3A_61 = vector.load %arg10[%get3A_59, %get3A_60] : memref<8x128xf32, #tpu.memory_space<vmem>>, vector<8x128xf32>
    %max3A_62 = arith.maximumf %get3A_61, %max3A_58 : vector<8x128xf32>
    %swap3A_63 = arith.constant 0 : index
    %swap3A_64 = arith.constant 0 : index
    %swap3A_65 = vector.load %arg10[%swap3A_63, %swap3A_64] : memref<8x128xf32, #tpu.memory_space<vmem>>, vector<8x128xf32>
    tpu.vector_store %arg10[%swap3A_63, %swap3A_64], %max3A_62 {strides = array<i32>} : memref<8x128xf32, #tpu.memory_space<vmem>>, vector<8x128xf32>,
    return
  }
  func.func @transform_0(%arg0: i32) -> (i32, i32) {
    %c0_i32 = arith.constant 0 : i32
    %c0_i32_0 = arith.constant 0 : i32
    return %c0_i32, %arg0 : i32, i32
  }
  func.func @transform_1(%arg0: i32) -> (i32, i32) {
    %c0_i32 = arith.constant 0 : i32
    %c0_i32_0 = arith.constant 0 : i32
    return %c0_i32, %arg0 : i32, i32
  }
  func.func @transform_2(%arg0: i32) -> (i32, i32) {
    %c0_i32 = arith.constant 0 : i32
    %c0_i32_0 = arith.constant 0 : i32
    %c0_i32_1 = arith.constant 0 : i32
    return %c0_i32, %c0_i32_0 : i32, i32
  }
  func.func @transform_3(%arg0: i32) -> (i32, i32) {
    %c0_i32 = arith.constant 0 : i32
    %c0_i32_0 = arith.constant 0 : i32
    %c0_i32_1 = arith.constant 0 : i32
    return %c0_i32, %c0_i32_0 : i32, i32
  }
  func.func @transform_4(%arg0: i32) -> (i32, i32) {
    %c0_i32 = arith.constant 0 : i32
    %c0_i32_0 = arith.constant 0 : i32
    %c0_i32_1 = arith.constant 0 : i32
    return %c0_i32, %c0_i32_0 : i32, i32
  }
  func.func @transform_5(%arg0: i32) -> (i32, i32) {
    %c0_i32 = arith.constant 0 : i32
    %c0_i32_0 = arith.constant 0 : i32
    return %arg0, %c0_i32 : i32, i32
  }
  func.func @transform_6(%arg0: i32) -> (i32, i32) {
    %c0_i32 = arith.constant 0 : i32
    %c0_i32_0 = arith.constant 0 : i32
    return %c0_i32, %arg0 : i32, i32
  }
  func.func @transform_7(%arg0: i32) -> (i32, i32) {
    %c0_i32 = arith.constant 0 : i32
    %c0_i32_0 = arith.constant 0 : i32
    return %c0_i32, %arg0 : i32, i32
  }
  func.func @transform_8(%arg0: i32) -> (i32, i32) {
    %c0_i32 = arith.constant 0 : i32
    %c0_i32_0 = arith.constant 0 : i32
    %c0_i32_1 = arith.constant 0 : i32
    return %c0_i32, %c0_i32_0 : i32, i32
  }
  func.func @transform_9(%arg0: i32) -> (i32, i32) {
    %c0_i32 = arith.constant 0 : i32
    %c0_i32_0 = arith.constant 0 : i32
    %c0_i32_1 = arith.constant 0 : i32
    return %c0_i32, %c0_i32_0 : i32, i32
  }
}

module attributes {stable_mosaic.version = 14 : i64} {
  func.func @body(%arg0: i32, %arg1: memref<128x512xf32, #tpu.memory_space<vmem>>, %arg2: memref<8x512xf32, #tpu.memory_space<vmem>>, %arg3: memref<128x128xf32, #tpu.memory_space<vmem>>, %arg4: memref<512x64xf32, #tpu.memory_space<vmem>>, %arg5: memref<64x128xf32, #tpu.memory_space<vmem>>) attributes {dimension_semantics = [#tpu.dimension_semantics<arbitrary>], iteration_bounds = array<i64: 20>, scalar_prefetch = 0 : i64, scratch_operands = 0 : i64, tpu.core_type = #tpu.core_type<tc>, window_params = [{transform_indices = @transform_0, window_bounds = array<i64: 128, 512>}, {transform_indices = @transform_1, window_bounds = array<i64: 8, 512>}, {pipeline_mode = #tpu.pipeline_mode<synchronous>, transform_indices = @transform_2, window_bounds = array<i64: 128, 128>}, {transform_indices = @transform_3, window_bounds = array<i64: 512, 64>}, {pipeline_mode = #tpu.pipeline_mode<synchronous>, transform_indices = @transform_4, window_bounds = array<i64: 64, 128>}]} {
    %get3A = arith.constant 0 : index
    %get3A_0 = arith.constant 0 : index
    %get3A_1 = vector.load %arg1[%get3A, %get3A_0] : memref<128x512xf32, #tpu.memory_space<vmem>>, vector<128x512xf32>
    %get3A_2 = arith.constant 0 : index
    %get3A_3 = arith.constant 0 : index
    %get3A_4 = vector.load %arg2[%get3A_2, %get3A_3] : memref<8x512xf32, #tpu.memory_space<vmem>>, vector<1x512xf32>
    %add3A = arith.constant 1.000000e-16 : f32
    %add3A_5 = vector.broadcast %add3A : f32 to vector<1x512xf32>
    %add3A_6 = arith.addf %get3A_4, %add3A_5 : vector<1x512xf32>
    %get3A_7 = arith.constant 1 : index
    %get3A_8 = arith.constant 0 : index
    %get3A_9 = vector.load %arg2[%get3A_7, %get3A_8] : memref<8x512xf32, #tpu.memory_space<vmem>>, vector<1x512xf32>
    %add3A_10 = arith.constant 1.000000e-16 : f32
    %add3A_11 = vector.broadcast %add3A_10 : f32 to vector<1x512xf32>
    %add3A_12 = arith.addf %get3A_9, %add3A_11 : vector<1x512xf32>
    %slice3A = vector.extract_strided_slice %get3A_1 {offsets = [0, 0], sizes = [64, 512], strides = [1, 1]} : vector<128x512xf32> to vector<64x512xf32>
    %div3A = vector.broadcast %add3A_6 : vector<1x512xf32> to vector<64x512xf32>
    %div3A_13 = arith.divf %slice3A, %div3A : vector<64x512xf32>
    %slice3A_14 = vector.extract_strided_slice %get3A_1 {offsets = [64, 0], sizes = [64, 512], strides = [1, 1]} : vector<128x512xf32> to vector<64x512xf32>
    %div3A_15 = vector.broadcast %add3A_12 : vector<1x512xf32> to vector<64x512xf32>
    %div3A_16 = arith.divf %slice3A_14, %div3A_15 : vector<64x512xf32>
    %concatenate3A = tpu.concatenate %div3A_13, %div3A_16 in 0 : vector<64x512xf32>, vector<64x512xf32> -> vector<128x512xf32>
    %get3A_17 = arith.constant 0 : index
    %get3A_18 = arith.constant 0 : index
    %get3A_19 = vector.load %arg3[%get3A_17, %get3A_18] : memref<128x128xf32, #tpu.memory_space<vmem>>, vector<128x1xf32>
    %add3A_20 = vector.broadcast %get3A_19 : vector<128x1xf32> to vector<128x512xf32>
    %add3A_21 = arith.addf %concatenate3A, %add3A_20 : vector<128x512xf32>
    %max3A = arith.constant 0.000000e+00 : f32
    %max3A_22 = vector.broadcast %max3A : f32 to vector<128x512xf32>
    %max3A_23 = arith.maximumf %add3A_21, %max3A_22 : vector<128x512xf32>
    %eq3A = arith.constant 0 : i32
    %eq3A_24 = arith.cmpi eq, %arg0, %eq3A : i32
    %convert_element_type3A = arith.extui %eq3A_24 : i1 to i32
    %cond3A = arith.constant 0 : i32
    %cond3A_25 = arith.cmpi ne, %convert_element_type3A, %cond3A : i32
    scf.if %cond3A_25 {
      %broadcast_in_dim3A = arith.constant 0.000000e+00 : f32
      %broadcast_in_dim3A_36 = vector.broadcast %broadcast_in_dim3A : f32 to vector<64x128xf32>
      %swap3A_37 = arith.constant 0 : index
      %swap3A_38 = arith.constant 0 : index
      %swap3A_39 = vector.load %arg5[%swap3A_37, %swap3A_38] : memref<64x128xf32, #tpu.memory_space<vmem>>, vector<64x128xf32>
      tpu.vector_store %arg5[%swap3A_37, %swap3A_38], %broadcast_in_dim3A_36 {strides = array<i32>} : memref<64x128xf32, #tpu.memory_space<vmem>>, vector<64x128xf32>,
    } else {
    }
    %get3A_26 = arith.constant 0 : index
    %get3A_27 = arith.constant 0 : index
    %get3A_28 = vector.load %arg5[%get3A_26, %get3A_27] : memref<64x128xf32, #tpu.memory_space<vmem>>, vector<64x128xf32>
    %get3A_29 = arith.constant 0 : index
    %get3A_30 = arith.constant 0 : index
    %get3A_31 = vector.load %arg4[%get3A_29, %get3A_30] : memref<512x64xf32, #tpu.memory_space<vmem>>, vector<512x64xf32>
    %dot_general3A = arith.constant dense<0.000000e+00> : vector<64x128xf32>
    %dot_general3A_32 = tpu.matmul %get3A_31, %max3A_23, %dot_general3A {dimension_numbers = #tpu.dot_dimension_numbers<[0], [1], [1], [0], [0, 1, 1, 0], [], []>, transpose_lhs_hint = false} : vector<512x64xf32>, vector<128x512xf32>, vector<64x128xf32> -> vector<64x128xf32>
    %add3A_33 = arith.addf %get3A_28, %dot_general3A_32 : vector<64x128xf32>
    %swap3A = arith.constant 0 : index
    %swap3A_34 = arith.constant 0 : index
    %swap3A_35 = vector.load %arg5[%swap3A, %swap3A_34] : memref<64x128xf32, #tpu.memory_space<vmem>>, vector<64x128xf32>
    tpu.vector_store %arg5[%swap3A, %swap3A_34], %add3A_33 {strides = array<i32>} : memref<64x128xf32, #tpu.memory_space<vmem>>, vector<64x128xf32>,
    return
  }
  func.func @transform_0(%arg0: i32) -> (i32, i32) {
    %c0_i32 = arith.constant 0 : i32
    %c0_i32_0 = arith.constant 0 : i32
    return %c0_i32, %arg0 : i32, i32
  }
  func.func @transform_1(%arg0: i32) -> (i32, i32) {
    %c0_i32 = arith.constant 0 : i32
    %c0_i32_0 = arith.constant 0 : i32
    return %c0_i32, %arg0 : i32, i32
  }
  func.func @transform_2(%arg0: i32) -> (i32, i32) {
    %c0_i32 = arith.constant 0 : i32
    %c0_i32_0 = arith.constant 0 : i32
    %c0_i32_1 = arith.constant 0 : i32
    return %c0_i32, %c0_i32_0 : i32, i32
  }
  func.func @transform_3(%arg0: i32) -> (i32, i32) {
    %c0_i32 = arith.constant 0 : i32
    %c0_i32_0 = arith.constant 0 : i32
    return %arg0, %c0_i32 : i32, i32
  }
  func.func @transform_4(%arg0: i32) -> (i32, i32) {
    %c0_i32 = arith.constant 0 : i32
    %c0_i32_0 = arith.constant 0 : i32
    %c0_i32_1 = arith.constant 0 : i32
    return %c0_i32, %c0_i32_0 : i32, i32
  }
}

module attributes {stable_mosaic.version = 14 : i64} {
  func.func @body(%arg0: memref<64x128xf32, #tpu.memory_space<vmem>>, %arg1: memref<64x128xf32, #tpu.memory_space<vmem>>, %arg2: memref<64x128xf32, #tpu.memory_space<vmem>>, %arg3: memref<128x128xf32, #tpu.memory_space<vmem>>, %arg4: memref<8x128xf32, #tpu.memory_space<vmem>>, %arg5: memref<128x128xf32, #tpu.memory_space<vmem>>, %arg6: memref<8x128xf32, #tpu.memory_space<vmem>>, %arg7: memref<64x128xf32, #tpu.memory_space<vmem>>) attributes {dimension_semantics = [], scalar_prefetch = 0 : i64, scratch_operands = 0 : i64, tpu.core_type = #tpu.core_type<tc>} {
    %get3A = arith.constant 0 : index
    %get3A_0 = arith.constant 0 : index
    %get3A_1 = vector.load %arg0[%get3A, %get3A_0] : memref<64x128xf32, #tpu.memory_space<vmem>>, vector<64x128xf32>
    %get3A_2 = arith.constant 0 : index
    %get3A_3 = arith.constant 0 : index
    %get3A_4 = vector.load %arg1[%get3A_2, %get3A_3] : memref<64x128xf32, #tpu.memory_space<vmem>>, vector<64x128xf32>
    %add3A = arith.addf %get3A_1, %get3A_4 : vector<64x128xf32>
    %get3A_5 = arith.constant 0 : index
    %get3A_6 = arith.constant 0 : index
    %get3A_7 = vector.load %arg2[%get3A_5, %get3A_6] : memref<64x128xf32, #tpu.memory_space<vmem>>, vector<64x128xf32>
    %add3A_8 = arith.addf %add3A, %get3A_7 : vector<64x128xf32>
    %get3A_9 = arith.constant 0 : index
    %get3A_10 = arith.constant 0 : index
    %get3A_11 = vector.load %arg3[%get3A_9, %get3A_10] : memref<128x128xf32, #tpu.memory_space<vmem>>, vector<128x128xf32>
    %dot_general3A = arith.constant dense<0.000000e+00> : vector<64x128xf32>
    %dot_general3A_12 = tpu.matmul %add3A_8, %get3A_11, %dot_general3A {dimension_numbers = #tpu.dot_dimension_numbers<[1], [0], [0], [1], [0, 0, 1, 1], [], []>, transpose_lhs_hint = false} : vector<64x128xf32>, vector<128x128xf32>, vector<64x128xf32> -> vector<64x128xf32>
    %get3A_13 = arith.constant 0 : index
    %get3A_14 = arith.constant 0 : index
    %get3A_15 = vector.load %arg4[%get3A_13, %get3A_14] : memref<8x128xf32, #tpu.memory_space<vmem>>, vector<1x128xf32>
    %add3A_16 = vector.broadcast %get3A_15 : vector<1x128xf32> to vector<64x128xf32>
    %add3A_17 = arith.addf %dot_general3A_12, %add3A_16 : vector<64x128xf32>
    %max3A = arith.constant 0.000000e+00 : f32
    %max3A_18 = vector.broadcast %max3A : f32 to vector<64x128xf32>
    %max3A_19 = arith.maximumf %add3A_17, %max3A_18 : vector<64x128xf32>
    %get3A_20 = arith.constant 0 : index
    %get3A_21 = arith.constant 0 : index
    %get3A_22 = vector.load %arg5[%get3A_20, %get3A_21] : memref<128x128xf32, #tpu.memory_space<vmem>>, vector<128x128xf32>
    %dot_general3A_23 = arith.constant dense<0.000000e+00> : vector<64x128xf32>
    %dot_general3A_24 = tpu.matmul %max3A_19, %get3A_22, %dot_general3A_23 {dimension_numbers = #tpu.dot_dimension_numbers<[1], [0], [0], [1], [0, 0, 1, 1], [], []>, transpose_lhs_hint = false} : vector<64x128xf32>, vector<128x128xf32>, vector<64x128xf32> -> vector<64x128xf32>
    %get3A_25 = arith.constant 0 : index
    %get3A_26 = arith.constant 0 : index
    %get3A_27 = vector.load %arg6[%get3A_25, %get3A_26] : memref<8x128xf32, #tpu.memory_space<vmem>>, vector<1x128xf32>
    %add3A_28 = vector.broadcast %get3A_27 : vector<1x128xf32> to vector<64x128xf32>
    %add3A_29 = arith.addf %dot_general3A_24, %add3A_28 : vector<64x128xf32>
    %iota3A = tpu.iota {dimensions = array<i32: 1>} : vector<64x128xi32>
    %lt3A = arith.constant 10 : i32
    %lt3A_30 = vector.broadcast %lt3A : i32 to vector<64x128xi32>
    %lt3A_31 = arith.cmpi slt, %iota3A, %lt3A_30 : vector<64x128xi32>
    %jit3A = arith.constant -1.000000e+30 : f32
    %broadcast_in_dim3A = vector.broadcast %jit3A : f32 to vector<64x128xf32>
    %select_n3A = arith.select %lt3A_31, %add3A_29, %broadcast_in_dim3A : vector<64x128xi1>, vector<64x128xf32>
    %reduce_max3A = arith.constant dense<0xFF800000> : vector<64xf32>
    %reduce_max3A_32 = vector.multi_reduction <maximumf>, %select_n3A, %reduce_max3A [1] : vector<64x128xf32> to vector<64xf32>
    %broadcast_in_dim3A_33 = vector.shape_cast %reduce_max3A_32 : vector<64xf32> to vector<64x1xf32>
    %sub3A = vector.broadcast %broadcast_in_dim3A_33 : vector<64x1xf32> to vector<64x128xf32>
    %sub3A_34 = arith.subf %select_n3A, %sub3A : vector<64x128xf32>
    %exp3A = math.exp %sub3A_34 : vector<64x128xf32>
    %jit3A_35 = arith.constant 0.000000e+00 : f32
    %broadcast_in_dim3A_36 = vector.broadcast %jit3A_35 : f32 to vector<64x128xf32>
    %select_n3A_37 = arith.select %lt3A_31, %exp3A, %broadcast_in_dim3A_36 : vector<64x128xi1>, vector<64x128xf32>
    %reduce_sum3A = arith.constant dense<0.000000e+00> : vector<64xf32>
    %reduce_sum3A_38 = vector.multi_reduction <add>, %select_n3A_37, %reduce_sum3A [1] : vector<64x128xf32> to vector<64xf32>
    %broadcast_in_dim3A_39 = vector.shape_cast %reduce_sum3A_38 : vector<64xf32> to vector<64x1xf32>
    %sub3A_40 = vector.broadcast %broadcast_in_dim3A_33 : vector<64x1xf32> to vector<64x128xf32>
    %sub3A_41 = arith.subf %select_n3A, %sub3A_40 : vector<64x128xf32>
    %log3A = math.log %broadcast_in_dim3A_39 : vector<64x1xf32>
    %sub3A_42 = vector.broadcast %log3A : vector<64x1xf32> to vector<64x128xf32>
    %sub3A_43 = arith.subf %sub3A_41, %sub3A_42 : vector<64x128xf32>
    %swap3A = arith.constant 0 : index
    %swap3A_44 = arith.constant 0 : index
    %swap3A_45 = vector.load %arg7[%swap3A, %swap3A_44] : memref<64x128xf32, #tpu.memory_space<vmem>>, vector<64x128xf32>
    tpu.vector_store %arg7[%swap3A, %swap3A_44], %sub3A_43 {strides = array<i32>} : memref<64x128xf32, #tpu.memory_space<vmem>>, vector<64x128xf32>,
    return
  }
}

</mosaic_0001>

<sc_bundles>
// kernel: kernel.11.cloned.1.call-start
scs
__scs_entry_jumppad:
0x0: {  	(pc) =	sbr.rel $0x88, $3  }
0x1: {  	(tag) =	ssettag $0x0;
	lr =	simm.s32 $0x1  }
0x2: {  	[smem:$0x3F90] =	sst lr;
	_ =	strace $0xD0000000  }
0x3: {  	_ = 	snop  }
0x4: {  	_ = 	snop  }
0x5: {  	_ = 	snop  }
0x6: {  	_ = 	snop  }
0x7: {  	_ = 	snop  }
__scs_overlays_trampoline_lowered:
0x8: {  	[smem:$0x3F9F] =	sst s0  }
0x9: {  	[smem:$0x3FA0] =	sst s1  }
0xa: {  	[smem:$0x3FA1] =	sst s2  }
0xb: {  	[smem:$0x3FA2] =	sst s3  }
0xc: {  	[smem:$0x3FA3] =	sst s4  }
0xd: {  	[smem:$0x3FA4] =	sst s5  }
0xe: {  	[smem:$0x3FA5] =	sst s6  }
0xf: {  	[smem:$0x3FA6] =	sst s7  }
0x10: {  	[smem:$0x3FA7] =	sst s8  }
0x11: {  	[smem:$0x3FA8] =	sst s9;
	s0 =	simm.s32 @!p0 $0x0  }
0x12: {  	s1 =	sld [smem:$0x3F8E];
	s0 =	simm.s32 @p0 $0x1  }
0x13: {  	[smem:$0x3FA9] =	sst s0;
	s0 =	simm.s32 @!p1 $0x0  }
0x14: {  	s2 =	sld [smem:$0x3F8D];
	s0 =	simm.s32 @p1 $0x1  }
0x15: {  	[smem:$0x3FAA] =	sst s0;
	s0 =	simm.s32 @!p2 $0x0  }
0x16: {  	s3 =	sld [smem:$0x3FDB];
	s0 =	simm.s32 @p2 $0x1  }
0x17: {  	s4 =	simm.s32 $0x1BF5;
	[smem:$0x3FAC] =	sst s0  }
0x18: {  	s0 =	sld [smem:$0x3F8F];
	_ =	swait.ge [sflag:s4], $0x0  }
0x19: {  	s7 =	sld [smem:$0x3F90]  }
0x1a: {  	s8 =	sadd.s32 $0xFFFFE003, lr  }
0x1b: {  	s9 =	sadd.s32 $0xFFFFFEF7, lr;
	s5 =	simm.s32 $0xFFFFFFFF;
	p2 =	slt.u32 s8, $0xFFFFF086  }
0x1c: {  	p1 =	slt.u32 s9, $0xF7A;
	s5 =	simm.s32 @!p2 $0x0  }
0x1d: {  	s5 =	simm.s32 @p1 $0x1;
	p0 =	seq.s32 s7, s2  }
0x1e: {  	s7 =	smul.u32 @!p0 $0xF7A, s2;
	p2 =	seq.s32 @!p0 s5, $0x0  }
0x1f: {  	s9 =	smul.u32 $0xF7A, s1;
	s8 =	simm.s32 @!p0 $0x1BF5;
	p2 =	por !p2, p0  }
0x20: {  	[sflag:s8] =	ssyncset.s32 @!p0 $0xFFFFF086;
	s6 =	sadd.s32 @!p0 s3, s7;
	s7 =	simm.s32 @!p0 $0x108  }
0x21: {  	s3 =	sadd.s32 s3, s9;
	s6 =	sadd.s32 @!p0 $0x88, s6;
	s7 =	simm.s32 @p2 $0x1082  }
0x22: {  	[simem:s7], [sflag:s8] =	dma.local @!p0 [hbm:s6], $0xF7A  }
0x23: {  	s9 =	sor.u32 $0xD0000000, s2;
	s6 =	simm.s32 $0x108;
	_ =	swait.ge @!p0 [sflag:s8], $0x0  }
0x24: {  	s3 =	sadd.s32 $0x88, s3;
	s6 =	simm.s32 @!p1 $0x1082;
	[sflag:s4] =	ssyncset.s32 $0xFFFFF086  }
0x25: {  	[simem:s6], [sflag:s4] =	dma.local [hbm:s3], $0xF7A  }
0x26: {  	[smem:$0x3F90] =	sst s1;
	(tag) =	ssettag s2;
	_ =	strace s9  }
0x27: {  	s1 =	sld [smem:$0x3FA0]  }
0x28: {  	s2 =	sld [smem:$0x3FA1]  }
0x29: {  	s4 =	sld [smem:$0x3FA3]  }
0x2a: {  	p0 =	seq.s32 s5, $0x0;
	s5 =	sld [smem:$0x3FA4]  }
0x2b: {  	s6 =	sld [smem:$0x3FA5]  }
0x2c: {  	s7 =	sld [smem:$0x3FA6]  }
0x2d: {  	s3 =	simm.s32 $0x108;
	s8 =	sld [smem:$0x3FA7]  }
0x2e: {  	s3 =	simm.s32 @!p0 $0x1082;
	s9 =	sld [smem:$0x3FA8]  }
0x2f: {  	lr =	sadd.s32 s0, s3;
	s0 =	sld [smem:$0x3F9F]  }
0x30: {  	s3 =	sld [smem:$0x3FA2]  }
0x31: {  	[smem:$0x3FAB] =	sst s10  }
0x32: {  	s10 =	sld [smem:$0x3FA9];
	_ =	sdelay $0x3  }
0x33: {  	p0 =	seq.s32 s10, $0x1;
	s10 =	sld [smem:$0x3FAB];
	_ =	sdelay $0x3  }
0x34: {  	[smem:$0x3FAB] =	sst s10  }
0x35: {  	s10 =	sld [smem:$0x3FAA];
	_ =	sdelay $0x3  }
0x36: {  	p1 =	seq.s32 s10, $0x1;
	s10 =	sld [smem:$0x3FAB];
	_ =	sdelay $0x3  }
0x37: {  	[smem:$0x3FAB] =	sst s10  }
0x38: {  	s10 =	sld [smem:$0x3FAC]  }
0x39: {  	_ = 	snop;
	(pc) =	sbr.ind lr, $3  }
0x3a: {  	_ = 	snop  }
0x3b: {  	_ = 	snop  }
0x3c: {  	p2 =	seq.s32 s10, $0x1;
	s10 =	sld [smem:$0x3FAB]  }
0x3d: {  	_ =	shalt  }
0x3e: {  	_ =	shalt  }
0x3f: {  	_ =	shalt  }
0x40: {  	_ =	shalt  }
0x41: {  	_ =	shalt  }
0x42: {  	_ =	shalt  }
0x43: {  	_ =	shalt  }
0x44: {  	_ =	shalt  }
0x45: {  	_ =	shalt  }
0x46: {  	_ =	shalt  }
0x47: {  	_ =	shalt  }
0x48: {  	_ =	shalt  }
0x49: {  	_ =	shalt  }
0x4a: {  	_ =	shalt  }
0x4b: {  	_ =	shalt  }
0x4c: {  	_ =	shalt  }
0x4d: {  	_ =	shalt  }
0x4e: {  	_ =	shalt  }
0x4f: {  	_ =	shalt  }
0x50: {  	_ =	shalt  }
0x51: {  	_ =	shalt  }
0x52: {  	_ =	shalt  }
0x53: {  	_ =	shalt  }
0x54: {  	_ =	shalt  }
0x55: {  	_ =	shalt  }
0x56: {  	_ =	shalt  }
0x57: {  	_ =	shalt  }
0x58: {  	_ =	shalt  }
0x59: {  	_ =	shalt  }
0x5a: {  	_ =	shalt  }
0x5b: {  	_ =	shalt  }
0x5c: {  	_ =	shalt  }
0x5d: {  	_ =	shalt  }
0x5e: {  	_ =	shalt  }
0x5f: {  	_ =	shalt  }
0x60: {  	_ =	shalt  }
0x61: {  	_ =	shalt  }
0x62: {  	_ =	shalt  }
0x63: {  	_ =	shalt  }
0x64: {  	_ =	shalt  }
0x65: {  	_ =	shalt  }
0x66: {  	_ =	shalt  }
0x67: {  	_ =	shalt  }
0x68: {  	_ =	shalt  }
0x69: {  	_ =	shalt  }
0x6a: {  	_ =	shalt  }
0x6b: {  	_ =	shalt  }
0x6c: {  	_ =	shalt  }
0x6d: {  	_ =	shalt  }
0x6e: {  	_ =	shalt  }
0x6f: {  	_ =	shalt  }
0x70: {  	_ =	shalt  }
0x71: {  	_ =	shalt  }
0x72: {  	_ =	shalt  }
0x73: {  	_ =	shalt  }
0x74: {  	_ =	shalt  }
0x75: {  	_ =	shalt  }
0x76: {  	_ =	shalt  }
0x77: {  	_ =	shalt  }
0x78: {  	_ =	shalt  }
0x79: {  	_ =	shalt  }
0x7a: {  	_ =	shalt  }
0x7b: {  	_ =	shalt  }
0x7c: {  	_ =	shalt  }
0x7d: {  	_ =	shalt  }
0x7e: {  	_ =	shalt  }
0x7f: {  	_ =	shalt  }
0x80: {  	_ =	shalt  }
0x81: {  	_ =	shalt  }
0x82: {  	_ =	shalt  }
0x83: {  	_ =	shalt  }
0x84: {  	_ =	shalt  }
0x85: {  	_ =	shalt  }
0x86: {  	_ =	shalt  }
0x87: {  	_ =	shalt  }
.Lfunc_end0:
.L_simem_size_0:
called_computation.1_lowered:
.L_overlay_start_0:
0x88: {  	s2 =	sld [smem:$0x3FD9]  }
0x89: {  	s3 =	sld [smem:$0x3FFE];
	_ =	sdelay $0x1  }
0x8a: {  	s1 =	srdreg.scid  }
0x8b: {  	s0 =	sand.u32 $0x1, s1  }
0x8c: {  	s17 =	sshll.u32 s0, $0xA;
	s2 =	sadd.s32 s3, s2  }
0x8d: {  	s2 =	sadd.s32 s2, s17  }
0x8e: {  	[smem:$0x3FB7] =	sst s2  }
0x8f: {  	_ = 	snop  }
0x90: {  	s2 =	sld [smem:$0x3FD0];
	(tm) =	ssettm $0x1  }
0x91: {  	s18 =	sld [smem:$0x3FFB];
	_ =	sdelay $0x3  }
0x92: {  	_ =	strace s18  }
0x93: {  	s3 =	sld [smem:$0x3FFC];
	_ =	sdelay $0x3  }
0x94: {  	_ =	strace s3  }
0x95: {  	s3 =	sld [smem:$0x3FFD];
	_ =	sdelay $0x3  }
0x96: {  	_ =	strace s3  }
0x97: {  	_ =	strace $0x8FFFFFFF  }
0x98: {  	s19 =	sld [smem:$0x3FDB];
	_ =	sdelay $0x1  }
0x99: {  	s4 =	simm.s32 $_scs_section_size  }
0x9a: {  	s5 =	simm.s32 $_size__tile_overlayer_lowered;
	s6 =	simm.s32 $_tile_overlayer_lowered  }
0x9b: {  	s22 =	simm.s32 $0x1BFF;
	s21 =	sshll.u32 s6, $0x1;
	s3 =	sadd.s32 s4, s19  }
0x9c: {  	s7 =	simm.s32 $0x0;
	s20 =	sshll.u32 s5, $0x1;
	s5 =	sadd.s32 s21, s3  }
0x9d: {  	[timem:s7], [sflag:s22] =	dma.local [hbm:s5], s20  }
0x9e: {  	_ =	swait.ge [sflag:s22], s20  }
0x9f: {  	s4 =	ssub.s32 $0x0, s20;
	[sflag:s22] =	ssyncset.done $0x0  }
0xa0: {  	[sflag:s22] =	ssyncadd.s32 s4;
	_ =	sdelay $0x1  }
0xa1: {  	s23 =	simm.s32 $0x1B8B  }
0xa2: {  	_ =	swait.ge [sflag:s23], $0x1  }
0xa3: {  	[sflag:s23] =	ssyncset.done $0x0  }
0xa4: {  	s25 =	simm.s32 $0x1B8E;
	s24 =	sld [smem:$0x3FFE];
	[sflag:s23] =	ssyncadd.s32 $0xFFFFFFFF  }
0xa5: {  	s26 =	simm.s32 $execute0_lowered;
	[smem:$0x3FD2] =	sst s25  }
0xa6: {  	s5 =	sshll.u32 s26, $0x1;
	_ =	strace $0x80000049;
	[dreg:$0x1] =	wrdreg $0xFFFFFFFF  }
0xa7: {  	s28 =	simm.s32 $_size_execute0_lowered;
	s3 =	sadd.s32 s3, s5;
	[dreg:$0x0] =	wrdreg $0x0  }
0xa8: {  	s5 =	sshll.u32 s28, $0x1;
	[dreg:$0x2] =	wrdreg s3  }
0xa9: {  	[dreg:$0x3] =	wrdreg s5  }
0xaa: {  	[dreg:$0x4] =	wrdreg $0xC0  }
0xab: {  	_ =	task [dreg:s7], $0x5FFFF  }
0xac: {  	[dreg:$0x1] =	wrdreg $0xFFFFFFFF  }
0xad: {  	[dreg:$0x0] =	wrdreg $0x60  }
0xae: {  	[dreg:$0x2] =	wrdreg s24  }
0xaf: {  	[dreg:$0x3] =	wrdreg s2  }
0xb0: {  	[dreg:$0x4] =	wrdreg $0x9  }
0xb1: {  	_ =	task.clear_ibuf [dreg:s7], $0x5FFFF;
	_ =	strace $0x90000049  }
0xb2: {  	s29 =	simm.s32 $0x9;
	_ =	strace $0x8000004B  }
0xb3: {  	_ =	swait.ge [sflag:s29], $0x1  }
0xb4: {  	[sflag:s29] =	ssyncadd.s32 $0xFFFFFFFF  }
0xb5: {  	_ =	strace $0x9000004B  }
0xb6: {  	_ =	sfence  }
0xb7: {  	s30 =	sld [smem:$0x0];
	_ =	sdelay $0x2  }
0xb8: {  	s31 =	sshll.u32 s1, $0xD;
	s1 =	sshrl.u32 s1, $0x2  }
0xb9: {  	s3 =	sand.u32 $0x4000, s31;
	s1 =	sadd.s32 s1, s30  }
0xba: {  	s0 =	sor.u32 s3, s0;
	s1 =	sshll.u32 s1, $0x11  }
0xbb: {  	s0 =	sor.u32 s1, s0  }
0xbc: {  	s0 =	sadd.s32 $0x8F2B, s0  }
0xbd: {  	[sflag:s0] =	ssyncadd.remote.s32 $0x1  }
0xbe: {  	_ =	sfence.sel $0xFFFF  }
0xbf: {  	[dreg:$0x0] =	wrdreg $0xFFFFFFFF;
	(pc) =	sbr.abs _section_cstart, $3  }
0xc0: {  	[dreg:$0x1] =	wrdreg $0xFFFFFFFF  }
0xc1: {  	_ =	task.clear_ibuf [dreg:s7], $0x2FFFF;
	_ =	strace $0x9FFFFFFF  }
0xc2: {  	(tm) =	ssettm $0x7FFFFFFF  }
0xc3: {  	_ =	shalt  }
tec
execute0_lowered:
.L_overlay_start_1:
0x0: {  	(tag) =	ssettag $0x1  }
0x1: {  	s0 =	rddreg [dreg:$0x0]  }
0x2: {  	s4 =	rddreg [dreg:$0x1];
	s1 =	simm.s32 $0x0  }
0x3: {  	s2 =	srdreg.scid;
	s6 =	stileid.u32;
	s19 =	simm.s32 $0x5  }
0x4: {  	s29 =	simm.s32 $0x1C180;
	s30 =	simm.s32 $0x1DA80;
	s31 =	simm.s32 $0x1  }
0x5: {  	s28 =	simm.s32 $0xC600;
	[smem:$0x7FF] =	sst s1;
	s5 =	sand.u32 $0x1, s2  }
0x6: {  	s3 =	sshll.u32 s6, $0x2;
	s7 =	sadd.s32 $0x1C00, s0;
	s10 =	sadd.s32 $0x40C00, s0  }
0x7: {  	s25 =	sadd.s32 $0x2C590, s0;
	p0 =	sne.s32 s6, $0x0;
	s6 =	simm.s32 $0x2  }
0x8: {  	_ =	strace $0x8000004A;
	s2 =	sshll.u32 s5, $0x6;
	s8 =	smul.u32 $0x2800, s5  }
0x9: {  	s11 =	ssub.s32 $0x2, s5;
	s5 =	sshll.u32 s5, $0x1;
	[dreg:$0xa] =	wrdreg s25  }
0xa: {  	s25 =	simm.s32 $0x18D00;
	s9 =	sor.u32 s3, s2;
	s2 =	sadd.s32 $0x2C400, s0  }
0xb: {  	s3 =	sadd.s32 $0x36800, s0;
	s12 =	sshrl.u32 s11, $0x1;
	s4 =	sadd.s32 s4, s5  }
0xc: {  	s5 =	simm.s32 $0x11600;
	s9 =	smul.u32 $0x2800, s9;
	s8 =	sshrl.u32 s8, $0x3  }
0xd: {  	s11 =	ssub.s32 s11, s12;
	[dreg:$0x9] =	wrdreg s4;
	s4 =	simm.s32 $0xEE00  }
0xe: {  	s8 =	sadd.s32 s8, s0;
	s0 =	sadd.s32 $0x36990, s0;
	s18 =	smax.u32 s11, $0x1  }
0xf: {  	s9 =	sshrl.u32 s9, $0x3;
	s23 =	sadd.s32 $0x29C00, s8;
	s24 =	sadd.s32 $0x2A600, s8  }
0x10: {  	[dreg:$0xb] =	wrdreg s0;
	s17 =	sadd.s32 $0x68C00, s8;
	s0 =	simm.s32 $0x3  }
0x11: {  	s8 =	simm.s32 $0x0;
	s20 =	sadd.s32 s7, s9;
	s21 =	sadd.s32 $0x500, s9  }
0x12: {  	s15 =	sadd.s32 $0xA00, s9;
	s16 =	sadd.s32 $0xF00, s9;
	[dreg:$0x7] =	wrdreg s23  }
0x13: {  	[dreg:$0x8] =	wrdreg s24;
	s26 =	sadd.s32 s10, s9;
	s23 =	simm.s32 $0x13E00  }
0x14: {  	s24 =	simm.s32 $0x16580;
	[dreg:$0x3] =	wrdreg s20;
	s13 =	sadd.s32 s7, s21  }
.Ltmp0:
0x15: {  	s22 =	sadd.s32 s7, s15;
	s7 =	sadd.s32 s7, s16;
	(pc) =	sbr.rel .LBB2_1-.Ltmp0, $4  }
0x16: {  	[dreg:$0xc] =	wrdreg s26;
	s14 =	sadd.s32 s10, s21;
	s15 =	sadd.s32 s10, s15  }
0x17: {  	s16 =	sadd.s32 s10, s16;
	s20 =	simm.s32 $0x2780;
	[dreg:$0x4] =	wrdreg s13  }
0x18: {  	s21 =	simm.s32 $0x4F00;
	s26 =	simm.s32 $0x9E00;
	[dreg:$0x5] =	wrdreg s22  }
0x19: {  	v0 =	vimm.f32 $0.0e+00;
	[dreg:$0x6] =	wrdreg s7;
	s22 =	simm.s32 $0x7680;
	s7 =	simm.s32 $0x4  }
.LBB2_10:
0x1a: {  	[tilespmem:$0xC510] =	vst v0  }
0x1b: {  	[tilespmem:$0xED10] =	vst v0  }
0x1c: {  	[tilespmem:$0x11510] =	vst v0  }
0x1d: {  	[tilespmem:$0x13D10] =	vst v0  }
0x1e: {  	[tilespmem:$0x1B410] =	vst v0;
	s9 =	rddreg [dreg:$0xc]  }
0x1f: {  	[hbm4b:s9+s1] =	stream.linear.scatter [tilespmem:s26], [sflag:$0x5], $0x2800, $0x38;
	[tilespmem:$0x1E780] =	vst v63  }
0x20: {  	_ =	swait.ge [sflag:s19], $0x2800  }
0x21: {  	[sflag:s19] =	ssyncset.done $0x0  }
0x22: {  	[sflag:s19] =	ssyncadd.s32 $0xFFFFD800  }
0x23: {  	[hbm4b:s14+s1] =	stream.linear.scatter [tilespmem:s28], [sflag:$0x5], $0x2800, $0x38;
	[tilespmem:$0x1E780] =	vst v63  }
0x24: {  	_ =	swait.ge [sflag:s19], $0x2800  }
0x25: {  	[sflag:s19] =	ssyncset.done $0x0  }
0x26: {  	[sflag:s19] =	ssyncadd.s32 $0xFFFFD800  }
0x27: {  	[hbm4b:s15+s1] =	stream.linear.scatter [tilespmem:s4], [sflag:$0x5], $0x2800, $0x38;
	[tilespmem:$0x1E780] =	vst v63  }
0x28: {  	_ =	swait.ge [sflag:s19], $0x2800  }
0x29: {  	[sflag:s19] =	ssyncset.done $0x0  }
0x2a: {  	[sflag:s19] =	ssyncadd.s32 $0xFFFFD800  }
0x2b: {  	[hbm4b:s16+s1] =	stream.linear.scatter [tilespmem:s5], [sflag:$0x5], $0x2800, $0x38;
	[tilespmem:$0x1E780] =	vst v63  }
0x2c: {  	_ =	swait.ge [sflag:s19], $0x2800  }
0x2d: {  	s10 =	simm.s32 @!p0 $0x18D00;
	s8 =	sadd.s32 $0x1, s8;
	[sflag:s19] =	ssyncset.done $0x0  }
0x2e: {  	s9 =	simm.s32 @!p0 $0x0;
	p1 =	sne.s32 s8, s18;
	[sflag:s19] =	ssyncadd.s32 $0xFFFFD800  }
0x2f: {  	[hbm4b:s17+s9] =	stream.linear.scatter @!p0 [tilespmem:s10], [sflag:$0x5], $0x2800, $0x38;
	[tilespmem:$0x1E780] =	vst v63  }
.Ltmp1:
0x30: {  	_ = 	snop;
	(pc) =	sbr.rel @!p1 .LBB2_11-.Ltmp1, $4  }
0x31: {  	s9 =	simm.s32 @!p0 $0x5  }
0x32: {  	_ =	swait.ge @!p0 [sflag:s9], $0x2800  }
0x33: {  	[sflag:s9] =	ssyncset.done @!p0 $0x0  }
0x34: {  	[sflag:s9] =	ssyncadd.s32 @!p0 $0xFFFFD800  }
.LBB2_1:
0x35: {  	s9 =	rddreg [dreg:$0x3]  }
0x36: {  	[tilespmem:s1], [sflag:$0x5] =	stream.linear.gather [hbm4b:s9+s1], $0x2720, $0x38;
	[tilespmem:$0x1E780] =	vst v63  }
0x37: {  	_ =	swait.ge [sflag:s19], $0x2720  }
0x38: {  	[sflag:s19] =	ssyncset.done $0x0  }
0x39: {  	s12 =	rddreg [dreg:$0x4];
	[sflag:s19] =	ssyncadd.s32 $0xFFFFD8E0  }
0x3a: {  	[tilespmem:s20], [sflag:$0x5] =	stream.linear.gather [hbm4b:s12+s1], $0x2720, $0x38;
	[tilespmem:$0x1E780] =	vst v63  }
0x3b: {  	_ =	swait.ge [sflag:s19], $0x2720  }
0x3c: {  	[sflag:s19] =	ssyncset.done $0x0  }
0x3d: {  	s13 =	rddreg [dreg:$0x5];
	[sflag:s19] =	ssyncadd.s32 $0xFFFFD8E0  }
0x3e: {  	[tilespmem:s21], [sflag:$0x5] =	stream.linear.gather [hbm4b:s13+s1], $0x2720, $0x38;
	[tilespmem:$0x1E780] =	vst v63  }
0x3f: {  	_ =	swait.ge [sflag:s19], $0x2720  }
0x40: {  	[sflag:s19] =	ssyncset.done $0x0  }
0x41: {  	s10 =	rddreg [dreg:$0x6];
	[sflag:s19] =	ssyncadd.s32 $0xFFFFD8E0  }
0x42: {  	[tilespmem:s22], [sflag:$0x5] =	stream.linear.gather [hbm4b:s10+s1], $0x2720, $0x38;
	[tilespmem:$0x1E780] =	vst v63  }
0x43: {  	_ =	swait.ge [sflag:s19], $0x2720  }
0x44: {  	[sflag:s19] =	ssyncset.done $0x0  }
0x45: {  	s11 =	rddreg [dreg:$0x7];
	[sflag:s19] =	ssyncadd.s32 $0xFFFFD8E0  }
0x46: {  	[tilespmem:s23], [sflag:$0x5] =	stream.linear.gather [hbm4b:s11+s1], $0x2720, $0x38;
	[tilespmem:$0x1E780] =	vst v63  }
0x47: {  	_ =	swait.ge [sflag:s19], $0x2720  }
0x48: {  	[sflag:s19] =	ssyncset.done $0x0  }
0x49: {  	s12 =	rddreg [dreg:$0x8];
	[sflag:s19] =	ssyncadd.s32 $0xFFFFD8E0  }
0x4a: {  	[tilespmem:s24], [sflag:$0x5] =	stream.linear.gather [hbm4b:s12+s1], $0x2720, $0x38;
	[tilespmem:$0x1E780] =	vst v63  }
0x4b: {  	_ =	swait.ge [sflag:s19], $0x2720  }
0x4c: {  	[sflag:s19] =	ssyncset.done $0x0  }
0x4d: {  	s10 =	simm.s32 $0x1E700;
	s13 =	rddreg [dreg:$0x9];
	[sflag:s19] =	ssyncadd.s32 $0xFFFFD8E0  }
0x4e: {  	[tilespmem:s10], [sflag:$0x5] =	stream.linear.gather [hbm4b:s13+s1], $0x10, $0x38;
	[tilespmem:$0x1E780] =	vst v63  }
0x4f: {  	_ =	swait.ge [sflag:s19], $0x10  }
0x50: {  	[sflag:s19] =	ssyncset.done $0x0  }
0x51: {  	s9 =	simm.s32 $0x0;
	s10 =	simm.s32 $0x40;
	[sflag:s19] =	ssyncadd.s32 $0xFFFFFFF0  }
.LBB2_2:
0x52: {  	p1 =	sne.s32 s10, $0x9FC0;
	[tilespmem:s9+$0x18D00] =	vst v0;
	s11 =	smov.u32 s10;
	s10 =	sadd.s32 $0x40, s10  }
.Ltmp2:
0x53: {  	[tilespmem:s9+$0x11600] =	vst v0;
	(pc) =	sbr.rel @p1 .LBB2_2-.Ltmp2, $4  }
0x54: {  	[tilespmem:s9+$0xEE00] =	vst v0  }
0x55: {  	[tilespmem:s9+$0x9E00] =	vst v0  }
0x56: {  	[tilespmem:s9+$0xC600] =	vst v0  }
0x57: {  	s9 =	sshra.s32 s11, $0x2  }
0x58: {  	[tilespmem:s9+$0x18D00] =	vst v0  }
0x59: {  	[tilespmem:s9+$0x11600] =	vst v0  }
0x5a: {  	[tilespmem:s9+$0xEE00] =	vst v0  }
0x5b: {  	[tilespmem:s9+$0x9E00] =	vst v0  }
0x5c: {  	[tilespmem:s9+$0xC600] =	vst v0;
	s9 =	simm.s32 $0x0;
	s10 =	simm.s32 $0x1B500  }
0x5d: {  	v1 =	vld [tilespmem:$0x1E700];
	[tilespmem:s10], [sflag:$0x1] =	stream.linear.gather [hbm4b:s2+s9], $0xC80, $0x38  }
0x5e: {  	s11 =	simm.s32 $0x1CE00  }
0x5f: {  	[tilespmem:s11], [sflag:$0x3] =	stream.linear.gather [hbm4b:s3+s9], $0xC80, $0x38;
	[tilespmem:$0x1E780] =	vst v63  }
0x60: {  	s12 =	rddreg [dreg:$0xa]  }
0x61: {  	[tilespmem:s29], [sflag:$0x2] =	stream.linear.gather [hbm4b:s12+s9], $0xC80, $0x38;
	[tilespmem:$0x1E780] =	vst v63  }
0x62: {  	s13 =	rddreg [dreg:$0xb]  }
0x63: {  	[tilespmem:s30], [sflag:$0x4] =	stream.linear.gather [hbm4b:s13+s9], $0xC80, $0x38;
	[tilespmem:$0x1E780] =	vst v63  }
.LBB2_4:
0x64: {  	_ =	swait.ge [sflag:s31], $0xC80  }
0x65: {  	[sflag:s31] =	ssyncset.done $0x0  }
0x66: {  	[sflag:s31] =	ssyncadd.s32 $0xFFFFF380  }
0x67: {  	_ =	swait.ge [sflag:s0], $0xC80  }
0x68: {  	[sflag:s0] =	ssyncset.done $0x0  }
0x69: {  	s11 =	simm.s32 $0x1B540;
	[sflag:s0] =	ssyncadd.s32 $0xFFFFF380  }
0x6a: {  	s10 =	simm.s32 $0x1CE40;
	v23 =	vld [tilespmem:s11+$0x30]  }
0x6b: {  	v24 =	vld [tilespmem:s10+$0x30]  }
0x6c: {  	v7 =	vld [tilespmem:s10+$0xFFFFFFC0]  }
0x6d: {  	v9 =	vld [tilespmem:s11+$0xFFFFFFD0]  }
0x6e: {  	v8 =	vld [tilespmem:s10+$0xFFFFFFD0]  }
0x6f: {  	v10 =	vld [tilespmem:s11+$0xFFFFFFE0]  }
0x70: {  	v4 =	vld [tilespmem:s10+$0xFFFFFFE0]  }
0x71: {  	v11 =	vld [tilespmem:s11+$0xFFFFFFF0]  }
0x72: {  	v2 =	vld [tilespmem:s10+$0xFFFFFFF0]  }
0x73: {  	v3 =	vld.idx.msk [tilespmem:v23+s23+$0x0], $0xffff  }
0x74: {  	v6 =	vld.idx.msk [tilespmem:v24+s24+$0x0], $0xffff  }
0x75: {  	v12 =	vld [tilespmem:s11+$0x0]  }
0x76: {  	v5 =	vld [tilespmem:s10+$0x0]  }
0x77: {  	v15 =	vld [tilespmem:s11+$0xFFFFFFC0]  }
0x78: {  	v13 =	vld [tilespmem:s11+$0x10]  }
0x79: {  	v14 =	vld [tilespmem:s11+$0x20];
	v16 =	vadd.f32 v6, v3  }
0x7a: {  	v18 =	vld.idx.msk [tilespmem:v9+s23+$0x0], $0xffff  }
0x7b: {  	v19 =	vld.idx.msk [tilespmem:v8+s24+$0x0], $0xffff;
	v17 =	vmul.f32 $2.000000030e-01, v16  }
0x7c: {  	v20 =	vld.idx.msk [tilespmem:v10+s23+$0x0], $0xffff;
	vm0 =	vge.f32 v16, $0.0e+00  }
0x7d: {  	v21 =	vld.idx.msk [tilespmem:v4+s24+$0x0], $0xffff;
	v16 =	vsel vm0, v16, v17  }
0x7e: {  	v22 =	vld.idx.msk [tilespmem:v2+s24+$0x0], $0xffff;
	v16 =	vsub.f32 v16, v1  }
0x7f: {  	v25 =	vld.idx.msk [tilespmem:v15+s23+$0x0], $0xffff  }
0x80: {  	v26 =	vld.idx.msk [tilespmem:v12+s23+$0x0], $0xffff;
	v16 =	vmul.f32 $1.442695020e+00, v16  }
0x81: {  	v3 =	vld [tilespmem:s10+$0x10]  }
0x82: {  	v6 =	vld [tilespmem:s10+$0x20];
	(erf) = vpow2.f32 v16  }
0x83: {  	v17 =	vld.idx.msk [tilespmem:v7+s24+$0x0], $0xffff  }
0x84: {  	v16 =	vld.idx.msk [tilespmem:v11+s23+$0x0], $0xffff  }
0x85: {  	v18 =	vadd.f32 v19, v18;
	v19 =	vld.idx.msk [tilespmem:v5+s24+$0x0], $0xffff;
	_ =	sdelay $0x1  }
0x86: {  	v20 =	vadd.f32 v21, v20  }
0x87: {  	v21 =	vld.idx.msk [tilespmem:v13+s23+$0x0], $0xffff;
	v27 =	vmul.f32 $2.000000030e-01, v18;
	v17 =	vadd.f32 v17, v25  }
0x88: {  	v29 =	vmul.f32 $2.000000030e-01, v20;
	vm10 =	vge.f32 v18, $0.0e+00;
	v28 =	vld.idx.msk [tilespmem:v3+s24+$0x0], $0xffff;
	v16 =	vadd.f32 v22, v16  }
0x89: {  	vm1 =	vge.f32 v20, $0.0e+00;
	v19 =	vadd.f32 v19, v26;
	v25 =	vld.idx.msk [tilespmem:v6+s24+$0x0], $0xffff;
	v26 =	vmul.f32 $2.000000030e-01, v17  }
0x8a: {  	v18 =	vsel vm10, v18, v27;
	vm12 =	vge.f32 v17, $0.0e+00;
	v22 =	vld.idx.msk [tilespmem:v14+s23+$0x0], $0xffff;
	v27 =	vmul.f32 $2.000000030e-01, v16;
	v56 =	vpop (erf)  }
0x8b: {  	v20 =	vsel vm1, v20, v29;
	v17 =	vsel vm12, v17, v26;
	vm11 =	vge.f32 v16, $0.0e+00;
	[tilespmem:v24+s25+$0x0] =	vst.idx.add.f32.msk $0xffff, v56  }
0x8c: {  	v18 =	vsub.f32 v18, v1;
	v17 =	vsub.f32 v17, v1;
	v16 =	vsel vm11, v16, v27;
	v27 =	vld.idx.msk [tilespmem:v23+s1+$0x0], $0xffff  }
0x8d: {  	v20 =	vsub.f32 v20, v1;
	v57 =	vmul.f32 $2.000000030e-01, v19;
	v21 =	vadd.f32 v28, v21  }
0x8e: {  	v18 =	vmul.f32 $1.442695020e+00, v18;
	v17 =	vmul.f32 $1.442695020e+00, v17  }
0x8f: {  	vm13 =	vge.f32 v19, $0.0e+00;
	v20 =	vmul.f32 $1.442695020e+00, v20;
	v26 =	vmul.f32 $2.000000030e-01, v21  }
0x90: {  	vm14 =	vge.f32 v21, $0.0e+00;
	(erf) = vpow2.f32 v17;
	v22 =	vadd.f32 v25, v22  }
0x91: {  	v19 =	vsel vm13, v19, v57;
	v21 =	vsel vm14, v21, v26;
	v25 =	vmul.f32 v56, v27  }
0x92: {  	v16 =	vsub.f32 v16, v1;
	(erf) = vpow2.f32 v18;
	v26 =	vmul.f32 $2.000000030e-01, v22  }
0x93: {  	v19 =	vsub.f32 v19, v1;
	v21 =	vsub.f32 v21, v1;
	vm15 =	vge.f32 v22, $0.0e+00;
	[tilespmem:v24+s26+$0x0] =	vst.idx.add.f32.msk $0xffff, v25  }
0x94: {  	(erf) = vpow2.f32 v20;
	v16 =	vmul.f32 $1.442695020e+00, v16;
	v17 =	vsel vm15, v22, v26;
	v22 =	vld.idx.msk [tilespmem:v23+s20+$0x0], $0xffff  }
0x95: {  	v18 =	vmul.f32 $1.442695020e+00, v19;
	v17 =	vsub.f32 v17, v1  }
0x96: {  	v19 =	vmul.f32 $1.442695020e+00, v21;
	(erf) = vpow2.f32 v16  }
0x97: {  	(erf) = vpow2.f32 v18;
	v16 =	vmul.f32 $1.442695020e+00, v17  }
0x98: {  	(erf) = vpow2.f32 v19  }
0x99: {  	(erf) = vpow2.f32 v16;
	v16 =	vmul.f32 v56, v22;
	v22 =	vpop (erf)  }
0x9a: {  	[tilespmem:v7+s25+$0x0] =	vst.idx.add.f32.msk $0xffff, v22  }
0x9b: {  	v21 =	vpop (erf);
	[tilespmem:v24+s28+$0x0] =	vst.idx.add.f32.msk $0xffff, v16  }
0x9c: {  	[tilespmem:v8+s25+$0x0] =	vst.idx.add.f32.msk $0xffff, v21  }
0x9d: {  	v20 =	vpop (erf);
	v25 =	vld.idx.msk [tilespmem:v23+s21+$0x0], $0xffff  }
0x9e: {  	[tilespmem:v4+s25+$0x0] =	vst.idx.add.f32.msk $0xffff, v20  }
0x9f: {  	v19 =	vpop (erf);
	v26 =	vld.idx.msk [tilespmem:v9+s1+$0x0], $0xffff  }
0xa0: {  	[tilespmem:v2+s25+$0x0] =	vst.idx.add.f32.msk $0xffff, v19  }
0xa1: {  	v18 =	vpop (erf);
	v27 =	vld.idx.msk [tilespmem:v10+s1+$0x0], $0xffff  }
0xa2: {  	[tilespmem:v5+s25+$0x0] =	vst.idx.add.f32.msk $0xffff, v18  }
0xa3: {  	v17 =	vpop (erf);
	v58 =	vld.idx.msk [tilespmem:v11+s1+$0x0], $0xffff;
	v25 =	vmul.f32 v56, v25  }
0xa4: {  	[tilespmem:v3+s25+$0x0] =	vst.idx.add.f32.msk $0xffff, v17  }
0xa5: {  	[tilespmem:v24+s4+$0x0] =	vst.idx.add.f32.msk $0xffff, v25  }
0xa6: {  	v23 =	vld.idx.msk [tilespmem:v23+s22+$0x0], $0xffff  }
0xa7: {  	v25 =	vld.idx.msk [tilespmem:v15+s1+$0x0], $0xffff  }
0xa8: {  	v16 =	vpop (erf);
	v30 =	vld.idx.msk [tilespmem:v12+s1+$0x0], $0xffff  }
0xa9: {  	[tilespmem:v6+s25+$0x0] =	vst.idx.add.f32.msk $0xffff, v16  }
0xaa: {  	v31 =	vld.idx.msk [tilespmem:v13+s1+$0x0], $0xffff;
	v26 =	vmul.f32 v21, v26  }
0xab: {  	v59 =	vld.idx.msk [tilespmem:v14+s1+$0x0], $0xffff;
	v23 =	vmul.f32 v23, v56  }
0xac: {  	[tilespmem:v8+s26+$0x0] =	vst.idx.add.f32.msk $0xffff, v26;
	v25 =	vmul.f32 v22, v25  }
0xad: {  	[tilespmem:v24+s5+$0x0] =	vst.idx.add.f32.msk $0xffff, v23;
	v23 =	vmul.f32 v20, v27  }
0xae: {  	[tilespmem:v7+s26+$0x0] =	vst.idx.add.f32.msk $0xffff, v25;
	v24 =	vmul.f32 v19, v58  }
0xaf: {  	[tilespmem:v4+s26+$0x0] =	vst.idx.add.f32.msk $0xffff, v23;
	v23 =	vmul.f32 v18, v30  }
0xb0: {  	[tilespmem:v2+s26+$0x0] =	vst.idx.add.f32.msk $0xffff, v24;
	v24 =	vmul.f32 v17, v31  }
0xb1: {  	[tilespmem:v5+s26+$0x0] =	vst.idx.add.f32.msk $0xffff, v23;
	v23 =	vmul.f32 v16, v59  }
0xb2: {  	[tilespmem:v3+s26+$0x0] =	vst.idx.add.f32.msk $0xffff, v24  }
0xb3: {  	[tilespmem:v6+s26+$0x0] =	vst.idx.add.f32.msk $0xffff, v23  }
0xb4: {  	v23 =	vld.idx.msk [tilespmem:v15+s20+$0x0], $0xffff  }
0xb5: {  	v24 =	vld.idx.msk [tilespmem:v9+s20+$0x0], $0xffff  }
0xb6: {  	v25 =	vld.idx.msk [tilespmem:v10+s20+$0x0], $0xffff  }
0xb7: {  	v26 =	vld.idx.msk [tilespmem:v11+s20+$0x0], $0xffff  }
0xb8: {  	v27 =	vld.idx.msk [tilespmem:v12+s20+$0x0], $0xffff  }
0xb9: {  	v60 =	vld.idx.msk [tilespmem:v13+s20+$0x0], $0xffff;
	v23 =	vmul.f32 v22, v23  }
0xba: {  	v61 =	vld.idx.msk [tilespmem:v14+s20+$0x0], $0xffff;
	v24 =	vmul.f32 v21, v24  }
0xbb: {  	[tilespmem:v7+s28+$0x0] =	vst.idx.add.f32.msk $0xffff, v23;
	v23 =	vmul.f32 v20, v25  }
0xbc: {  	[tilespmem:v8+s28+$0x0] =	vst.idx.add.f32.msk $0xffff, v24  }
0xbd: {  	[tilespmem:v4+s28+$0x0] =	vst.idx.add.f32.msk $0xffff, v23;
	v23 =	vmul.f32 v18, v27  }
0xbe: {  	v24 =	vmul.f32 v19, v26;
	v26 =	vld.idx.msk [tilespmem:v9+s21+$0x0], $0xffff  }
0xbf: {  	[tilespmem:v5+s28+$0x0] =	vst.idx.add.f32.msk $0xffff, v23;
	v23 =	vmul.f32 v16, v61  }
0xc0: {  	[tilespmem:v2+s28+$0x0] =	vst.idx.add.f32.msk $0xffff, v24  }
0xc1: {  	[tilespmem:v6+s28+$0x0] =	vst.idx.add.f32.msk $0xffff, v23  }
0xc2: {  	v23 =	vld.idx.msk [tilespmem:v15+s21+$0x0], $0xffff  }
0xc3: {  	v24 =	vmul.f32 v17, v60;
	v62 =	vld.idx.msk [tilespmem:v11+s21+$0x0], $0xffff  }
0xc4: {  	v27 =	vld.idx.msk [tilespmem:v10+s21+$0x0], $0xffff  }
0xc5: {  	[tilespmem:v3+s28+$0x0] =	vst.idx.add.f32.msk $0xffff, v24  }
0xc6: {  	v63 =	vld.idx.msk [tilespmem:v12+s21+$0x0], $0xffff  }
0xc7: {  	v25 =	vld.idx.msk [tilespmem:v13+s21+$0x0], $0xffff;
	v23 =	vmul.f32 v22, v23  }
0xc8: {  	v26 =	vmul.f32 v21, v26;
	v24 =	vld.idx.msk [tilespmem:v14+s21+$0x0], $0xffff  }
0xc9: {  	[tilespmem:v7+s4+$0x0] =	vst.idx.add.f32.msk $0xffff, v23;
	v23 =	vmul.f32 v20, v27  }
0xca: {  	[tilespmem:v8+s4+$0x0] =	vst.idx.add.f32.msk $0xffff, v26  }
0xcb: {  	s12 =	simm.s32 $0x1B5C0;
	s11 =	simm.s32 $0x0;
	v32 =	vmul.f32 v19, v62;
	v33 =	vmul.f32 v18, v63;
	[tilespmem:v4+s4+$0x0] =	vst.idx.add.f32.msk $0xffff, v23  }
.LBB2_5:
0xcc: {  	v26 =	vld [tilespmem:s12+$0x30];
	v34 =	vmul.f32 v17, v25;
	s10 =	sadd.s32 $0x80, s10  }
0xcd: {  	s11 =	sadd.s32 $0x8, s11;
	v35 =	vmul.f32 v16, v24;
	v25 =	vld [tilespmem:s10+$0x30]  }
0xce: {  	p1 =	slt.u32 s11, $0xC0;
	v28 =	vld [tilespmem:s10+$0xFFFFFFC0]  }
0xcf: {  	v36 =	vld [tilespmem:s12+$0xFFFFFFD0]  }
0xd0: {  	v29 =	vld [tilespmem:s10+$0xFFFFFFD0]  }
0xd1: {  	v37 =	vld [tilespmem:s12+$0xFFFFFFE0]  }
0xd2: {  	v27 =	vld [tilespmem:s10+$0xFFFFFFE0]  }
0xd3: {  	v38 =	vld [tilespmem:s12+$0xFFFFFFF0]  }
0xd4: {  	v23 =	vld.idx.msk [tilespmem:v26+s23+$0x0], $0xffff  }
0xd5: {  	v39 =	vld.idx.msk [tilespmem:v25+s24+$0x0], $0xffff  }
0xd6: {  	v30 =	vld [tilespmem:s10+$0xFFFFFFF0]  }
0xd7: {  	v40 =	vld [tilespmem:s12+$0x0]  }
0xd8: {  	v31 =	vld [tilespmem:s10+$0x0]  }
0xd9: {  	v41 =	vld [tilespmem:s12+$0x10]  }
0xda: {  	v24 =	vld [tilespmem:s10+$0x10]  }
0xdb: {  	v39 =	vadd.f32 v39, v23;
	v42 =	vld [tilespmem:s12+$0x20]  }
0xdc: {  	v23 =	vld [tilespmem:s10+$0x20]  }
0xdd: {  	v44 =	vmul.f32 $2.000000030e-01, v39;
	v43 =	vld [tilespmem:s12+$0xFFFFFFC0]  }
0xde: {  	vm0 =	vge.f32 v39, $0.0e+00;
	v45 =	vld.idx.msk [tilespmem:v28+s24+$0x0], $0xffff  }
0xdf: {  	v39 =	vsel vm0, v39, v44;
	v46 =	vld.idx.msk [tilespmem:v36+s23+$0x0], $0xffff  }
0xe0: {  	v39 =	vsub.f32 v39, v1;
	v44 =	vld.idx.msk [tilespmem:v29+s24+$0x0], $0xffff  }
0xe1: {  	v47 =	vld.idx.msk [tilespmem:v37+s23+$0x0], $0xffff  }
0xe2: {  	v39 =	vmul.f32 $1.442695020e+00, v39;
	v48 =	vld.idx.msk [tilespmem:v27+s24+$0x0], $0xffff  }
0xe3: {  	v49 =	vld.idx.msk [tilespmem:v38+s23+$0x0], $0xffff  }
0xe4: {  	v50 =	vld.idx.msk [tilespmem:v30+s24+$0x0], $0xffff;
	(erf) = vpow2.f32 v39  }
0xe5: {  	v39 =	vld.idx.msk [tilespmem:v43+s23+$0x0], $0xffff  }
0xe6: {  	v44 =	vadd.f32 v44, v46;
	v46 =	vld.idx.msk [tilespmem:v40+s23+$0x0], $0xffff  }
0xe7: {  	v51 =	vld.idx.msk [tilespmem:v31+s24+$0x0], $0xffff  }
0xe8: {  	vm0 =	vge.f32 v44, $0.0e+00;
	v52 =	vmul.f32 $2.000000030e-01, v44;
	v47 =	vadd.f32 v48, v47;
	v48 =	vld.idx.msk [tilespmem:v41+s23+$0x0], $0xffff  }
0xe9: {  	v53 =	vld.idx.msk [tilespmem:v24+s24+$0x0], $0xffff  }
0xea: {  	vm1 =	vge.f32 v47, $0.0e+00;
	v54 =	vmul.f32 $2.000000030e-01, v47;
	v49 =	vadd.f32 v50, v49;
	v50 =	vld.idx.msk [tilespmem:v42+s23+$0x0], $0xffff  }
0xeb: {  	v44 =	vsel vm0, v44, v52;
	v39 =	vadd.f32 v45, v39;
	v45 =	vld.idx.msk [tilespmem:v23+s24+$0x0], $0xffff  }
0xec: {  	v47 =	vsel vm1, v47, v54;
	vm0 =	vge.f32 v49, $0.0e+00;
	v52 =	vmul.f32 $2.000000030e-01, v49;
	[tilespmem:v2+s4+$0x0] =	vst.idx.add.f32.msk $0xffff, v32  }
0xed: {  	vm1 =	vge.f32 v39, $0.0e+00;
	v54 =	vmul.f32 $2.000000030e-01, v39;
	v46 =	vadd.f32 v51, v46;
	v32 =	vpop (erf);
	[tilespmem:v5+s4+$0x0] =	vst.idx.add.f32.msk $0xffff, v33  }
0xee: {  	v33 =	vsub.f32 v44, v1;
	v44 =	vsel vm0, v49, v52;
	[tilespmem:v25+s25+$0x0] =	vst.idx.add.f32.msk $0xffff, v32  }
0xef: {  	vm0 =	vge.f32 v46, $0.0e+00;
	v49 =	vmul.f32 $2.000000030e-01, v46;
	v48 =	vadd.f32 v53, v48;
	v51 =	vld.idx.msk [tilespmem:v26+s1+$0x0], $0xffff  }
0xf0: {  	v47 =	vsub.f32 v47, v1;
	v39 =	vsel vm1, v39, v54;
	v44 =	vsub.f32 v44, v1;
	v52 =	vld.idx.msk [tilespmem:v15+s22+$0x0], $0xffff  }
0xf1: {  	vm1 =	vge.f32 v48, $0.0e+00;
	v53 =	vmul.f32 $2.000000030e-01, v48;
	v45 =	vadd.f32 v45, v50;
	v15 =	vmovc v43;
	[tilespmem:v3+s4+$0x0] =	vst.idx.add.f32.msk $0xffff, v34  }
0xf2: {  	v33 =	vmul.f32 $1.442695020e+00, v33;
	v34 =	vsub.f32 v39, v1;
	v39 =	vsel vm0, v46, v49;
	[tilespmem:v6+s4+$0x0] =	vst.idx.add.f32.msk $0xffff, v35  }
0xf3: {  	v35 =	vsel vm1, v48, v53;
	vm0 =	vge.f32 v45, $0.0e+00;
	v43 =	vmul.f32 $2.000000030e-01, v45;
	v46 =	vld.idx.msk [tilespmem:v9+s22+$0x0], $0xffff;
	v9 =	vmovc v36  }
0xf4: {  	v34 =	vmul.f32 $1.442695020e+00, v34;
	v36 =	vsub.f32 v39, v1;
	v35 =	vsub.f32 v35, v1;
	v39 =	vld.idx.msk [tilespmem:v10+s22+$0x0], $0xffff;
	v10 =	vmovc v37  }
0xf5: {  	v37 =	vmul.f32 $1.442695020e+00, v47;
	v43 =	vsel vm0, v45, v43;
	v45 =	vmul.f32 v32, v51;
	v47 =	vld.idx.msk [tilespmem:v11+s22+$0x0], $0xffff;
	v11 =	vmovc v38  }
0xf6: {  	v38 =	vmul.f32 $1.442695020e+00, v44;
	v36 =	vmul.f32 $1.442695020e+00, v36;
	v43 =	vsub.f32 v43, v1;
	v44 =	vld.idx.msk [tilespmem:v12+s22+$0x0], $0xffff;
	v12 =	vmovc v40  }
0xf7: {  	v35 =	vmul.f32 $1.442695020e+00, v35;
	[tilespmem:v25+s26+$0x0] =	vst.idx.add.f32.msk $0xffff, v45;
	(erf) = vpow2.f32 v34  }
0xf8: {  	v34 =	vmul.f32 $1.442695020e+00, v43;
	v40 =	vld.idx.msk [tilespmem:v26+s20+$0x0], $0xffff;
	(erf) = vpow2.f32 v33  }
0xf9: {  	v22 =	vmul.f32 v52, v22;
	(erf) = vpow2.f32 v37;
	v33 =	vld.idx.msk [tilespmem:v13+s22+$0x0], $0xffff;
	v13 =	vmov v41  }
0xfa: {  	v21 =	vmul.f32 v46, v21;
	(erf) = vpow2.f32 v38;
	v37 =	vld.idx.msk [tilespmem:v14+s22+$0x0], $0xffff;
	v14 =	vmov v42  }
0xfb: {  	v20 =	vmul.f32 v39, v20;
	(erf) = vpow2.f32 v36;
	[tilespmem:v7+s5+$0x0] =	vst.idx.add.f32.msk $0xffff, v22;
	v7 =	vmov v28  }
0xfc: {  	v19 =	vmul.f32 v47, v19;
	(erf) = vpow2.f32 v35;
	[tilespmem:v8+s5+$0x0] =	vst.idx.add.f32.msk $0xffff, v21;
	v8 =	vmov v29  }
0xfd: {  	v18 =	vmul.f32 v44, v18;
	(erf) = vpow2.f32 v34;
	[tilespmem:v4+s5+$0x0] =	vst.idx.add.f32.msk $0xffff, v20;
	v4 =	vmov v27  }
0xfe: {  	v20 =	vmul.f32 v32, v40;
	[tilespmem:v2+s5+$0x0] =	vst.idx.add.f32.msk $0xffff, v19;
	v2 =	vmov v30  }
0xff: {  	v27 =	vmul.f32 v33, v17;
	[tilespmem:v5+s5+$0x0] =	vst.idx.add.f32.msk $0xffff, v18;
	v5 =	vmov v31  }
0x100: {  	v28 =	vmul.f32 v37, v16;
	[tilespmem:v25+s28+$0x0] =	vst.idx.add.f32.msk $0xffff, v20;
	v22 =	vpop (erf)  }
0x101: {  	v29 =	vld.idx.msk [tilespmem:v26+s21+$0x0], $0xffff;
	v21 =	vpop (erf)  }
0x102: {  	[tilespmem:v7+s25+$0x0] =	vst.idx.add.f32.msk $0xffff, v22;
	v20 =	vpop (erf)  }
0x103: {  	[tilespmem:v8+s25+$0x0] =	vst.idx.add.f32.msk $0xffff, v21;
	v19 =	vpop (erf)  }
0x104: {  	[tilespmem:v4+s25+$0x0] =	vst.idx.add.f32.msk $0xffff, v20;
	v18 =	vpop (erf)  }
0x105: {  	[tilespmem:v30+s25+$0x0] =	vst.idx.add.f32.msk $0xffff, v19;
	v17 =	vpop (erf)  }
0x106: {  	[tilespmem:v31+s25+$0x0] =	vst.idx.add.f32.msk $0xffff, v18;
	v16 =	vpop (erf)  }
0x107: {  	v29 =	vmul.f32 v32, v29;
	[tilespmem:v24+s25+$0x0] =	vst.idx.add.f32.msk $0xffff, v17  }
0x108: {  	[tilespmem:v23+s25+$0x0] =	vst.idx.add.f32.msk $0xffff, v16  }
0x109: {  	[tilespmem:v25+s4+$0x0] =	vst.idx.add.f32.msk $0xffff, v29  }
0x10a: {  	v26 =	vld.idx.msk [tilespmem:v26+s22+$0x0], $0xffff  }
0x10b: {  	v29 =	vld.idx.msk [tilespmem:v15+s1+$0x0], $0xffff  }
0x10c: {  	v30 =	vld.idx.msk [tilespmem:v9+s1+$0x0], $0xffff  }
0x10d: {  	v31 =	vld.idx.msk [tilespmem:v10+s1+$0x0], $0xffff  }
0x10e: {  	v33 =	vld.idx.msk [tilespmem:v11+s1+$0x0], $0xffff  }
0x10f: {  	v34 =	vld.idx.msk [tilespmem:v12+s1+$0x0], $0xffff  }
0x110: {  	v26 =	vmul.f32 v26, v32;
	v35 =	vld.idx.msk [tilespmem:v13+s1+$0x0], $0xffff  }
0x111: {  	v29 =	vmul.f32 v22, v29;
	v32 =	vld.idx.msk [tilespmem:v14+s1+$0x0], $0xffff  }
0x112: {  	v30 =	vmul.f32 v21, v30;
	[tilespmem:v25+s5+$0x0] =	vst.idx.add.f32.msk $0xffff, v26  }
0x113: {  	v25 =	vmul.f32 v20, v31;
	[tilespmem:v7+s26+$0x0] =	vst.idx.add.f32.msk $0xffff, v29  }
0x114: {  	v26 =	vmul.f32 v19, v33;
	[tilespmem:v8+s26+$0x0] =	vst.idx.add.f32.msk $0xffff, v30  }
0x115: {  	[tilespmem:v4+s26+$0x0] =	vst.idx.add.f32.msk $0xffff, v25;
	v25 =	vmul.f32 v18, v34  }
0x116: {  	[tilespmem:v2+s26+$0x0] =	vst.idx.add.f32.msk $0xffff, v26;
	v26 =	vmul.f32 v17, v35  }
0x117: {  	[tilespmem:v5+s26+$0x0] =	vst.idx.add.f32.msk $0xffff, v25;
	v25 =	vmul.f32 v16, v32  }
0x118: {  	[tilespmem:v24+s26+$0x0] =	vst.idx.add.f32.msk $0xffff, v26  }
0x119: {  	[tilespmem:v23+s26+$0x0] =	vst.idx.add.f32.msk $0xffff, v25  }
0x11a: {  	v25 =	vld.idx.msk [tilespmem:v15+s20+$0x0], $0xffff  }
0x11b: {  	v26 =	vld.idx.msk [tilespmem:v9+s20+$0x0], $0xffff  }
0x11c: {  	v29 =	vld.idx.msk [tilespmem:v10+s20+$0x0], $0xffff  }
0x11d: {  	v30 =	vld.idx.msk [tilespmem:v11+s20+$0x0], $0xffff  }
0x11e: {  	v31 =	vld.idx.msk [tilespmem:v12+s20+$0x0], $0xffff  }
0x11f: {  	v32 =	vld.idx.msk [tilespmem:v13+s20+$0x0], $0xffff  }
0x120: {  	v25 =	vmul.f32 v22, v25;
	v33 =	vld.idx.msk [tilespmem:v14+s20+$0x0], $0xffff  }
0x121: {  	v26 =	vmul.f32 v21, v26;
	[tilespmem:v3+s5+$0x0] =	vst.idx.add.f32.msk $0xffff, v27;
	v3 =	vmov v24  }
0x122: {  	v24 =	vmul.f32 v20, v29;
	[tilespmem:v7+s28+$0x0] =	vst.idx.add.f32.msk $0xffff, v25  }
0x123: {  	v25 =	vmul.f32 v19, v30;
	[tilespmem:v8+s28+$0x0] =	vst.idx.add.f32.msk $0xffff, v26  }
0x124: {  	[tilespmem:v4+s28+$0x0] =	vst.idx.add.f32.msk $0xffff, v24;
	v24 =	vmul.f32 v18, v31  }
0x125: {  	[tilespmem:v2+s28+$0x0] =	vst.idx.add.f32.msk $0xffff, v25;
	v25 =	vmul.f32 v17, v32  }
0x126: {  	[tilespmem:v5+s28+$0x0] =	vst.idx.add.f32.msk $0xffff, v24;
	v24 =	vmul.f32 v16, v33  }
0x127: {  	[tilespmem:v3+s28+$0x0] =	vst.idx.add.f32.msk $0xffff, v25  }
0x128: {  	[tilespmem:v23+s28+$0x0] =	vst.idx.add.f32.msk $0xffff, v24  }
0x129: {  	v24 =	vld.idx.msk [tilespmem:v15+s21+$0x0], $0xffff  }
0x12a: {  	v26 =	vld.idx.msk [tilespmem:v9+s21+$0x0], $0xffff  }
0x12b: {  	v27 =	vld.idx.msk [tilespmem:v10+s21+$0x0], $0xffff  }
0x12c: {  	v29 =	vld.idx.msk [tilespmem:v11+s21+$0x0], $0xffff  }
0x12d: {  	v30 =	vld.idx.msk [tilespmem:v12+s21+$0x0], $0xffff  }
0x12e: {  	v25 =	vld.idx.msk [tilespmem:v13+s21+$0x0], $0xffff  }
.Ltmp3:
0x12f: {  	v31 =	vmul.f32 v22, v24;
	v24 =	vld.idx.msk [tilespmem:v14+s21+$0x0], $0xffff;
	(pc) =	sbr.rel @p1 .LBB2_5-.Ltmp3, $4  }
0x130: {  	v26 =	vmul.f32 v21, v26;
	[tilespmem:v6+s5+$0x0] =	vst.idx.add.f32.msk $0xffff, v28;
	v6 =	vmov v23  }
0x131: {  	v23 =	vmul.f32 v20, v27;
	[tilespmem:v7+s4+$0x0] =	vst.idx.add.f32.msk $0xffff, v31  }
0x132: {  	v32 =	vmul.f32 v19, v29;
	[tilespmem:v8+s4+$0x0] =	vst.idx.add.f32.msk $0xffff, v26  }
0x133: {  	s12 =	sadd.s32 $0x80, s12;
	v33 =	vmul.f32 v18, v30;
	[tilespmem:v4+s4+$0x0] =	vst.idx.add.f32.msk $0xffff, v23  }
0x134: {  	_ =	sdelay $0x3  }
0x135: {  	[tilespmem:v2+s4+$0x0] =	vst.idx.add.f32.msk $0xffff, v32  }
0x136: {  	v15 =	vld.idx.msk [tilespmem:v15+s22+$0x0], $0xffff  }
0x137: {  	v9 =	vld.idx.msk [tilespmem:v9+s22+$0x0], $0xffff  }
0x138: {  	v10 =	vld.idx.msk [tilespmem:v10+s22+$0x0], $0xffff  }
0x139: {  	v23 =	vmul.f32 v17, v25;
	[tilespmem:v5+s4+$0x0] =	vst.idx.add.f32.msk $0xffff, v33  }
0x13a: {  	v24 =	vmul.f32 v16, v24;
	v11 =	vld.idx.msk [tilespmem:v11+s22+$0x0], $0xffff  }
0x13b: {  	[tilespmem:v3+s4+$0x0] =	vst.idx.add.f32.msk $0xffff, v23  }
0x13c: {  	[tilespmem:v6+s4+$0x0] =	vst.idx.add.f32.msk $0xffff, v24  }
0x13d: {  	v12 =	vld.idx.msk [tilespmem:v12+s22+$0x0], $0xffff  }
0x13e: {  	v13 =	vld.idx.msk [tilespmem:v13+s22+$0x0], $0xffff;
	v15 =	vmul.f32 v15, v22  }
0x13f: {  	v14 =	vld.idx.msk [tilespmem:v14+s22+$0x0], $0xffff;
	v9 =	vmul.f32 v9, v21  }
0x140: {  	[tilespmem:v7+s5+$0x0] =	vst.idx.add.f32.msk $0xffff, v15;
	v7 =	vmul.f32 v10, v20  }
0x141: {  	p1 =	seq.s32 s9, $0x33;
	[tilespmem:v8+s5+$0x0] =	vst.idx.add.f32.msk $0xffff, v9;
	v8 =	vmul.f32 v11, v19  }
0x142: {  	s10 =	smul.u32 @!p1 $0x1900, s9;
	[tilespmem:v4+s5+$0x0] =	vst.idx.add.f32.msk $0xffff, v7;
	v4 =	vmul.f32 v12, v18  }
0x143: {  	[tilespmem:v2+s5+$0x0] =	vst.idx.add.f32.msk $0xffff, v8;
	v2 =	vmul.f32 v13, v17  }
0x144: {  	s10 =	sshrl.u32 @!p1 s10, $0x3;
	[tilespmem:v5+s5+$0x0] =	vst.idx.add.f32.msk $0xffff, v4;
	v4 =	vmul.f32 v14, v16  }
0x145: {  	s10 =	sadd.s32 @!p1 $0x320, s10;
	[tilespmem:v3+s5+$0x0] =	vst.idx.add.f32.msk $0xffff, v2  }
0x146: {  	s12 =	simm.s32 @!p1 $0x0;
	s13 =	simm.s32 @!p1 $0x1B500;
	s11 =	sadd.s32 @!p1 s2, s10;
	[tilespmem:v6+s5+$0x0] =	vst.idx.add.f32.msk $0xffff, v4  }
0x147: {  	[tilespmem:s13], [sflag:$0x1] =	stream.linear.gather @!p1 [hbm4b:s11+s12], $0xC80, $0x38;
	[tilespmem:$0x1E780] =	vst v63  }
0x148: {  	s10 =	sadd.s32 @!p1 s3, s10;
	s11 =	simm.s32 @!p1 $0x1CE00  }
0x149: {  	[tilespmem:s11], [sflag:$0x3] =	stream.linear.gather @!p1 [hbm4b:s10+s12], $0xC80, $0x38;
	[tilespmem:$0x1E780] =	vst v63  }
0x14a: {  	_ =	swait.ge [sflag:s6], $0xC80  }
0x14b: {  	[sflag:s6] =	ssyncset.done $0x0  }
0x14c: {  	[sflag:s6] =	ssyncadd.s32 $0xFFFFF380  }
0x14d: {  	_ =	swait.ge [sflag:s7], $0xC80  }
0x14e: {  	[sflag:s7] =	ssyncset.done $0x0  }
0x14f: {  	s13 =	simm.s32 $0x1C1C0;
	[sflag:s7] =	ssyncadd.s32 $0xFFFFF380  }
0x150: {  	s10 =	simm.s32 $0x1DAC0;
	v23 =	vld [tilespmem:s13+$0x30]  }
0x151: {  	v24 =	vld [tilespmem:s10+$0x30]  }
0x152: {  	v2 =	vld [tilespmem:s10+$0xFFFFFFC0]  }
0x153: {  	v9 =	vld [tilespmem:s13+$0xFFFFFFD0]  }
0x154: {  	v3 =	vld [tilespmem:s10+$0xFFFFFFD0]  }
0x155: {  	v10 =	vld [tilespmem:s13+$0xFFFFFFE0]  }
0x156: {  	v4 =	vld [tilespmem:s10+$0xFFFFFFE0]  }
0x157: {  	v11 =	vld [tilespmem:s13+$0xFFFFFFF0]  }
0x158: {  	v5 =	vld [tilespmem:s10+$0xFFFFFFF0]  }
0x159: {  	v7 =	vld.idx.msk [tilespmem:v23+s23+$0x0], $0xffff  }
0x15a: {  	v8 =	vld.idx.msk [tilespmem:v24+s24+$0x0], $0xffff  }
0x15b: {  	v12 =	vld [tilespmem:s13+$0x0]  }
0x15c: {  	v6 =	vld [tilespmem:s10+$0x0]  }
0x15d: {  	v15 =	vld [tilespmem:s13+$0xFFFFFFC0]  }
0x15e: {  	v13 =	vld [tilespmem:s13+$0x10]  }
0x15f: {  	v14 =	vld [tilespmem:s13+$0x20];
	v16 =	vadd.f32 v8, v7  }
0x160: {  	v18 =	vld.idx.msk [tilespmem:v9+s23+$0x0], $0xffff  }
0x161: {  	v19 =	vld.idx.msk [tilespmem:v3+s24+$0x0], $0xffff;
	v17 =	vmul.f32 $2.000000030e-01, v16  }
0x162: {  	v20 =	vld.idx.msk [tilespmem:v10+s23+$0x0], $0xffff;
	vm0 =	vge.f32 v16, $0.0e+00  }
0x163: {  	v21 =	vld.idx.msk [tilespmem:v4+s24+$0x0], $0xffff;
	v16 =	vsel vm0, v16, v17  }
0x164: {  	v22 =	vld.idx.msk [tilespmem:v5+s24+$0x0], $0xffff;
	v16 =	vsub.f32 v16, v1  }
0x165: {  	v25 =	vld.idx.msk [tilespmem:v15+s23+$0x0], $0xffff  }
0x166: {  	v26 =	vld.idx.msk [tilespmem:v12+s23+$0x0], $0xffff;
	v16 =	vmul.f32 $1.442695020e+00, v16  }
0x167: {  	v7 =	vld [tilespmem:s10+$0x10]  }
0x168: {  	v8 =	vld [tilespmem:s10+$0x20];
	(erf) = vpow2.f32 v16  }
0x169: {  	v17 =	vld.idx.msk [tilespmem:v2+s24+$0x0], $0xffff  }
0x16a: {  	v16 =	vld.idx.msk [tilespmem:v11+s23+$0x0], $0xffff  }
0x16b: {  	v18 =	vadd.f32 v19, v18;
	v19 =	vld.idx.msk [tilespmem:v6+s24+$0x0], $0xffff;
	_ =	sdelay $0x1  }
0x16c: {  	v20 =	vadd.f32 v21, v20  }
0x16d: {  	v21 =	vld.idx.msk [tilespmem:v13+s23+$0x0], $0xffff;
	v27 =	vmul.f32 $2.000000030e-01, v18;
	v17 =	vadd.f32 v17, v25  }
0x16e: {  	v29 =	vmul.f32 $2.000000030e-01, v20;
	vm10 =	vge.f32 v18, $0.0e+00;
	v28 =	vld.idx.msk [tilespmem:v7+s24+$0x0], $0xffff;
	v16 =	vadd.f32 v22, v16  }
0x16f: {  	vm1 =	vge.f32 v20, $0.0e+00;
	v19 =	vadd.f32 v19, v26;
	v25 =	vld.idx.msk [tilespmem:v8+s24+$0x0], $0xffff;
	v26 =	vmul.f32 $2.000000030e-01, v17  }
0x170: {  	v18 =	vsel vm10, v18, v27;
	vm12 =	vge.f32 v17, $0.0e+00;
	v22 =	vld.idx.msk [tilespmem:v14+s23+$0x0], $0xffff;
	v27 =	vmul.f32 $2.000000030e-01, v16;
	v56 =	vpop (erf)  }
0x171: {  	v20 =	vsel vm1, v20, v29;
	v17 =	vsel vm12, v17, v26;
	vm11 =	vge.f32 v16, $0.0e+00;
	[tilespmem:v24+s25+$0x0] =	vst.idx.add.f32.msk $0xffff, v56  }
0x172: {  	v18 =	vsub.f32 v18, v1;
	v17 =	vsub.f32 v17, v1;
	v16 =	vsel vm11, v16, v27;
	v27 =	vld.idx.msk [tilespmem:v23+s1+$0x0], $0xffff  }
0x173: {  	v20 =	vsub.f32 v20, v1;
	v57 =	vmul.f32 $2.000000030e-01, v19;
	v21 =	vadd.f32 v28, v21  }
0x174: {  	v18 =	vmul.f32 $1.442695020e+00, v18;
	v17 =	vmul.f32 $1.442695020e+00, v17  }
0x175: {  	vm13 =	vge.f32 v19, $0.0e+00;
	v20 =	vmul.f32 $1.442695020e+00, v20;
	v26 =	vmul.f32 $2.000000030e-01, v21  }
0x176: {  	vm14 =	vge.f32 v21, $0.0e+00;
	(erf) = vpow2.f32 v17;
	v22 =	vadd.f32 v25, v22  }
0x177: {  	v19 =	vsel vm13, v19, v57;
	v21 =	vsel vm14, v21, v26;
	v25 =	vmul.f32 v56, v27  }
0x178: {  	v16 =	vsub.f32 v16, v1;
	(erf) = vpow2.f32 v18;
	v26 =	vmul.f32 $2.000000030e-01, v22  }
0x179: {  	v19 =	vsub.f32 v19, v1;
	v21 =	vsub.f32 v21, v1;
	vm15 =	vge.f32 v22, $0.0e+00;
	[tilespmem:v24+s26+$0x0] =	vst.idx.add.f32.msk $0xffff, v25  }
0x17a: {  	(erf) = vpow2.f32 v20;
	v16 =	vmul.f32 $1.442695020e+00, v16;
	v17 =	vsel vm15, v22, v26;
	v22 =	vld.idx.msk [tilespmem:v23+s20+$0x0], $0xffff  }
0x17b: {  	v18 =	vmul.f32 $1.442695020e+00, v19;
	v17 =	vsub.f32 v17, v1  }
0x17c: {  	v19 =	vmul.f32 $1.442695020e+00, v21;
	(erf) = vpow2.f32 v16  }
0x17d: {  	(erf) = vpow2.f32 v18;
	v16 =	vmul.f32 $1.442695020e+00, v17  }
0x17e: {  	(erf) = vpow2.f32 v19  }
0x17f: {  	(erf) = vpow2.f32 v16;
	v16 =	vmul.f32 v56, v22;
	v22 =	vpop (erf)  }
0x180: {  	[tilespmem:v2+s25+$0x0] =	vst.idx.add.f32.msk $0xffff, v22  }
0x181: {  	v21 =	vpop (erf);
	[tilespmem:v24+s28+$0x0] =	vst.idx.add.f32.msk $0xffff, v16  }
0x182: {  	[tilespmem:v3+s25+$0x0] =	vst.idx.add.f32.msk $0xffff, v21  }
0x183: {  	v20 =	vpop (erf);
	v25 =	vld.idx.msk [tilespmem:v23+s21+$0x0], $0xffff  }
0x184: {  	[tilespmem:v4+s25+$0x0] =	vst.idx.add.f32.msk $0xffff, v20  }
0x185: {  	v19 =	vpop (erf);
	v26 =	vld.idx.msk [tilespmem:v9+s1+$0x0], $0xffff  }
0x186: {  	[tilespmem:v5+s25+$0x0] =	vst.idx.add.f32.msk $0xffff, v19  }
0x187: {  	v18 =	vpop (erf);
	v27 =	vld.idx.msk [tilespmem:v10+s1+$0x0], $0xffff  }
0x188: {  	[tilespmem:v6+s25+$0x0] =	vst.idx.add.f32.msk $0xffff, v18  }
0x189: {  	v17 =	vpop (erf);
	v58 =	vld.idx.msk [tilespmem:v11+s1+$0x0], $0xffff;
	v25 =	vmul.f32 v56, v25  }
0x18a: {  	[tilespmem:v7+s25+$0x0] =	vst.idx.add.f32.msk $0xffff, v17  }
0x18b: {  	[tilespmem:v24+s4+$0x0] =	vst.idx.add.f32.msk $0xffff, v25  }
0x18c: {  	v23 =	vld.idx.msk [tilespmem:v23+s22+$0x0], $0xffff  }
0x18d: {  	v25 =	vld.idx.msk [tilespmem:v15+s1+$0x0], $0xffff  }
0x18e: {  	v16 =	vpop (erf);
	v30 =	vld.idx.msk [tilespmem:v12+s1+$0x0], $0xffff  }
0x18f: {  	[tilespmem:v8+s25+$0x0] =	vst.idx.add.f32.msk $0xffff, v16  }
0x190: {  	v31 =	vld.idx.msk [tilespmem:v13+s1+$0x0], $0xffff;
	v26 =	vmul.f32 v21, v26  }
0x191: {  	v59 =	vld.idx.msk [tilespmem:v14+s1+$0x0], $0xffff;
	v23 =	vmul.f32 v23, v56  }
0x192: {  	[tilespmem:v3+s26+$0x0] =	vst.idx.add.f32.msk $0xffff, v26;
	v25 =	vmul.f32 v22, v25  }
0x193: {  	[tilespmem:v24+s5+$0x0] =	vst.idx.add.f32.msk $0xffff, v23;
	v23 =	vmul.f32 v20, v27  }
0x194: {  	[tilespmem:v2+s26+$0x0] =	vst.idx.add.f32.msk $0xffff, v25;
	v24 =	vmul.f32 v19, v58  }
0x195: {  	[tilespmem:v4+s26+$0x0] =	vst.idx.add.f32.msk $0xffff, v23;
	v23 =	vmul.f32 v18, v30  }
0x196: {  	[tilespmem:v5+s26+$0x0] =	vst.idx.add.f32.msk $0xffff, v24;
	v24 =	vmul.f32 v17, v31  }
0x197: {  	[tilespmem:v6+s26+$0x0] =	vst.idx.add.f32.msk $0xffff, v23;
	v23 =	vmul.f32 v16, v59  }
0x198: {  	[tilespmem:v7+s26+$0x0] =	vst.idx.add.f32.msk $0xffff, v24  }
0x199: {  	[tilespmem:v8+s26+$0x0] =	vst.idx.add.f32.msk $0xffff, v23  }
0x19a: {  	v23 =	vld.idx.msk [tilespmem:v15+s20+$0x0], $0xffff  }
0x19b: {  	v24 =	vld.idx.msk [tilespmem:v9+s20+$0x0], $0xffff  }
0x19c: {  	v25 =	vld.idx.msk [tilespmem:v10+s20+$0x0], $0xffff  }
0x19d: {  	v26 =	vld.idx.msk [tilespmem:v11+s20+$0x0], $0xffff  }
0x19e: {  	v27 =	vld.idx.msk [tilespmem:v12+s20+$0x0], $0xffff  }
0x19f: {  	v60 =	vld.idx.msk [tilespmem:v13+s20+$0x0], $0xffff;
	v23 =	vmul.f32 v22, v23  }
0x1a0: {  	v61 =	vld.idx.msk [tilespmem:v14+s20+$0x0], $0xffff;
	v24 =	vmul.f32 v21, v24  }
0x1a1: {  	[tilespmem:v2+s28+$0x0] =	vst.idx.add.f32.msk $0xffff, v23;
	v23 =	vmul.f32 v20, v25  }
0x1a2: {  	[tilespmem:v3+s28+$0x0] =	vst.idx.add.f32.msk $0xffff, v24  }
0x1a3: {  	[tilespmem:v4+s28+$0x0] =	vst.idx.add.f32.msk $0xffff, v23;
	v23 =	vmul.f32 v18, v27  }
0x1a4: {  	v24 =	vmul.f32 v19, v26;
	v26 =	vld.idx.msk [tilespmem:v9+s21+$0x0], $0xffff  }
0x1a5: {  	[tilespmem:v6+s28+$0x0] =	vst.idx.add.f32.msk $0xffff, v23;
	v23 =	vmul.f32 v16, v61  }
0x1a6: {  	[tilespmem:v5+s28+$0x0] =	vst.idx.add.f32.msk $0xffff, v24  }
0x1a7: {  	[tilespmem:v8+s28+$0x0] =	vst.idx.add.f32.msk $0xffff, v23  }
0x1a8: {  	v23 =	vld.idx.msk [tilespmem:v15+s21+$0x0], $0xffff  }
0x1a9: {  	v24 =	vmul.f32 v17, v60;
	v62 =	vld.idx.msk [tilespmem:v11+s21+$0x0], $0xffff  }
0x1aa: {  	v27 =	vld.idx.msk [tilespmem:v10+s21+$0x0], $0xffff  }
0x1ab: {  	[tilespmem:v7+s28+$0x0] =	vst.idx.add.f32.msk $0xffff, v24  }
0x1ac: {  	v63 =	vld.idx.msk [tilespmem:v12+s21+$0x0], $0xffff  }
0x1ad: {  	v25 =	vld.idx.msk [tilespmem:v13+s21+$0x0], $0xffff;
	v23 =	vmul.f32 v22, v23  }
0x1ae: {  	v26 =	vmul.f32 v21, v26;
	v24 =	vld.idx.msk [tilespmem:v14+s21+$0x0], $0xffff  }
0x1af: {  	[tilespmem:v2+s4+$0x0] =	vst.idx.add.f32.msk $0xffff, v23;
	v23 =	vmul.f32 v20, v27  }
0x1b0: {  	[tilespmem:v3+s4+$0x0] =	vst.idx.add.f32.msk $0xffff, v26  }
0x1b1: {  	s11 =	simm.s32 $0x0;
	s12 =	simm.s32 $0x1C240;
	v32 =	vmul.f32 v19, v62;
	v33 =	vmul.f32 v18, v63;
	[tilespmem:v4+s4+$0x0] =	vst.idx.add.f32.msk $0xffff, v23  }
.LBB2_7:
0x1b2: {  	v26 =	vld [tilespmem:s12+$0x30];
	v34 =	vmul.f32 v17, v25;
	s10 =	sadd.s32 $0x80, s10  }
0x1b3: {  	s11 =	sadd.s32 $0x8, s11;
	v35 =	vmul.f32 v16, v24;
	v25 =	vld [tilespmem:s10+$0x30]  }
0x1b4: {  	p2 =	slt.u32 s11, $0xC0;
	v28 =	vld [tilespmem:s10+$0xFFFFFFC0]  }
0x1b5: {  	v36 =	vld [tilespmem:s12+$0xFFFFFFD0]  }
0x1b6: {  	v29 =	vld [tilespmem:s10+$0xFFFFFFD0]  }
0x1b7: {  	v37 =	vld [tilespmem:s12+$0xFFFFFFE0]  }
0x1b8: {  	v27 =	vld [tilespmem:s10+$0xFFFFFFE0]  }
0x1b9: {  	v38 =	vld [tilespmem:s12+$0xFFFFFFF0]  }
0x1ba: {  	v23 =	vld.idx.msk [tilespmem:v26+s23+$0x0], $0xffff  }
0x1bb: {  	v39 =	vld.idx.msk [tilespmem:v25+s24+$0x0], $0xffff  }
0x1bc: {  	v30 =	vld [tilespmem:s10+$0xFFFFFFF0]  }
0x1bd: {  	v40 =	vld [tilespmem:s12+$0x0]  }
0x1be: {  	v31 =	vld [tilespmem:s10+$0x0]  }
0x1bf: {  	v41 =	vld [tilespmem:s12+$0x10]  }
0x1c0: {  	v24 =	vld [tilespmem:s10+$0x10]  }
0x1c1: {  	v39 =	vadd.f32 v39, v23;
	v42 =	vld [tilespmem:s12+$0x20]  }
0x1c2: {  	v23 =	vld [tilespmem:s10+$0x20]  }
0x1c3: {  	v44 =	vmul.f32 $2.000000030e-01, v39;
	v43 =	vld [tilespmem:s12+$0xFFFFFFC0]  }
0x1c4: {  	vm0 =	vge.f32 v39, $0.0e+00;
	v45 =	vld.idx.msk [tilespmem:v28+s24+$0x0], $0xffff  }
0x1c5: {  	v39 =	vsel vm0, v39, v44;
	v46 =	vld.idx.msk [tilespmem:v36+s23+$0x0], $0xffff  }
0x1c6: {  	v39 =	vsub.f32 v39, v1;
	v44 =	vld.idx.msk [tilespmem:v29+s24+$0x0], $0xffff  }
0x1c7: {  	v47 =	vld.idx.msk [tilespmem:v37+s23+$0x0], $0xffff  }
0x1c8: {  	v39 =	vmul.f32 $1.442695020e+00, v39;
	v48 =	vld.idx.msk [tilespmem:v27+s24+$0x0], $0xffff  }
0x1c9: {  	v49 =	vld.idx.msk [tilespmem:v38+s23+$0x0], $0xffff  }
0x1ca: {  	v50 =	vld.idx.msk [tilespmem:v30+s24+$0x0], $0xffff;
	(erf) = vpow2.f32 v39  }
0x1cb: {  	v39 =	vld.idx.msk [tilespmem:v43+s23+$0x0], $0xffff  }
0x1cc: {  	v44 =	vadd.f32 v44, v46;
	v46 =	vld.idx.msk [tilespmem:v40+s23+$0x0], $0xffff  }
0x1cd: {  	v51 =	vld.idx.msk [tilespmem:v31+s24+$0x0], $0xffff  }
0x1ce: {  	vm0 =	vge.f32 v44, $0.0e+00;
	v52 =	vmul.f32 $2.000000030e-01, v44;
	v47 =	vadd.f32 v48, v47;
	v48 =	vld.idx.msk [tilespmem:v41+s23+$0x0], $0xffff  }
0x1cf: {  	v53 =	vld.idx.msk [tilespmem:v24+s24+$0x0], $0xffff  }
0x1d0: {  	vm1 =	vge.f32 v47, $0.0e+00;
	v54 =	vmul.f32 $2.000000030e-01, v47;
	v49 =	vadd.f32 v50, v49;
	v50 =	vld.idx.msk [tilespmem:v42+s23+$0x0], $0xffff  }
0x1d1: {  	v44 =	vsel vm0, v44, v52;
	v39 =	vadd.f32 v45, v39;
	v45 =	vld.idx.msk [tilespmem:v23+s24+$0x0], $0xffff  }
0x1d2: {  	v47 =	vsel vm1, v47, v54;
	vm0 =	vge.f32 v49, $0.0e+00;
	v52 =	vmul.f32 $2.000000030e-01, v49;
	[tilespmem:v5+s4+$0x0] =	vst.idx.add.f32.msk $0xffff, v32  }
0x1d3: {  	vm1 =	vge.f32 v39, $0.0e+00;
	v54 =	vmul.f32 $2.000000030e-01, v39;
	v46 =	vadd.f32 v51, v46;
	v32 =	vpop (erf);
	[tilespmem:v6+s4+$0x0] =	vst.idx.add.f32.msk $0xffff, v33  }
0x1d4: {  	v33 =	vsub.f32 v44, v1;
	v44 =	vsel vm0, v49, v52;
	[tilespmem:v25+s25+$0x0] =	vst.idx.add.f32.msk $0xffff, v32  }
0x1d5: {  	vm0 =	vge.f32 v46, $0.0e+00;
	v49 =	vmul.f32 $2.000000030e-01, v46;
	v48 =	vadd.f32 v53, v48;
	v51 =	vld.idx.msk [tilespmem:v26+s1+$0x0], $0xffff  }
0x1d6: {  	v47 =	vsub.f32 v47, v1;
	v39 =	vsel vm1, v39, v54;
	v44 =	vsub.f32 v44, v1;
	v52 =	vld.idx.msk [tilespmem:v15+s22+$0x0], $0xffff  }
0x1d7: {  	vm1 =	vge.f32 v48, $0.0e+00;
	v53 =	vmul.f32 $2.000000030e-01, v48;
	v45 =	vadd.f32 v45, v50;
	v15 =	vmovc v43;
	[tilespmem:v7+s4+$0x0] =	vst.idx.add.f32.msk $0xffff, v34  }
0x1d8: {  	v33 =	vmul.f32 $1.442695020e+00, v33;
	v34 =	vsub.f32 v39, v1;
	v39 =	vsel vm0, v46, v49;
	[tilespmem:v8+s4+$0x0] =	vst.idx.add.f32.msk $0xffff, v35  }
0x1d9: {  	v35 =	vsel vm1, v48, v53;
	vm0 =	vge.f32 v45, $0.0e+00;
	v43 =	vmul.f32 $2.000000030e-01, v45;
	v46 =	vld.idx.msk [tilespmem:v9+s22+$0x0], $0xffff;
	v9 =	vmovc v36  }
0x1da: {  	v34 =	vmul.f32 $1.442695020e+00, v34;
	v36 =	vsub.f32 v39, v1;
	v35 =	vsub.f32 v35, v1;
	v39 =	vld.idx.msk [tilespmem:v10+s22+$0x0], $0xffff;
	v10 =	vmovc v37  }
0x1db: {  	v37 =	vmul.f32 $1.442695020e+00, v47;
	v43 =	vsel vm0, v45, v43;
	v45 =	vmul.f32 v32, v51;
	v47 =	vld.idx.msk [tilespmem:v11+s22+$0x0], $0xffff;
	v11 =	vmovc v38  }
0x1dc: {  	v38 =	vmul.f32 $1.442695020e+00, v44;
	v36 =	vmul.f32 $1.442695020e+00, v36;
	v43 =	vsub.f32 v43, v1;
	v44 =	vld.idx.msk [tilespmem:v12+s22+$0x0], $0xffff;
	v12 =	vmovc v40  }
0x1dd: {  	v35 =	vmul.f32 $1.442695020e+00, v35;
	[tilespmem:v25+s26+$0x0] =	vst.idx.add.f32.msk $0xffff, v45;
	(erf) = vpow2.f32 v34  }
0x1de: {  	v34 =	vmul.f32 $1.442695020e+00, v43;
	v40 =	vld.idx.msk [tilespmem:v26+s20+$0x0], $0xffff;
	(erf) = vpow2.f32 v33  }
0x1df: {  	v22 =	vmul.f32 v52, v22;
	(erf) = vpow2.f32 v37;
	v33 =	vld.idx.msk [tilespmem:v13+s22+$0x0], $0xffff;
	v13 =	vmov v41  }
0x1e0: {  	v21 =	vmul.f32 v46, v21;
	(erf) = vpow2.f32 v38;
	v37 =	vld.idx.msk [tilespmem:v14+s22+$0x0], $0xffff;
	v14 =	vmov v42  }
0x1e1: {  	v20 =	vmul.f32 v39, v20;
	(erf) = vpow2.f32 v36;
	[tilespmem:v2+s5+$0x0] =	vst.idx.add.f32.msk $0xffff, v22;
	v2 =	vmov v28  }
0x1e2: {  	v19 =	vmul.f32 v47, v19;
	(erf) = vpow2.f32 v35;
	[tilespmem:v3+s5+$0x0] =	vst.idx.add.f32.msk $0xffff, v21;
	v3 =	vmov v29  }
0x1e3: {  	v18 =	vmul.f32 v44, v18;
	(erf) = vpow2.f32 v34;
	[tilespmem:v4+s5+$0x0] =	vst.idx.add.f32.msk $0xffff, v20;
	v4 =	vmov v27  }
0x1e4: {  	v20 =	vmul.f32 v32, v40;
	[tilespmem:v5+s5+$0x0] =	vst.idx.add.f32.msk $0xffff, v19;
	v5 =	vmov v30  }
0x1e5: {  	v27 =	vmul.f32 v33, v17;
	[tilespmem:v6+s5+$0x0] =	vst.idx.add.f32.msk $0xffff, v18;
	v6 =	vmov v31  }
0x1e6: {  	v28 =	vmul.f32 v37, v16;
	[tilespmem:v25+s28+$0x0] =	vst.idx.add.f32.msk $0xffff, v20;
	v22 =	vpop (erf)  }
0x1e7: {  	v29 =	vld.idx.msk [tilespmem:v26+s21+$0x0], $0xffff;
	v21 =	vpop (erf)  }
0x1e8: {  	[tilespmem:v2+s25+$0x0] =	vst.idx.add.f32.msk $0xffff, v22;
	v20 =	vpop (erf)  }
0x1e9: {  	[tilespmem:v3+s25+$0x0] =	vst.idx.add.f32.msk $0xffff, v21;
	v19 =	vpop (erf)  }
0x1ea: {  	[tilespmem:v4+s25+$0x0] =	vst.idx.add.f32.msk $0xffff, v20;
	v18 =	vpop (erf)  }
0x1eb: {  	[tilespmem:v30+s25+$0x0] =	vst.idx.add.f32.msk $0xffff, v19;
	v17 =	vpop (erf)  }
0x1ec: {  	[tilespmem:v31+s25+$0x0] =	vst.idx.add.f32.msk $0xffff, v18;
	v16 =	vpop (erf)  }
0x1ed: {  	v29 =	vmul.f32 v32, v29;
	[tilespmem:v24+s25+$0x0] =	vst.idx.add.f32.msk $0xffff, v17  }
0x1ee: {  	[tilespmem:v23+s25+$0x0] =	vst.idx.add.f32.msk $0xffff, v16  }
0x1ef: {  	[tilespmem:v25+s4+$0x0] =	vst.idx.add.f32.msk $0xffff, v29  }
0x1f0: {  	v26 =	vld.idx.msk [tilespmem:v26+s22+$0x0], $0xffff  }
0x1f1: {  	v29 =	vld.idx.msk [tilespmem:v15+s1+$0x0], $0xffff  }
0x1f2: {  	v30 =	vld.idx.msk [tilespmem:v9+s1+$0x0], $0xffff  }
0x1f3: {  	v31 =	vld.idx.msk [tilespmem:v10+s1+$0x0], $0xffff  }
0x1f4: {  	v33 =	vld.idx.msk [tilespmem:v11+s1+$0x0], $0xffff  }
0x1f5: {  	v34 =	vld.idx.msk [tilespmem:v12+s1+$0x0], $0xffff  }
0x1f6: {  	v26 =	vmul.f32 v26, v32;
	v35 =	vld.idx.msk [tilespmem:v13+s1+$0x0], $0xffff  }
0x1f7: {  	v29 =	vmul.f32 v22, v29;
	v32 =	vld.idx.msk [tilespmem:v14+s1+$0x0], $0xffff  }
0x1f8: {  	v30 =	vmul.f32 v21, v30;
	[tilespmem:v25+s5+$0x0] =	vst.idx.add.f32.msk $0xffff, v26  }
0x1f9: {  	v25 =	vmul.f32 v20, v31;
	[tilespmem:v2+s26+$0x0] =	vst.idx.add.f32.msk $0xffff, v29  }
0x1fa: {  	v26 =	vmul.f32 v19, v33;
	[tilespmem:v3+s26+$0x0] =	vst.idx.add.f32.msk $0xffff, v30  }
0x1fb: {  	[tilespmem:v4+s26+$0x0] =	vst.idx.add.f32.msk $0xffff, v25;
	v25 =	vmul.f32 v18, v34  }
0x1fc: {  	[tilespmem:v5+s26+$0x0] =	vst.idx.add.f32.msk $0xffff, v26;
	v26 =	vmul.f32 v17, v35  }
0x1fd: {  	[tilespmem:v6+s26+$0x0] =	vst.idx.add.f32.msk $0xffff, v25;
	v25 =	vmul.f32 v16, v32  }
0x1fe: {  	[tilespmem:v24+s26+$0x0] =	vst.idx.add.f32.msk $0xffff, v26  }
0x1ff: {  	[tilespmem:v23+s26+$0x0] =	vst.idx.add.f32.msk $0xffff, v25  }
0x200: {  	v25 =	vld.idx.msk [tilespmem:v15+s20+$0x0], $0xffff  }
0x201: {  	v26 =	vld.idx.msk [tilespmem:v9+s20+$0x0], $0xffff  }
0x202: {  	v29 =	vld.idx.msk [tilespmem:v10+s20+$0x0], $0xffff  }
0x203: {  	v30 =	vld.idx.msk [tilespmem:v11+s20+$0x0], $0xffff  }
0x204: {  	v31 =	vld.idx.msk [tilespmem:v12+s20+$0x0], $0xffff  }
0x205: {  	v32 =	vld.idx.msk [tilespmem:v13+s20+$0x0], $0xffff  }
0x206: {  	v25 =	vmul.f32 v22, v25;
	v33 =	vld.idx.msk [tilespmem:v14+s20+$0x0], $0xffff  }
0x207: {  	v26 =	vmul.f32 v21, v26;
	[tilespmem:v7+s5+$0x0] =	vst.idx.add.f32.msk $0xffff, v27;
	v7 =	vmov v24  }
0x208: {  	v24 =	vmul.f32 v20, v29;
	[tilespmem:v2+s28+$0x0] =	vst.idx.add.f32.msk $0xffff, v25  }
0x209: {  	v25 =	vmul.f32 v19, v30;
	[tilespmem:v3+s28+$0x0] =	vst.idx.add.f32.msk $0xffff, v26  }
0x20a: {  	[tilespmem:v4+s28+$0x0] =	vst.idx.add.f32.msk $0xffff, v24;
	v24 =	vmul.f32 v18, v31  }
0x20b: {  	[tilespmem:v5+s28+$0x0] =	vst.idx.add.f32.msk $0xffff, v25;
	v25 =	vmul.f32 v17, v32  }
0x20c: {  	[tilespmem:v6+s28+$0x0] =	vst.idx.add.f32.msk $0xffff, v24;
	v24 =	vmul.f32 v16, v33  }
0x20d: {  	[tilespmem:v7+s28+$0x0] =	vst.idx.add.f32.msk $0xffff, v25  }
0x20e: {  	[tilespmem:v23+s28+$0x0] =	vst.idx.add.f32.msk $0xffff, v24  }
0x20f: {  	v24 =	vld.idx.msk [tilespmem:v15+s21+$0x0], $0xffff  }
0x210: {  	v26 =	vld.idx.msk [tilespmem:v9+s21+$0x0], $0xffff  }
0x211: {  	v27 =	vld.idx.msk [tilespmem:v10+s21+$0x0], $0xffff  }
0x212: {  	v29 =	vld.idx.msk [tilespmem:v11+s21+$0x0], $0xffff  }
0x213: {  	v30 =	vld.idx.msk [tilespmem:v12+s21+$0x0], $0xffff  }
0x214: {  	v25 =	vld.idx.msk [tilespmem:v13+s21+$0x0], $0xffff  }
.Ltmp4:
0x215: {  	v31 =	vmul.f32 v22, v24;
	v24 =	vld.idx.msk [tilespmem:v14+s21+$0x0], $0xffff;
	(pc) =	sbr.rel @p2 .LBB2_7-.Ltmp4, $4  }
0x216: {  	v26 =	vmul.f32 v21, v26;
	[tilespmem:v8+s5+$0x0] =	vst.idx.add.f32.msk $0xffff, v28;
	v8 =	vmov v23  }
0x217: {  	v23 =	vmul.f32 v20, v27;
	[tilespmem:v2+s4+$0x0] =	vst.idx.add.f32.msk $0xffff, v31  }
0x218: {  	v32 =	vmul.f32 v19, v29;
	[tilespmem:v3+s4+$0x0] =	vst.idx.add.f32.msk $0xffff, v26  }
0x219: {  	s12 =	sadd.s32 $0x80, s12;
	v33 =	vmul.f32 v18, v30;
	[tilespmem:v4+s4+$0x0] =	vst.idx.add.f32.msk $0xffff, v23  }
0x21a: {  	_ =	sdelay $0x3  }
0x21b: {  	[tilespmem:v5+s4+$0x0] =	vst.idx.add.f32.msk $0xffff, v32  }
0x21c: {  	v15 =	vld.idx.msk [tilespmem:v15+s22+$0x0], $0xffff  }
0x21d: {  	v9 =	vld.idx.msk [tilespmem:v9+s22+$0x0], $0xffff  }
0x21e: {  	v10 =	vld.idx.msk [tilespmem:v10+s22+$0x0], $0xffff  }
0x21f: {  	v23 =	vmul.f32 v17, v25;
	[tilespmem:v6+s4+$0x0] =	vst.idx.add.f32.msk $0xffff, v33  }
0x220: {  	v24 =	vmul.f32 v16, v24;
	v11 =	vld.idx.msk [tilespmem:v11+s22+$0x0], $0xffff  }
0x221: {  	[tilespmem:v7+s4+$0x0] =	vst.idx.add.f32.msk $0xffff, v23  }
0x222: {  	[tilespmem:v8+s4+$0x0] =	vst.idx.add.f32.msk $0xffff, v24  }
0x223: {  	v12 =	vld.idx.msk [tilespmem:v12+s22+$0x0], $0xffff  }
0x224: {  	v13 =	vld.idx.msk [tilespmem:v13+s22+$0x0], $0xffff;
	v15 =	vmul.f32 v15, v22  }
0x225: {  	v14 =	vld.idx.msk [tilespmem:v14+s22+$0x0], $0xffff;
	v9 =	vmul.f32 v9, v21  }
0x226: {  	[tilespmem:v2+s5+$0x0] =	vst.idx.add.f32.msk $0xffff, v15;
	v2 =	vmul.f32 v10, v20  }
0x227: {  	[tilespmem:v3+s5+$0x0] =	vst.idx.add.f32.msk $0xffff, v9;
	v3 =	vmul.f32 v11, v19  }
.Ltmp5:
0x228: {  	[tilespmem:v4+s5+$0x0] =	vst.idx.add.f32.msk $0xffff, v2;
	v2 =	vmul.f32 v12, v18;
	(pc) =	sbr.rel @p1 .LBB2_10-.Ltmp5, $4  }
0x229: {  	[tilespmem:v5+s5+$0x0] =	vst.idx.add.f32.msk $0xffff, v3;
	v3 =	vmul.f32 v13, v17  }
0x22a: {  	[tilespmem:v6+s5+$0x0] =	vst.idx.add.f32.msk $0xffff, v2;
	v2 =	vmul.f32 v14, v16  }
0x22b: {  	[tilespmem:v7+s5+$0x0] =	vst.idx.add.f32.msk $0xffff, v3  }
0x22c: {  	[tilespmem:v8+s5+$0x0] =	vst.idx.add.f32.msk $0xffff, v2  }
0x22d: {  	s10 =	smul.u32 $0x1900, s9;
	_ =	sdelay $0x1  }
0x22e: {  	s10 =	sshrl.u32 s10, $0x3  }
.Ltmp6:
0x22f: {  	s10 =	sadd.s32 $0x4B0, s10;
	(pc) =	sbr.rel .LBB2_4-.Ltmp6, $4  }
0x230: {  	s11 =	sadd.s32 s2, s10  }
0x231: {  	[tilespmem:s29], [sflag:$0x2] =	stream.linear.gather [hbm4b:s11+s1], $0xC80, $0x38;
	[tilespmem:$0x1E780] =	vst v63  }
0x232: {  	s9 =	sadd.s32 $0x1, s9;
	s10 =	sadd.s32 s3, s10  }
0x233: {  	[tilespmem:s30], [sflag:$0x4] =	stream.linear.gather [hbm4b:s10+s1], $0xC80, $0x38;
	[tilespmem:$0x1E780] =	vst v63  }
.LBB2_11:
0x234: {  	_ =	sfence.sel $0x180000  }
0x235: {  	[bflag:$0x0] =	sbarrier.arrive $0xFFFF  }
0x236: {  	_ =	strace $0x9000004A  }
0x237: {  	[bflag:$0x2] =	sbarrier.arrive $0xFFFF  }
0x238: {  	s0 =	rddreg [dreg:$0x2]  }
0x239: {  	s0 =	sadd.s32 @!p0 $0x100000, s0  }
0x23a: {  	[sflag:s0] =	ssyncadd.tile.s32 @!p0 $0x1;
	_ =	shalt  }
.Lfunc_end2:
_tile_overlayer_lowered:
.L_overlay_start_2:
0x23b: {  	(tag) =	ssettag $0x2  }
0x23c: {  	s0 =	rddreg [dreg:$0x0];
	s2 =	stileid.u32  }
0x23d: {  	s1 =	rddreg [dreg:$0x1];
	p0 =	sne.s32 s2, $0x0  }
0x23e: {  	s3 =	rddreg [dreg:$0x2];
	[bflag:$0x3] =	sbarrier.arrive $0xFFFF;
	s2 =	simm.s32 @!p0 $0x1C05  }
0x23f: {  	[timem:s3], [sflag:s2] =	dma.local @!p0 [hbm:s0], s1  }
0x240: {  	s0 =	simm.s32 @!p0 $0x5  }
0x241: {  	_ =	swait.ge @!p0 [sflag:s0], s1  }
0x242: {  	s1 =	ssub.s32 @!p0 $0x0, s1;
	[sflag:s0] =	ssyncset.done @!p0 $0x0  }
0x243: {  	[sflag:s0] =	ssyncadd.s32 @!p0 s1  }
0x244: {  	[bflag:$0x3] =	sbarrier.arrive $0xFFFF  }
0x245: {  	_ =	shalt  }

// kernel: kernel.8.cloned.1.call-start
scs
__scs_entry_jumppad:
0x0: {  	(pc) =	sbr.rel $0x88, $3  }
0x1: {  	(tag) =	ssettag $0x0;
	lr =	simm.s32 $0x1  }
0x2: {  	[smem:$0x3F90] =	sst lr;
	_ =	strace $0xD0000000  }
0x3: {  	_ = 	snop  }
0x4: {  	_ = 	snop  }
0x5: {  	_ = 	snop  }
0x6: {  	_ = 	snop  }
0x7: {  	_ = 	snop  }
__scs_overlays_trampoline_lowered:
0x8: {  	[smem:$0x3F9F] =	sst s0  }
0x9: {  	[smem:$0x3FA0] =	sst s1  }
0xa: {  	[smem:$0x3FA1] =	sst s2  }
0xb: {  	[smem:$0x3FA2] =	sst s3  }
0xc: {  	[smem:$0x3FA3] =	sst s4  }
0xd: {  	[smem:$0x3FA4] =	sst s5  }
0xe: {  	[smem:$0x3FA5] =	sst s6  }
0xf: {  	[smem:$0x3FA6] =	sst s7  }
0x10: {  	[smem:$0x3FA7] =	sst s8  }
0x11: {  	[smem:$0x3FA8] =	sst s9;
	s0 =	simm.s32 @!p0 $0x0  }
0x12: {  	s1 =	sld [smem:$0x3F8E];
	s0 =	simm.s32 @p0 $0x1  }
0x13: {  	[smem:$0x3FA9] =	sst s0;
	s0 =	simm.s32 @!p1 $0x0  }
0x14: {  	s2 =	sld [smem:$0x3F8D];
	s0 =	simm.s32 @p1 $0x1  }
0x15: {  	[smem:$0x3FAA] =	sst s0;
	s0 =	simm.s32 @!p2 $0x0  }
0x16: {  	s3 =	sld [smem:$0x3FDB];
	s0 =	simm.s32 @p2 $0x1  }
0x17: {  	s4 =	simm.s32 $0x1BF5;
	[smem:$0x3FAC] =	sst s0  }
0x18: {  	s0 =	sld [smem:$0x3F8F];
	_ =	swait.ge [sflag:s4], $0x0  }
0x19: {  	s7 =	sld [smem:$0x3F90]  }
0x1a: {  	s8 =	sadd.s32 $0xFFFFE003, lr  }
0x1b: {  	s9 =	sadd.s32 $0xFFFFFEF7, lr;
	s5 =	simm.s32 $0xFFFFFFFF;
	p2 =	slt.u32 s8, $0xFFFFF086  }
0x1c: {  	p1 =	slt.u32 s9, $0xF7A;
	s5 =	simm.s32 @!p2 $0x0  }
0x1d: {  	s5 =	simm.s32 @p1 $0x1;
	p0 =	seq.s32 s7, s2  }
0x1e: {  	s7 =	smul.u32 @!p0 $0xF7A, s2;
	p2 =	seq.s32 @!p0 s5, $0x0  }
0x1f: {  	s9 =	smul.u32 $0xF7A, s1;
	s8 =	simm.s32 @!p0 $0x1BF5;
	p2 =	por !p2, p0  }
0x20: {  	[sflag:s8] =	ssyncset.s32 @!p0 $0xFFFFF086;
	s6 =	sadd.s32 @!p0 s3, s7;
	s7 =	simm.s32 @!p0 $0x108  }
0x21: {  	s3 =	sadd.s32 s3, s9;
	s6 =	sadd.s32 @!p0 $0x88, s6;
	s7 =	simm.s32 @p2 $0x1082  }
0x22: {  	[simem:s7], [sflag:s8] =	dma.local @!p0 [hbm:s6], $0xF7A  }
0x23: {  	s9 =	sor.u32 $0xD0000000, s2;
	s6 =	simm.s32 $0x108;
	_ =	swait.ge @!p0 [sflag:s8], $0x0  }
0x24: {  	s3 =	sadd.s32 $0x88, s3;
	s6 =	simm.s32 @!p1 $0x1082;
	[sflag:s4] =	ssyncset.s32 $0xFFFFF086  }
0x25: {  	[simem:s6], [sflag:s4] =	dma.local [hbm:s3], $0xF7A  }
0x26: {  	[smem:$0x3F90] =	sst s1;
	(tag) =	ssettag s2;
	_ =	strace s9  }
0x27: {  	s1 =	sld [smem:$0x3FA0]  }
0x28: {  	s2 =	sld [smem:$0x3FA1]  }
0x29: {  	s4 =	sld [smem:$0x3FA3]  }
0x2a: {  	p0 =	seq.s32 s5, $0x0;
	s5 =	sld [smem:$0x3FA4]  }
0x2b: {  	s6 =	sld [smem:$0x3FA5]  }
0x2c: {  	s7 =	sld [smem:$0x3FA6]  }
0x2d: {  	s3 =	simm.s32 $0x108;
	s8 =	sld [smem:$0x3FA7]  }
0x2e: {  	s3 =	simm.s32 @!p0 $0x1082;
	s9 =	sld [smem:$0x3FA8]  }
0x2f: {  	lr =	sadd.s32 s0, s3;
	s0 =	sld [smem:$0x3F9F]  }
0x30: {  	s3 =	sld [smem:$0x3FA2]  }
0x31: {  	[smem:$0x3FAB] =	sst s10  }
0x32: {  	s10 =	sld [smem:$0x3FA9];
	_ =	sdelay $0x3  }
0x33: {  	p0 =	seq.s32 s10, $0x1;
	s10 =	sld [smem:$0x3FAB];
	_ =	sdelay $0x3  }
0x34: {  	[smem:$0x3FAB] =	sst s10  }
0x35: {  	s10 =	sld [smem:$0x3FAA];
	_ =	sdelay $0x3  }
0x36: {  	p1 =	seq.s32 s10, $0x1;
	s10 =	sld [smem:$0x3FAB];
	_ =	sdelay $0x3  }
0x37: {  	[smem:$0x3FAB] =	sst s10  }
0x38: {  	s10 =	sld [smem:$0x3FAC]  }
0x39: {  	_ = 	snop;
	(pc) =	sbr.ind lr, $3  }
0x3a: {  	_ = 	snop  }
0x3b: {  	_ = 	snop  }
0x3c: {  	p2 =	seq.s32 s10, $0x1;
	s10 =	sld [smem:$0x3FAB]  }
0x3d: {  	_ =	shalt  }
0x3e: {  	_ =	shalt  }
0x3f: {  	_ =	shalt  }
0x40: {  	_ =	shalt  }
0x41: {  	_ =	shalt  }
0x42: {  	_ =	shalt  }
0x43: {  	_ =	shalt  }
0x44: {  	_ =	shalt  }
0x45: {  	_ =	shalt  }
0x46: {  	_ =	shalt  }
0x47: {  	_ =	shalt  }
0x48: {  	_ =	shalt  }
0x49: {  	_ =	shalt  }
0x4a: {  	_ =	shalt  }
0x4b: {  	_ =	shalt  }
0x4c: {  	_ =	shalt  }
0x4d: {  	_ =	shalt  }
0x4e: {  	_ =	shalt  }
0x4f: {  	_ =	shalt  }
0x50: {  	_ =	shalt  }
0x51: {  	_ =	shalt  }
0x52: {  	_ =	shalt  }
0x53: {  	_ =	shalt  }
0x54: {  	_ =	shalt  }
0x55: {  	_ =	shalt  }
0x56: {  	_ =	shalt  }
0x57: {  	_ =	shalt  }
0x58: {  	_ =	shalt  }
0x59: {  	_ =	shalt  }
0x5a: {  	_ =	shalt  }
0x5b: {  	_ =	shalt  }
0x5c: {  	_ =	shalt  }
0x5d: {  	_ =	shalt  }
0x5e: {  	_ =	shalt  }
0x5f: {  	_ =	shalt  }
0x60: {  	_ =	shalt  }
0x61: {  	_ =	shalt  }
0x62: {  	_ =	shalt  }
0x63: {  	_ =	shalt  }
0x64: {  	_ =	shalt  }
0x65: {  	_ =	shalt  }
0x66: {  	_ =	shalt  }
0x67: {  	_ =	shalt  }
0x68: {  	_ =	shalt  }
0x69: {  	_ =	shalt  }
0x6a: {  	_ =	shalt  }
0x6b: {  	_ =	shalt  }
0x6c: {  	_ =	shalt  }
0x6d: {  	_ =	shalt  }
0x6e: {  	_ =	shalt  }
0x6f: {  	_ =	shalt  }
0x70: {  	_ =	shalt  }
0x71: {  	_ =	shalt  }
0x72: {  	_ =	shalt  }
0x73: {  	_ =	shalt  }
0x74: {  	_ =	shalt  }
0x75: {  	_ =	shalt  }
0x76: {  	_ =	shalt  }
0x77: {  	_ =	shalt  }
0x78: {  	_ =	shalt  }
0x79: {  	_ =	shalt  }
0x7a: {  	_ =	shalt  }
0x7b: {  	_ =	shalt  }
0x7c: {  	_ =	shalt  }
0x7d: {  	_ =	shalt  }
0x7e: {  	_ =	shalt  }
0x7f: {  	_ =	shalt  }
0x80: {  	_ =	shalt  }
0x81: {  	_ =	shalt  }
0x82: {  	_ =	shalt  }
0x83: {  	_ =	shalt  }
0x84: {  	_ =	shalt  }
0x85: {  	_ =	shalt  }
0x86: {  	_ =	shalt  }
0x87: {  	_ =	shalt  }
.Lfunc_end0:
.L_simem_size_0:
called_computation_lowered:
.L_overlay_start_0:
0x88: {  	s2 =	sld [smem:$0x3FD9]  }
0x89: {  	s3 =	sld [smem:$0x3FFE];
	_ =	sdelay $0x1  }
0x8a: {  	s1 =	srdreg.scid  }
0x8b: {  	s0 =	sand.u32 $0x1, s1  }
0x8c: {  	s17 =	sshll.u32 s0, $0xA;
	s2 =	sadd.s32 s3, s2  }
0x8d: {  	s2 =	sadd.s32 s2, s17  }
0x8e: {  	[smem:$0x3FB7] =	sst s2  }
0x8f: {  	_ = 	snop  }
0x90: {  	s2 =	sld [smem:$0x3FD0];
	(tm) =	ssettm $0x1  }
0x91: {  	s18 =	sld [smem:$0x3FFB];
	_ =	sdelay $0x3  }
0x92: {  	_ =	strace s18  }
0x93: {  	s3 =	sld [smem:$0x3FFC];
	_ =	sdelay $0x3  }
0x94: {  	_ =	strace s3  }
0x95: {  	s3 =	sld [smem:$0x3FFD];
	_ =	sdelay $0x3  }
0x96: {  	_ =	strace s3  }
0x97: {  	_ =	strace $0x8FFFFFFF  }
0x98: {  	s19 =	sld [smem:$0x3FDB];
	_ =	sdelay $0x1  }
0x99: {  	s4 =	simm.s32 $_scs_section_size  }
0x9a: {  	s5 =	simm.s32 $_size__tile_overlayer_lowered;
	s6 =	simm.s32 $_tile_overlayer_lowered  }
0x9b: {  	s22 =	simm.s32 $0x1BFF;
	s21 =	sshll.u32 s6, $0x1;
	s3 =	sadd.s32 s4, s19  }
0x9c: {  	s7 =	simm.s32 $0x0;
	s20 =	sshll.u32 s5, $0x1;
	s5 =	sadd.s32 s21, s3  }
0x9d: {  	[timem:s7], [sflag:s22] =	dma.local [hbm:s5], s20  }
0x9e: {  	_ =	swait.ge [sflag:s22], s20  }
0x9f: {  	s4 =	ssub.s32 $0x0, s20;
	[sflag:s22] =	ssyncset.done $0x0  }
0xa0: {  	[sflag:s22] =	ssyncadd.s32 s4;
	_ =	sdelay $0x1  }
0xa1: {  	s23 =	simm.s32 $0x1B8B  }
0xa2: {  	_ =	swait.ge [sflag:s23], $0x1  }
0xa3: {  	[sflag:s23] =	ssyncset.done $0x0  }
0xa4: {  	s25 =	simm.s32 $0x1B8E;
	s24 =	sld [smem:$0x3FFE];
	[sflag:s23] =	ssyncadd.s32 $0xFFFFFFFF  }
0xa5: {  	s26 =	simm.s32 $execute0_lowered;
	[smem:$0x3FD2] =	sst s25  }
0xa6: {  	s5 =	sshll.u32 s26, $0x1;
	_ =	strace $0x80000046;
	[dreg:$0x1] =	wrdreg $0xFFFFFFFF  }
0xa7: {  	s28 =	simm.s32 $_size_execute0_lowered;
	s3 =	sadd.s32 s3, s5;
	[dreg:$0x0] =	wrdreg $0x0  }
0xa8: {  	s5 =	sshll.u32 s28, $0x1;
	[dreg:$0x2] =	wrdreg s3  }
0xa9: {  	[dreg:$0x3] =	wrdreg s5  }
0xaa: {  	[dreg:$0x4] =	wrdreg $0xC0  }
0xab: {  	_ =	task [dreg:s7], $0x5FFFF  }
0xac: {  	[dreg:$0x1] =	wrdreg $0xFFFFFFFF  }
0xad: {  	[dreg:$0x0] =	wrdreg $0x60  }
0xae: {  	[dreg:$0x2] =	wrdreg s24  }
0xaf: {  	[dreg:$0x3] =	wrdreg s2  }
0xb0: {  	[dreg:$0x4] =	wrdreg $0x9  }
0xb1: {  	_ =	task.clear_ibuf [dreg:s7], $0x5FFFF;
	_ =	strace $0x90000046  }
0xb2: {  	s29 =	simm.s32 $0x9;
	_ =	strace $0x80000048  }
0xb3: {  	_ =	swait.ge [sflag:s29], $0x1  }
0xb4: {  	[sflag:s29] =	ssyncadd.s32 $0xFFFFFFFF  }
0xb5: {  	_ =	strace $0x90000048  }
0xb6: {  	_ =	sfence  }
0xb7: {  	s30 =	sld [smem:$0x0];
	_ =	sdelay $0x2  }
0xb8: {  	s31 =	sshll.u32 s1, $0xD;
	s1 =	sshrl.u32 s1, $0x2  }
0xb9: {  	s3 =	sand.u32 $0x4000, s31;
	s1 =	sadd.s32 s1, s30  }
0xba: {  	s0 =	sor.u32 s3, s0;
	s1 =	sshll.u32 s1, $0x11  }
0xbb: {  	s0 =	sor.u32 s1, s0  }
0xbc: {  	s0 =	sadd.s32 $0x8F2B, s0  }
0xbd: {  	[sflag:s0] =	ssyncadd.remote.s32 $0x1  }
0xbe: {  	_ =	sfence.sel $0xFFFF  }
0xbf: {  	[dreg:$0x0] =	wrdreg $0xFFFFFFFF;
	(pc) =	sbr.abs _section_cstart, $3  }
0xc0: {  	[dreg:$0x1] =	wrdreg $0xFFFFFFFF  }
0xc1: {  	_ =	task.clear_ibuf [dreg:s7], $0x2FFFF;
	_ =	strace $0x9FFFFFFF  }
0xc2: {  	(tm) =	ssettm $0x7FFFFFFF  }
0xc3: {  	_ =	shalt  }
tec
execute0_lowered:
.L_overlay_start_1:
0x0: {  	(tag) =	ssettag $0x1  }
0x1: {  	s0 =	rddreg [dreg:$0x0]  }
0x2: {  	s4 =	rddreg [dreg:$0x1];
	s1 =	simm.s32 $0x0  }
0x3: {  	s2 =	srdreg.scid;
	s6 =	stileid.u32;
	s19 =	simm.s32 $0x5  }
0x4: {  	s29 =	simm.s32 $0x1C180;
	s30 =	simm.s32 $0x1DA80;
	s31 =	simm.s32 $0x1  }
0x5: {  	s28 =	simm.s32 $0xC600;
	[smem:$0x7FF] =	sst s1;
	s5 =	sand.u32 $0x1, s2  }
0x6: {  	s3 =	sshll.u32 s6, $0x2;
	s7 =	sadd.s32 $0x1C00, s0;
	s10 =	sadd.s32 $0x40C00, s0  }
0x7: {  	s25 =	sadd.s32 $0x2C590, s0;
	p0 =	sne.s32 s6, $0x0;
	s6 =	simm.s32 $0x2  }
0x8: {  	_ =	strace $0x80000047;
	s2 =	sshll.u32 s5, $0x6;
	s8 =	smul.u32 $0x2800, s5  }
0x9: {  	s11 =	ssub.s32 $0x2, s5;
	s5 =	sshll.u32 s5, $0x1;
	[dreg:$0xa] =	wrdreg s25  }
0xa: {  	s25 =	simm.s32 $0x18D00;
	s9 =	sor.u32 s3, s2;
	s2 =	sadd.s32 $0x2C400, s0  }
0xb: {  	s3 =	sadd.s32 $0x36800, s0;
	s12 =	sshrl.u32 s11, $0x1;
	s4 =	sadd.s32 s4, s5  }
0xc: {  	s5 =	simm.s32 $0x11600;
	s9 =	smul.u32 $0x2800, s9;
	s8 =	sshrl.u32 s8, $0x3  }
0xd: {  	s11 =	ssub.s32 s11, s12;
	[dreg:$0x9] =	wrdreg s4;
	s4 =	simm.s32 $0xEE00  }
0xe: {  	s8 =	sadd.s32 s8, s0;
	s0 =	sadd.s32 $0x36990, s0;
	s18 =	smax.u32 s11, $0x1  }
0xf: {  	s9 =	sshrl.u32 s9, $0x3;
	s23 =	sadd.s32 $0x29C00, s8;
	s24 =	sadd.s32 $0x2A600, s8  }
0x10: {  	[dreg:$0xb] =	wrdreg s0;
	s17 =	sadd.s32 $0x68C00, s8;
	s0 =	simm.s32 $0x3  }
0x11: {  	s8 =	simm.s32 $0x0;
	s20 =	sadd.s32 s7, s9;
	s21 =	sadd.s32 $0x500, s9  }
0x12: {  	s15 =	sadd.s32 $0xA00, s9;
	s16 =	sadd.s32 $0xF00, s9;
	[dreg:$0x7] =	wrdreg s23  }
0x13: {  	[dreg:$0x8] =	wrdreg s24;
	s26 =	sadd.s32 s10, s9;
	s23 =	simm.s32 $0x13E00  }
0x14: {  	s24 =	simm.s32 $0x16580;
	[dreg:$0x3] =	wrdreg s20;
	s13 =	sadd.s32 s7, s21  }
.Ltmp0:
0x15: {  	s22 =	sadd.s32 s7, s15;
	s7 =	sadd.s32 s7, s16;
	(pc) =	sbr.rel .LBB2_1-.Ltmp0, $4  }
0x16: {  	[dreg:$0xc] =	wrdreg s26;
	s14 =	sadd.s32 s10, s21;
	s15 =	sadd.s32 s10, s15  }
0x17: {  	s16 =	sadd.s32 s10, s16;
	s20 =	simm.s32 $0x2780;
	[dreg:$0x4] =	wrdreg s13  }
0x18: {  	s21 =	simm.s32 $0x4F00;
	s26 =	simm.s32 $0x9E00;
	[dreg:$0x5] =	wrdreg s22  }
0x19: {  	v0 =	vimm.f32 $0.0e+00;
	[dreg:$0x6] =	wrdreg s7;
	s22 =	simm.s32 $0x7680;
	s7 =	simm.s32 $0x4  }
.LBB2_10:
0x1a: {  	[tilespmem:$0xC510] =	vst v0  }
0x1b: {  	[tilespmem:$0xED10] =	vst v0  }
0x1c: {  	[tilespmem:$0x11510] =	vst v0  }
0x1d: {  	[tilespmem:$0x13D10] =	vst v0  }
0x1e: {  	[tilespmem:$0x1B410] =	vst v0;
	s9 =	rddreg [dreg:$0xc]  }
0x1f: {  	[hbm4b:s9+s1] =	stream.linear.scatter [tilespmem:s26], [sflag:$0x5], $0x2800, $0x38;
	[tilespmem:$0x1E780] =	vst v63  }
0x20: {  	_ =	swait.ge [sflag:s19], $0x2800  }
0x21: {  	[sflag:s19] =	ssyncset.done $0x0  }
0x22: {  	[sflag:s19] =	ssyncadd.s32 $0xFFFFD800  }
0x23: {  	[hbm4b:s14+s1] =	stream.linear.scatter [tilespmem:s28], [sflag:$0x5], $0x2800, $0x38;
	[tilespmem:$0x1E780] =	vst v63  }
0x24: {  	_ =	swait.ge [sflag:s19], $0x2800  }
0x25: {  	[sflag:s19] =	ssyncset.done $0x0  }
0x26: {  	[sflag:s19] =	ssyncadd.s32 $0xFFFFD800  }
0x27: {  	[hbm4b:s15+s1] =	stream.linear.scatter [tilespmem:s4], [sflag:$0x5], $0x2800, $0x38;
	[tilespmem:$0x1E780] =	vst v63  }
0x28: {  	_ =	swait.ge [sflag:s19], $0x2800  }
0x29: {  	[sflag:s19] =	ssyncset.done $0x0  }
0x2a: {  	[sflag:s19] =	ssyncadd.s32 $0xFFFFD800  }
0x2b: {  	[hbm4b:s16+s1] =	stream.linear.scatter [tilespmem:s5], [sflag:$0x5], $0x2800, $0x38;
	[tilespmem:$0x1E780] =	vst v63  }
0x2c: {  	_ =	swait.ge [sflag:s19], $0x2800  }
0x2d: {  	s10 =	simm.s32 @!p0 $0x18D00;
	s8 =	sadd.s32 $0x1, s8;
	[sflag:s19] =	ssyncset.done $0x0  }
0x2e: {  	s9 =	simm.s32 @!p0 $0x0;
	p1 =	sne.s32 s8, s18;
	[sflag:s19] =	ssyncadd.s32 $0xFFFFD800  }
0x2f: {  	[hbm4b:s17+s9] =	stream.linear.scatter @!p0 [tilespmem:s10], [sflag:$0x5], $0x2800, $0x38;
	[tilespmem:$0x1E780] =	vst v63  }
.Ltmp1:
0x30: {  	_ = 	snop;
	(pc) =	sbr.rel @!p1 .LBB2_11-.Ltmp1, $4  }
0x31: {  	s9 =	simm.s32 @!p0 $0x5  }
0x32: {  	_ =	swait.ge @!p0 [sflag:s9], $0x2800  }
0x33: {  	[sflag:s9] =	ssyncset.done @!p0 $0x0  }
0x34: {  	[sflag:s9] =	ssyncadd.s32 @!p0 $0xFFFFD800  }
.LBB2_1:
0x35: {  	s9 =	rddreg [dreg:$0x3]  }
0x36: {  	[tilespmem:s1], [sflag:$0x5] =	stream.linear.gather [hbm4b:s9+s1], $0x2720, $0x38;
	[tilespmem:$0x1E780] =	vst v63  }
0x37: {  	_ =	swait.ge [sflag:s19], $0x2720  }
0x38: {  	[sflag:s19] =	ssyncset.done $0x0  }
0x39: {  	s12 =	rddreg [dreg:$0x4];
	[sflag:s19] =	ssyncadd.s32 $0xFFFFD8E0  }
0x3a: {  	[tilespmem:s20], [sflag:$0x5] =	stream.linear.gather [hbm4b:s12+s1], $0x2720, $0x38;
	[tilespmem:$0x1E780] =	vst v63  }
0x3b: {  	_ =	swait.ge [sflag:s19], $0x2720  }
0x3c: {  	[sflag:s19] =	ssyncset.done $0x0  }
0x3d: {  	s13 =	rddreg [dreg:$0x5];
	[sflag:s19] =	ssyncadd.s32 $0xFFFFD8E0  }
0x3e: {  	[tilespmem:s21], [sflag:$0x5] =	stream.linear.gather [hbm4b:s13+s1], $0x2720, $0x38;
	[tilespmem:$0x1E780] =	vst v63  }
0x3f: {  	_ =	swait.ge [sflag:s19], $0x2720  }
0x40: {  	[sflag:s19] =	ssyncset.done $0x0  }
0x41: {  	s10 =	rddreg [dreg:$0x6];
	[sflag:s19] =	ssyncadd.s32 $0xFFFFD8E0  }
0x42: {  	[tilespmem:s22], [sflag:$0x5] =	stream.linear.gather [hbm4b:s10+s1], $0x2720, $0x38;
	[tilespmem:$0x1E780] =	vst v63  }
0x43: {  	_ =	swait.ge [sflag:s19], $0x2720  }
0x44: {  	[sflag:s19] =	ssyncset.done $0x0  }
0x45: {  	s11 =	rddreg [dreg:$0x7];
	[sflag:s19] =	ssyncadd.s32 $0xFFFFD8E0  }
0x46: {  	[tilespmem:s23], [sflag:$0x5] =	stream.linear.gather [hbm4b:s11+s1], $0x2720, $0x38;
	[tilespmem:$0x1E780] =	vst v63  }
0x47: {  	_ =	swait.ge [sflag:s19], $0x2720  }
0x48: {  	[sflag:s19] =	ssyncset.done $0x0  }
0x49: {  	s12 =	rddreg [dreg:$0x8];
	[sflag:s19] =	ssyncadd.s32 $0xFFFFD8E0  }
0x4a: {  	[tilespmem:s24], [sflag:$0x5] =	stream.linear.gather [hbm4b:s12+s1], $0x2720, $0x38;
	[tilespmem:$0x1E780] =	vst v63  }
0x4b: {  	_ =	swait.ge [sflag:s19], $0x2720  }
0x4c: {  	[sflag:s19] =	ssyncset.done $0x0  }
0x4d: {  	s10 =	simm.s32 $0x1E700;
	s13 =	rddreg [dreg:$0x9];
	[sflag:s19] =	ssyncadd.s32 $0xFFFFD8E0  }
0x4e: {  	[tilespmem:s10], [sflag:$0x5] =	stream.linear.gather [hbm4b:s13+s1], $0x10, $0x38;
	[tilespmem:$0x1E780] =	vst v63  }
0x4f: {  	_ =	swait.ge [sflag:s19], $0x10  }
0x50: {  	[sflag:s19] =	ssyncset.done $0x0  }
0x51: {  	s9 =	simm.s32 $0x0;
	s10 =	simm.s32 $0x40;
	[sflag:s19] =	ssyncadd.s32 $0xFFFFFFF0  }
.LBB2_2:
0x52: {  	p1 =	sne.s32 s10, $0x9FC0;
	[tilespmem:s9+$0x18D00] =	vst v0;
	s11 =	smov.u32 s10;
	s10 =	sadd.s32 $0x40, s10  }
.Ltmp2:
0x53: {  	[tilespmem:s9+$0x11600] =	vst v0;
	(pc) =	sbr.rel @p1 .LBB2_2-.Ltmp2, $4  }
0x54: {  	[tilespmem:s9+$0xEE00] =	vst v0  }
0x55: {  	[tilespmem:s9+$0x9E00] =	vst v0  }
0x56: {  	[tilespmem:s9+$0xC600] =	vst v0  }
0x57: {  	s9 =	sshra.s32 s11, $0x2  }
0x58: {  	[tilespmem:s9+$0x18D00] =	vst v0  }
0x59: {  	[tilespmem:s9+$0x11600] =	vst v0  }
0x5a: {  	[tilespmem:s9+$0xEE00] =	vst v0  }
0x5b: {  	[tilespmem:s9+$0x9E00] =	vst v0  }
0x5c: {  	[tilespmem:s9+$0xC600] =	vst v0;
	s9 =	simm.s32 $0x0;
	s10 =	simm.s32 $0x1B500  }
0x5d: {  	v1 =	vld [tilespmem:$0x1E700];
	[tilespmem:s10], [sflag:$0x1] =	stream.linear.gather [hbm4b:s2+s9], $0xC80, $0x38  }
0x5e: {  	s11 =	simm.s32 $0x1CE00  }
0x5f: {  	[tilespmem:s11], [sflag:$0x3] =	stream.linear.gather [hbm4b:s3+s9], $0xC80, $0x38;
	[tilespmem:$0x1E780] =	vst v63  }
0x60: {  	s12 =	rddreg [dreg:$0xa]  }
0x61: {  	[tilespmem:s29], [sflag:$0x2] =	stream.linear.gather [hbm4b:s12+s9], $0xC80, $0x38;
	[tilespmem:$0x1E780] =	vst v63  }
0x62: {  	s13 =	rddreg [dreg:$0xb]  }
0x63: {  	[tilespmem:s30], [sflag:$0x4] =	stream.linear.gather [hbm4b:s13+s9], $0xC80, $0x38;
	[tilespmem:$0x1E780] =	vst v63  }
.LBB2_4:
0x64: {  	_ =	swait.ge [sflag:s31], $0xC80  }
0x65: {  	[sflag:s31] =	ssyncset.done $0x0  }
0x66: {  	[sflag:s31] =	ssyncadd.s32 $0xFFFFF380  }
0x67: {  	_ =	swait.ge [sflag:s0], $0xC80  }
0x68: {  	[sflag:s0] =	ssyncset.done $0x0  }
0x69: {  	s11 =	simm.s32 $0x1B540;
	[sflag:s0] =	ssyncadd.s32 $0xFFFFF380  }
0x6a: {  	s10 =	simm.s32 $0x1CE40;
	v23 =	vld [tilespmem:s11+$0x30]  }
0x6b: {  	v24 =	vld [tilespmem:s10+$0x30]  }
0x6c: {  	v7 =	vld [tilespmem:s10+$0xFFFFFFC0]  }
0x6d: {  	v9 =	vld [tilespmem:s11+$0xFFFFFFD0]  }
0x6e: {  	v8 =	vld [tilespmem:s10+$0xFFFFFFD0]  }
0x6f: {  	v10 =	vld [tilespmem:s11+$0xFFFFFFE0]  }
0x70: {  	v4 =	vld [tilespmem:s10+$0xFFFFFFE0]  }
0x71: {  	v11 =	vld [tilespmem:s11+$0xFFFFFFF0]  }
0x72: {  	v2 =	vld [tilespmem:s10+$0xFFFFFFF0]  }
0x73: {  	v3 =	vld.idx.msk [tilespmem:v23+s23+$0x0], $0xffff  }
0x74: {  	v6 =	vld.idx.msk [tilespmem:v24+s24+$0x0], $0xffff  }
0x75: {  	v12 =	vld [tilespmem:s11+$0x0]  }
0x76: {  	v5 =	vld [tilespmem:s10+$0x0]  }
0x77: {  	v15 =	vld [tilespmem:s11+$0xFFFFFFC0]  }
0x78: {  	v13 =	vld [tilespmem:s11+$0x10]  }
0x79: {  	v14 =	vld [tilespmem:s11+$0x20];
	v16 =	vadd.f32 v6, v3  }
0x7a: {  	v18 =	vld.idx.msk [tilespmem:v9+s23+$0x0], $0xffff  }
0x7b: {  	v19 =	vld.idx.msk [tilespmem:v8+s24+$0x0], $0xffff;
	v17 =	vmul.f32 $2.000000030e-01, v16  }
0x7c: {  	v20 =	vld.idx.msk [tilespmem:v10+s23+$0x0], $0xffff;
	vm0 =	vge.f32 v16, $0.0e+00  }
0x7d: {  	v21 =	vld.idx.msk [tilespmem:v4+s24+$0x0], $0xffff;
	v16 =	vsel vm0, v16, v17  }
0x7e: {  	v22 =	vld.idx.msk [tilespmem:v2+s24+$0x0], $0xffff;
	v16 =	vsub.f32 v16, v1  }
0x7f: {  	v25 =	vld.idx.msk [tilespmem:v15+s23+$0x0], $0xffff  }
0x80: {  	v26 =	vld.idx.msk [tilespmem:v12+s23+$0x0], $0xffff;
	v16 =	vmul.f32 $1.442695020e+00, v16  }
0x81: {  	v3 =	vld [tilespmem:s10+$0x10]  }
0x82: {  	v6 =	vld [tilespmem:s10+$0x20];
	(erf) = vpow2.f32 v16  }
0x83: {  	v17 =	vld.idx.msk [tilespmem:v7+s24+$0x0], $0xffff  }
0x84: {  	v16 =	vld.idx.msk [tilespmem:v11+s23+$0x0], $0xffff  }
0x85: {  	v18 =	vadd.f32 v19, v18;
	v19 =	vld.idx.msk [tilespmem:v5+s24+$0x0], $0xffff;
	_ =	sdelay $0x1  }
0x86: {  	v20 =	vadd.f32 v21, v20  }
0x87: {  	v21 =	vld.idx.msk [tilespmem:v13+s23+$0x0], $0xffff;
	v27 =	vmul.f32 $2.000000030e-01, v18;
	v17 =	vadd.f32 v17, v25  }
0x88: {  	v29 =	vmul.f32 $2.000000030e-01, v20;
	vm10 =	vge.f32 v18, $0.0e+00;
	v28 =	vld.idx.msk [tilespmem:v3+s24+$0x0], $0xffff;
	v16 =	vadd.f32 v22, v16  }
0x89: {  	vm1 =	vge.f32 v20, $0.0e+00;
	v19 =	vadd.f32 v19, v26;
	v25 =	vld.idx.msk [tilespmem:v6+s24+$0x0], $0xffff;
	v26 =	vmul.f32 $2.000000030e-01, v17  }
0x8a: {  	v18 =	vsel vm10, v18, v27;
	vm12 =	vge.f32 v17, $0.0e+00;
	v22 =	vld.idx.msk [tilespmem:v14+s23+$0x0], $0xffff;
	v27 =	vmul.f32 $2.000000030e-01, v16;
	v56 =	vpop (erf)  }
0x8b: {  	v20 =	vsel vm1, v20, v29;
	v17 =	vsel vm12, v17, v26;
	vm11 =	vge.f32 v16, $0.0e+00;
	[tilespmem:v24+s25+$0x0] =	vst.idx.add.f32.msk $0xffff, v56  }
0x8c: {  	v18 =	vsub.f32 v18, v1;
	v17 =	vsub.f32 v17, v1;
	v16 =	vsel vm11, v16, v27;
	v27 =	vld.idx.msk [tilespmem:v23+s1+$0x0], $0xffff  }
0x8d: {  	v20 =	vsub.f32 v20, v1;
	v57 =	vmul.f32 $2.000000030e-01, v19;
	v21 =	vadd.f32 v28, v21  }
0x8e: {  	v18 =	vmul.f32 $1.442695020e+00, v18;
	v17 =	vmul.f32 $1.442695020e+00, v17  }
0x8f: {  	vm13 =	vge.f32 v19, $0.0e+00;
	v20 =	vmul.f32 $1.442695020e+00, v20;
	v26 =	vmul.f32 $2.000000030e-01, v21  }
0x90: {  	vm14 =	vge.f32 v21, $0.0e+00;
	(erf) = vpow2.f32 v17;
	v22 =	vadd.f32 v25, v22  }
0x91: {  	v19 =	vsel vm13, v19, v57;
	v21 =	vsel vm14, v21, v26;
	v25 =	vmul.f32 v56, v27  }
0x92: {  	v16 =	vsub.f32 v16, v1;
	(erf) = vpow2.f32 v18;
	v26 =	vmul.f32 $2.000000030e-01, v22  }
0x93: {  	v19 =	vsub.f32 v19, v1;
	v21 =	vsub.f32 v21, v1;
	vm15 =	vge.f32 v22, $0.0e+00;
	[tilespmem:v24+s26+$0x0] =	vst.idx.add.f32.msk $0xffff, v25  }
0x94: {  	(erf) = vpow2.f32 v20;
	v16 =	vmul.f32 $1.442695020e+00, v16;
	v17 =	vsel vm15, v22, v26;
	v22 =	vld.idx.msk [tilespmem:v23+s20+$0x0], $0xffff  }
0x95: {  	v18 =	vmul.f32 $1.442695020e+00, v19;
	v17 =	vsub.f32 v17, v1  }
0x96: {  	v19 =	vmul.f32 $1.442695020e+00, v21;
	(erf) = vpow2.f32 v16  }
0x97: {  	(erf) = vpow2.f32 v18;
	v16 =	vmul.f32 $1.442695020e+00, v17  }
0x98: {  	(erf) = vpow2.f32 v19  }
0x99: {  	(erf) = vpow2.f32 v16;
	v16 =	vmul.f32 v56, v22;
	v22 =	vpop (erf)  }
0x9a: {  	[tilespmem:v7+s25+$0x0] =	vst.idx.add.f32.msk $0xffff, v22  }
0x9b: {  	v21 =	vpop (erf);
	[tilespmem:v24+s28+$0x0] =	vst.idx.add.f32.msk $0xffff, v16  }
0x9c: {  	[tilespmem:v8+s25+$0x0] =	vst.idx.add.f32.msk $0xffff, v21  }
0x9d: {  	v20 =	vpop (erf);
	v25 =	vld.idx.msk [tilespmem:v23+s21+$0x0], $0xffff  }
0x9e: {  	[tilespmem:v4+s25+$0x0] =	vst.idx.add.f32.msk $0xffff, v20  }
0x9f: {  	v19 =	vpop (erf);
	v26 =	vld.idx.msk [tilespmem:v9+s1+$0x0], $0xffff  }
0xa0: {  	[tilespmem:v2+s25+$0x0] =	vst.idx.add.f32.msk $0xffff, v19  }
0xa1: {  	v18 =	vpop (erf);
	v27 =	vld.idx.msk [tilespmem:v10+s1+$0x0], $0xffff  }
0xa2: {  	[tilespmem:v5+s25+$0x0] =	vst.idx.add.f32.msk $0xffff, v18  }
0xa3: {  	v17 =	vpop (erf);
	v58 =	vld.idx.msk [tilespmem:v11+s1+$0x0], $0xffff;
	v25 =	vmul.f32 v56, v25  }
0xa4: {  	[tilespmem:v3+s25+$0x0] =	vst.idx.add.f32.msk $0xffff, v17  }
0xa5: {  	[tilespmem:v24+s4+$0x0] =	vst.idx.add.f32.msk $0xffff, v25  }
0xa6: {  	v23 =	vld.idx.msk [tilespmem:v23+s22+$0x0], $0xffff  }
0xa7: {  	v25 =	vld.idx.msk [tilespmem:v15+s1+$0x0], $0xffff  }
0xa8: {  	v16 =	vpop (erf);
	v30 =	vld.idx.msk [tilespmem:v12+s1+$0x0], $0xffff  }
0xa9: {  	[tilespmem:v6+s25+$0x0] =	vst.idx.add.f32.msk $0xffff, v16  }
0xaa: {  	v31 =	vld.idx.msk [tilespmem:v13+s1+$0x0], $0xffff;
	v26 =	vmul.f32 v21, v26  }
0xab: {  	v59 =	vld.idx.msk [tilespmem:v14+s1+$0x0], $0xffff;
	v23 =	vmul.f32 v23, v56  }
0xac: {  	[tilespmem:v8+s26+$0x0] =	vst.idx.add.f32.msk $0xffff, v26;
	v25 =	vmul.f32 v22, v25  }
0xad: {  	[tilespmem:v24+s5+$0x0] =	vst.idx.add.f32.msk $0xffff, v23;
	v23 =	vmul.f32 v20, v27  }
0xae: {  	[tilespmem:v7+s26+$0x0] =	vst.idx.add.f32.msk $0xffff, v25;
	v24 =	vmul.f32 v19, v58  }
0xaf: {  	[tilespmem:v4+s26+$0x0] =	vst.idx.add.f32.msk $0xffff, v23;
	v23 =	vmul.f32 v18, v30  }
0xb0: {  	[tilespmem:v2+s26+$0x0] =	vst.idx.add.f32.msk $0xffff, v24;
	v24 =	vmul.f32 v17, v31  }
0xb1: {  	[tilespmem:v5+s26+$0x0] =	vst.idx.add.f32.msk $0xffff, v23;
	v23 =	vmul.f32 v16, v59  }
0xb2: {  	[tilespmem:v3+s26+$0x0] =	vst.idx.add.f32.msk $0xffff, v24  }
0xb3: {  	[tilespmem:v6+s26+$0x0] =	vst.idx.add.f32.msk $0xffff, v23  }
0xb4: {  	v23 =	vld.idx.msk [tilespmem:v15+s20+$0x0], $0xffff  }
0xb5: {  	v24 =	vld.idx.msk [tilespmem:v9+s20+$0x0], $0xffff  }
0xb6: {  	v25 =	vld.idx.msk [tilespmem:v10+s20+$0x0], $0xffff  }
0xb7: {  	v26 =	vld.idx.msk [tilespmem:v11+s20+$0x0], $0xffff  }
0xb8: {  	v27 =	vld.idx.msk [tilespmem:v12+s20+$0x0], $0xffff  }
0xb9: {  	v60 =	vld.idx.msk [tilespmem:v13+s20+$0x0], $0xffff;
	v23 =	vmul.f32 v22, v23  }
0xba: {  	v61 =	vld.idx.msk [tilespmem:v14+s20+$0x0], $0xffff;
	v24 =	vmul.f32 v21, v24  }
0xbb: {  	[tilespmem:v7+s28+$0x0] =	vst.idx.add.f32.msk $0xffff, v23;
	v23 =	vmul.f32 v20, v25  }
0xbc: {  	[tilespmem:v8+s28+$0x0] =	vst.idx.add.f32.msk $0xffff, v24  }
0xbd: {  	[tilespmem:v4+s28+$0x0] =	vst.idx.add.f32.msk $0xffff, v23;
	v23 =	vmul.f32 v18, v27  }
0xbe: {  	v24 =	vmul.f32 v19, v26;
	v26 =	vld.idx.msk [tilespmem:v9+s21+$0x0], $0xffff  }
0xbf: {  	[tilespmem:v5+s28+$0x0] =	vst.idx.add.f32.msk $0xffff, v23;
	v23 =	vmul.f32 v16, v61  }
0xc0: {  	[tilespmem:v2+s28+$0x0] =	vst.idx.add.f32.msk $0xffff, v24  }
0xc1: {  	[tilespmem:v6+s28+$0x0] =	vst.idx.add.f32.msk $0xffff, v23  }
0xc2: {  	v23 =	vld.idx.msk [tilespmem:v15+s21+$0x0], $0xffff  }
0xc3: {  	v24 =	vmul.f32 v17, v60;
	v62 =	vld.idx.msk [tilespmem:v11+s21+$0x0], $0xffff  }
0xc4: {  	v27 =	vld.idx.msk [tilespmem:v10+s21+$0x0], $0xffff  }
0xc5: {  	[tilespmem:v3+s28+$0x0] =	vst.idx.add.f32.msk $0xffff, v24  }
0xc6: {  	v63 =	vld.idx.msk [tilespmem:v12+s21+$0x0], $0xffff  }
0xc7: {  	v25 =	vld.idx.msk [tilespmem:v13+s21+$0x0], $0xffff;
	v23 =	vmul.f32 v22, v23  }
0xc8: {  	v26 =	vmul.f32 v21, v26;
	v24 =	vld.idx.msk [tilespmem:v14+s21+$0x0], $0xffff  }
0xc9: {  	[tilespmem:v7+s4+$0x0] =	vst.idx.add.f32.msk $0xffff, v23;
	v23 =	vmul.f32 v20, v27  }
0xca: {  	[tilespmem:v8+s4+$0x0] =	vst.idx.add.f32.msk $0xffff, v26  }
0xcb: {  	s12 =	simm.s32 $0x1B5C0;
	s11 =	simm.s32 $0x0;
	v32 =	vmul.f32 v19, v62;
	v33 =	vmul.f32 v18, v63;
	[tilespmem:v4+s4+$0x0] =	vst.idx.add.f32.msk $0xffff, v23  }
.LBB2_5:
0xcc: {  	v26 =	vld [tilespmem:s12+$0x30];
	v34 =	vmul.f32 v17, v25;
	s10 =	sadd.s32 $0x80, s10  }
0xcd: {  	s11 =	sadd.s32 $0x8, s11;
	v35 =	vmul.f32 v16, v24;
	v25 =	vld [tilespmem:s10+$0x30]  }
0xce: {  	p1 =	slt.u32 s11, $0xC0;
	v28 =	vld [tilespmem:s10+$0xFFFFFFC0]  }
0xcf: {  	v36 =	vld [tilespmem:s12+$0xFFFFFFD0]  }
0xd0: {  	v29 =	vld [tilespmem:s10+$0xFFFFFFD0]  }
0xd1: {  	v37 =	vld [tilespmem:s12+$0xFFFFFFE0]  }
0xd2: {  	v27 =	vld [tilespmem:s10+$0xFFFFFFE0]  }
0xd3: {  	v38 =	vld [tilespmem:s12+$0xFFFFFFF0]  }
0xd4: {  	v23 =	vld.idx.msk [tilespmem:v26+s23+$0x0], $0xffff  }
0xd5: {  	v39 =	vld.idx.msk [tilespmem:v25+s24+$0x0], $0xffff  }
0xd6: {  	v30 =	vld [tilespmem:s10+$0xFFFFFFF0]  }
0xd7: {  	v40 =	vld [tilespmem:s12+$0x0]  }
0xd8: {  	v31 =	vld [tilespmem:s10+$0x0]  }
0xd9: {  	v41 =	vld [tilespmem:s12+$0x10]  }
0xda: {  	v24 =	vld [tilespmem:s10+$0x10]  }
0xdb: {  	v39 =	vadd.f32 v39, v23;
	v42 =	vld [tilespmem:s12+$0x20]  }
0xdc: {  	v23 =	vld [tilespmem:s10+$0x20]  }
0xdd: {  	v44 =	vmul.f32 $2.000000030e-01, v39;
	v43 =	vld [tilespmem:s12+$0xFFFFFFC0]  }
0xde: {  	vm0 =	vge.f32 v39, $0.0e+00;
	v45 =	vld.idx.msk [tilespmem:v28+s24+$0x0], $0xffff  }
0xdf: {  	v39 =	vsel vm0, v39, v44;
	v46 =	vld.idx.msk [tilespmem:v36+s23+$0x0], $0xffff  }
0xe0: {  	v39 =	vsub.f32 v39, v1;
	v44 =	vld.idx.msk [tilespmem:v29+s24+$0x0], $0xffff  }
0xe1: {  	v47 =	vld.idx.msk [tilespmem:v37+s23+$0x0], $0xffff  }
0xe2: {  	v39 =	vmul.f32 $1.442695020e+00, v39;
	v48 =	vld.idx.msk [tilespmem:v27+s24+$0x0], $0xffff  }
0xe3: {  	v49 =	vld.idx.msk [tilespmem:v38+s23+$0x0], $0xffff  }
0xe4: {  	v50 =	vld.idx.msk [tilespmem:v30+s24+$0x0], $0xffff;
	(erf) = vpow2.f32 v39  }
0xe5: {  	v39 =	vld.idx.msk [tilespmem:v43+s23+$0x0], $0xffff  }
0xe6: {  	v44 =	vadd.f32 v44, v46;
	v46 =	vld.idx.msk [tilespmem:v40+s23+$0x0], $0xffff  }
0xe7: {  	v51 =	vld.idx.msk [tilespmem:v31+s24+$0x0], $0xffff  }
0xe8: {  	vm0 =	vge.f32 v44, $0.0e+00;
	v52 =	vmul.f32 $2.000000030e-01, v44;
	v47 =	vadd.f32 v48, v47;
	v48 =	vld.idx.msk [tilespmem:v41+s23+$0x0], $0xffff  }
0xe9: {  	v53 =	vld.idx.msk [tilespmem:v24+s24+$0x0], $0xffff  }
0xea: {  	vm1 =	vge.f32 v47, $0.0e+00;
	v54 =	vmul.f32 $2.000000030e-01, v47;
	v49 =	vadd.f32 v50, v49;
	v50 =	vld.idx.msk [tilespmem:v42+s23+$0x0], $0xffff  }
0xeb: {  	v44 =	vsel vm0, v44, v52;
	v39 =	vadd.f32 v45, v39;
	v45 =	vld.idx.msk [tilespmem:v23+s24+$0x0], $0xffff  }
0xec: {  	v47 =	vsel vm1, v47, v54;
	vm0 =	vge.f32 v49, $0.0e+00;
	v52 =	vmul.f32 $2.000000030e-01, v49;
	[tilespmem:v2+s4+$0x0] =	vst.idx.add.f32.msk $0xffff, v32  }
0xed: {  	vm1 =	vge.f32 v39, $0.0e+00;
	v54 =	vmul.f32 $2.000000030e-01, v39;
	v46 =	vadd.f32 v51, v46;
	v32 =	vpop (erf);
	[tilespmem:v5+s4+$0x0] =	vst.idx.add.f32.msk $0xffff, v33  }
0xee: {  	v33 =	vsub.f32 v44, v1;
	v44 =	vsel vm0, v49, v52;
	[tilespmem:v25+s25+$0x0] =	vst.idx.add.f32.msk $0xffff, v32  }
0xef: {  	vm0 =	vge.f32 v46, $0.0e+00;
	v49 =	vmul.f32 $2.000000030e-01, v46;
	v48 =	vadd.f32 v53, v48;
	v51 =	vld.idx.msk [tilespmem:v26+s1+$0x0], $0xffff  }
0xf0: {  	v47 =	vsub.f32 v47, v1;
	v39 =	vsel vm1, v39, v54;
	v44 =	vsub.f32 v44, v1;
	v52 =	vld.idx.msk [tilespmem:v15+s22+$0x0], $0xffff  }
0xf1: {  	vm1 =	vge.f32 v48, $0.0e+00;
	v53 =	vmul.f32 $2.000000030e-01, v48;
	v45 =	vadd.f32 v45, v50;
	v15 =	vmovc v43;
	[tilespmem:v3+s4+$0x0] =	vst.idx.add.f32.msk $0xffff, v34  }
0xf2: {  	v33 =	vmul.f32 $1.442695020e+00, v33;
	v34 =	vsub.f32 v39, v1;
	v39 =	vsel vm0, v46, v49;
	[tilespmem:v6+s4+$0x0] =	vst.idx.add.f32.msk $0xffff, v35  }
0xf3: {  	v35 =	vsel vm1, v48, v53;
	vm0 =	vge.f32 v45, $0.0e+00;
	v43 =	vmul.f32 $2.000000030e-01, v45;
	v46 =	vld.idx.msk [tilespmem:v9+s22+$0x0], $0xffff;
	v9 =	vmovc v36  }
0xf4: {  	v34 =	vmul.f32 $1.442695020e+00, v34;
	v36 =	vsub.f32 v39, v1;
	v35 =	vsub.f32 v35, v1;
	v39 =	vld.idx.msk [tilespmem:v10+s22+$0x0], $0xffff;
	v10 =	vmovc v37  }
0xf5: {  	v37 =	vmul.f32 $1.442695020e+00, v47;
	v43 =	vsel vm0, v45, v43;
	v45 =	vmul.f32 v32, v51;
	v47 =	vld.idx.msk [tilespmem:v11+s22+$0x0], $0xffff;
	v11 =	vmovc v38  }
0xf6: {  	v38 =	vmul.f32 $1.442695020e+00, v44;
	v36 =	vmul.f32 $1.442695020e+00, v36;
	v43 =	vsub.f32 v43, v1;
	v44 =	vld.idx.msk [tilespmem:v12+s22+$0x0], $0xffff;
	v12 =	vmovc v40  }
0xf7: {  	v35 =	vmul.f32 $1.442695020e+00, v35;
	[tilespmem:v25+s26+$0x0] =	vst.idx.add.f32.msk $0xffff, v45;
	(erf) = vpow2.f32 v34  }
0xf8: {  	v34 =	vmul.f32 $1.442695020e+00, v43;
	v40 =	vld.idx.msk [tilespmem:v26+s20+$0x0], $0xffff;
	(erf) = vpow2.f32 v33  }
0xf9: {  	v22 =	vmul.f32 v52, v22;
	(erf) = vpow2.f32 v37;
	v33 =	vld.idx.msk [tilespmem:v13+s22+$0x0], $0xffff;
	v13 =	vmov v41  }
0xfa: {  	v21 =	vmul.f32 v46, v21;
	(erf) = vpow2.f32 v38;
	v37 =	vld.idx.msk [tilespmem:v14+s22+$0x0], $0xffff;
	v14 =	vmov v42  }
0xfb: {  	v20 =	vmul.f32 v39, v20;
	(erf) = vpow2.f32 v36;
	[tilespmem:v7+s5+$0x0] =	vst.idx.add.f32.msk $0xffff, v22;
	v7 =	vmov v28  }
0xfc: {  	v19 =	vmul.f32 v47, v19;
	(erf) = vpow2.f32 v35;
	[tilespmem:v8+s5+$0x0] =	vst.idx.add.f32.msk $0xffff, v21;
	v8 =	vmov v29  }
0xfd: {  	v18 =	vmul.f32 v44, v18;
	(erf) = vpow2.f32 v34;
	[tilespmem:v4+s5+$0x0] =	vst.idx.add.f32.msk $0xffff, v20;
	v4 =	vmov v27  }
0xfe: {  	v20 =	vmul.f32 v32, v40;
	[tilespmem:v2+s5+$0x0] =	vst.idx.add.f32.msk $0xffff, v19;
	v2 =	vmov v30  }
0xff: {  	v27 =	vmul.f32 v33, v17;
	[tilespmem:v5+s5+$0x0] =	vst.idx.add.f32.msk $0xffff, v18;
	v5 =	vmov v31  }
0x100: {  	v28 =	vmul.f32 v37, v16;
	[tilespmem:v25+s28+$0x0] =	vst.idx.add.f32.msk $0xffff, v20;
	v22 =	vpop (erf)  }
0x101: {  	v29 =	vld.idx.msk [tilespmem:v26+s21+$0x0], $0xffff;
	v21 =	vpop (erf)  }
0x102: {  	[tilespmem:v7+s25+$0x0] =	vst.idx.add.f32.msk $0xffff, v22;
	v20 =	vpop (erf)  }
0x103: {  	[tilespmem:v8+s25+$0x0] =	vst.idx.add.f32.msk $0xffff, v21;
	v19 =	vpop (erf)  }
0x104: {  	[tilespmem:v4+s25+$0x0] =	vst.idx.add.f32.msk $0xffff, v20;
	v18 =	vpop (erf)  }
0x105: {  	[tilespmem:v30+s25+$0x0] =	vst.idx.add.f32.msk $0xffff, v19;
	v17 =	vpop (erf)  }
0x106: {  	[tilespmem:v31+s25+$0x0] =	vst.idx.add.f32.msk $0xffff, v18;
	v16 =	vpop (erf)  }
0x107: {  	v29 =	vmul.f32 v32, v29;
	[tilespmem:v24+s25+$0x0] =	vst.idx.add.f32.msk $0xffff, v17  }
0x108: {  	[tilespmem:v23+s25+$0x0] =	vst.idx.add.f32.msk $0xffff, v16  }
0x109: {  	[tilespmem:v25+s4+$0x0] =	vst.idx.add.f32.msk $0xffff, v29  }
0x10a: {  	v26 =	vld.idx.msk [tilespmem:v26+s22+$0x0], $0xffff  }
0x10b: {  	v29 =	vld.idx.msk [tilespmem:v15+s1+$0x0], $0xffff  }
0x10c: {  	v30 =	vld.idx.msk [tilespmem:v9+s1+$0x0], $0xffff  }
0x10d: {  	v31 =	vld.idx.msk [tilespmem:v10+s1+$0x0], $0xffff  }
0x10e: {  	v33 =	vld.idx.msk [tilespmem:v11+s1+$0x0], $0xffff  }
0x10f: {  	v34 =	vld.idx.msk [tilespmem:v12+s1+$0x0], $0xffff  }
0x110: {  	v26 =	vmul.f32 v26, v32;
	v35 =	vld.idx.msk [tilespmem:v13+s1+$0x0], $0xffff  }
0x111: {  	v29 =	vmul.f32 v22, v29;
	v32 =	vld.idx.msk [tilespmem:v14+s1+$0x0], $0xffff  }
0x112: {  	v30 =	vmul.f32 v21, v30;
	[tilespmem:v25+s5+$0x0] =	vst.idx.add.f32.msk $0xffff, v26  }
0x113: {  	v25 =	vmul.f32 v20, v31;
	[tilespmem:v7+s26+$0x0] =	vst.idx.add.f32.msk $0xffff, v29  }
0x114: {  	v26 =	vmul.f32 v19, v33;
	[tilespmem:v8+s26+$0x0] =	vst.idx.add.f32.msk $0xffff, v30  }
0x115: {  	[tilespmem:v4+s26+$0x0] =	vst.idx.add.f32.msk $0xffff, v25;
	v25 =	vmul.f32 v18, v34  }
0x116: {  	[tilespmem:v2+s26+$0x0] =	vst.idx.add.f32.msk $0xffff, v26;
	v26 =	vmul.f32 v17, v35  }
0x117: {  	[tilespmem:v5+s26+$0x0] =	vst.idx.add.f32.msk $0xffff, v25;
	v25 =	vmul.f32 v16, v32  }
0x118: {  	[tilespmem:v24+s26+$0x0] =	vst.idx.add.f32.msk $0xffff, v26  }
0x119: {  	[tilespmem:v23+s26+$0x0] =	vst.idx.add.f32.msk $0xffff, v25  }
0x11a: {  	v25 =	vld.idx.msk [tilespmem:v15+s20+$0x0], $0xffff  }
0x11b: {  	v26 =	vld.idx.msk [tilespmem:v9+s20+$0x0], $0xffff  }
0x11c: {  	v29 =	vld.idx.msk [tilespmem:v10+s20+$0x0], $0xffff  }
0x11d: {  	v30 =	vld.idx.msk [tilespmem:v11+s20+$0x0], $0xffff  }
0x11e: {  	v31 =	vld.idx.msk [tilespmem:v12+s20+$0x0], $0xffff  }
0x11f: {  	v32 =	vld.idx.msk [tilespmem:v13+s20+$0x0], $0xffff  }
0x120: {  	v25 =	vmul.f32 v22, v25;
	v33 =	vld.idx.msk [tilespmem:v14+s20+$0x0], $0xffff  }
0x121: {  	v26 =	vmul.f32 v21, v26;
	[tilespmem:v3+s5+$0x0] =	vst.idx.add.f32.msk $0xffff, v27;
	v3 =	vmov v24  }
0x122: {  	v24 =	vmul.f32 v20, v29;
	[tilespmem:v7+s28+$0x0] =	vst.idx.add.f32.msk $0xffff, v25  }
0x123: {  	v25 =	vmul.f32 v19, v30;
	[tilespmem:v8+s28+$0x0] =	vst.idx.add.f32.msk $0xffff, v26  }
0x124: {  	[tilespmem:v4+s28+$0x0] =	vst.idx.add.f32.msk $0xffff, v24;
	v24 =	vmul.f32 v18, v31  }
0x125: {  	[tilespmem:v2+s28+$0x0] =	vst.idx.add.f32.msk $0xffff, v25;
	v25 =	vmul.f32 v17, v32  }
0x126: {  	[tilespmem:v5+s28+$0x0] =	vst.idx.add.f32.msk $0xffff, v24;
	v24 =	vmul.f32 v16, v33  }
0x127: {  	[tilespmem:v3+s28+$0x0] =	vst.idx.add.f32.msk $0xffff, v25  }
0x128: {  	[tilespmem:v23+s28+$0x0] =	vst.idx.add.f32.msk $0xffff, v24  }
0x129: {  	v24 =	vld.idx.msk [tilespmem:v15+s21+$0x0], $0xffff  }
0x12a: {  	v26 =	vld.idx.msk [tilespmem:v9+s21+$0x0], $0xffff  }
0x12b: {  	v27 =	vld.idx.msk [tilespmem:v10+s21+$0x0], $0xffff  }
0x12c: {  	v29 =	vld.idx.msk [tilespmem:v11+s21+$0x0], $0xffff  }
0x12d: {  	v30 =	vld.idx.msk [tilespmem:v12+s21+$0x0], $0xffff  }
0x12e: {  	v25 =	vld.idx.msk [tilespmem:v13+s21+$0x0], $0xffff  }
.Ltmp3:
0x12f: {  	v31 =	vmul.f32 v22, v24;
	v24 =	vld.idx.msk [tilespmem:v14+s21+$0x0], $0xffff;
	(pc) =	sbr.rel @p1 .LBB2_5-.Ltmp3, $4  }
0x130: {  	v26 =	vmul.f32 v21, v26;
	[tilespmem:v6+s5+$0x0] =	vst.idx.add.f32.msk $0xffff, v28;
	v6 =	vmov v23  }
0x131: {  	v23 =	vmul.f32 v20, v27;
	[tilespmem:v7+s4+$0x0] =	vst.idx.add.f32.msk $0xffff, v31  }
0x132: {  	v32 =	vmul.f32 v19, v29;
	[tilespmem:v8+s4+$0x0] =	vst.idx.add.f32.msk $0xffff, v26  }
0x133: {  	s12 =	sadd.s32 $0x80, s12;
	v33 =	vmul.f32 v18, v30;
	[tilespmem:v4+s4+$0x0] =	vst.idx.add.f32.msk $0xffff, v23  }
0x134: {  	_ =	sdelay $0x3  }
0x135: {  	[tilespmem:v2+s4+$0x0] =	vst.idx.add.f32.msk $0xffff, v32  }
0x136: {  	v15 =	vld.idx.msk [tilespmem:v15+s22+$0x0], $0xffff  }
0x137: {  	v9 =	vld.idx.msk [tilespmem:v9+s22+$0x0], $0xffff  }
0x138: {  	v10 =	vld.idx.msk [tilespmem:v10+s22+$0x0], $0xffff  }
0x139: {  	v23 =	vmul.f32 v17, v25;
	[tilespmem:v5+s4+$0x0] =	vst.idx.add.f32.msk $0xffff, v33  }
0x13a: {  	v24 =	vmul.f32 v16, v24;
	v11 =	vld.idx.msk [tilespmem:v11+s22+$0x0], $0xffff  }
0x13b: {  	[tilespmem:v3+s4+$0x0] =	vst.idx.add.f32.msk $0xffff, v23  }
0x13c: {  	[tilespmem:v6+s4+$0x0] =	vst.idx.add.f32.msk $0xffff, v24  }
0x13d: {  	v12 =	vld.idx.msk [tilespmem:v12+s22+$0x0], $0xffff  }
0x13e: {  	v13 =	vld.idx.msk [tilespmem:v13+s22+$0x0], $0xffff;
	v15 =	vmul.f32 v15, v22  }
0x13f: {  	v14 =	vld.idx.msk [tilespmem:v14+s22+$0x0], $0xffff;
	v9 =	vmul.f32 v9, v21  }
0x140: {  	[tilespmem:v7+s5+$0x0] =	vst.idx.add.f32.msk $0xffff, v15;
	v7 =	vmul.f32 v10, v20  }
0x141: {  	p1 =	seq.s32 s9, $0x33;
	[tilespmem:v8+s5+$0x0] =	vst.idx.add.f32.msk $0xffff, v9;
	v8 =	vmul.f32 v11, v19  }
0x142: {  	s10 =	smul.u32 @!p1 $0x1900, s9;
	[tilespmem:v4+s5+$0x0] =	vst.idx.add.f32.msk $0xffff, v7;
	v4 =	vmul.f32 v12, v18  }
0x143: {  	[tilespmem:v2+s5+$0x0] =	vst.idx.add.f32.msk $0xffff, v8;
	v2 =	vmul.f32 v13, v17  }
0x144: {  	s10 =	sshrl.u32 @!p1 s10, $0x3;
	[tilespmem:v5+s5+$0x0] =	vst.idx.add.f32.msk $0xffff, v4;
	v4 =	vmul.f32 v14, v16  }
0x145: {  	s10 =	sadd.s32 @!p1 $0x320, s10;
	[tilespmem:v3+s5+$0x0] =	vst.idx.add.f32.msk $0xffff, v2  }
0x146: {  	s12 =	simm.s32 @!p1 $0x0;
	s13 =	simm.s32 @!p1 $0x1B500;
	s11 =	sadd.s32 @!p1 s2, s10;
	[tilespmem:v6+s5+$0x0] =	vst.idx.add.f32.msk $0xffff, v4  }
0x147: {  	[tilespmem:s13], [sflag:$0x1] =	stream.linear.gather @!p1 [hbm4b:s11+s12], $0xC80, $0x38;
	[tilespmem:$0x1E780] =	vst v63  }
0x148: {  	s10 =	sadd.s32 @!p1 s3, s10;
	s11 =	simm.s32 @!p1 $0x1CE00  }
0x149: {  	[tilespmem:s11], [sflag:$0x3] =	stream.linear.gather @!p1 [hbm4b:s10+s12], $0xC80, $0x38;
	[tilespmem:$0x1E780] =	vst v63  }
0x14a: {  	_ =	swait.ge [sflag:s6], $0xC80  }
0x14b: {  	[sflag:s6] =	ssyncset.done $0x0  }
0x14c: {  	[sflag:s6] =	ssyncadd.s32 $0xFFFFF380  }
0x14d: {  	_ =	swait.ge [sflag:s7], $0xC80  }
0x14e: {  	[sflag:s7] =	ssyncset.done $0x0  }
0x14f: {  	s13 =	simm.s32 $0x1C1C0;
	[sflag:s7] =	ssyncadd.s32 $0xFFFFF380  }
0x150: {  	s10 =	simm.s32 $0x1DAC0;
	v23 =	vld [tilespmem:s13+$0x30]  }
0x151: {  	v24 =	vld [tilespmem:s10+$0x30]  }
0x152: {  	v2 =	vld [tilespmem:s10+$0xFFFFFFC0]  }
0x153: {  	v9 =	vld [tilespmem:s13+$0xFFFFFFD0]  }
0x154: {  	v3 =	vld [tilespmem:s10+$0xFFFFFFD0]  }
0x155: {  	v10 =	vld [tilespmem:s13+$0xFFFFFFE0]  }
0x156: {  	v4 =	vld [tilespmem:s10+$0xFFFFFFE0]  }
0x157: {  	v11 =	vld [tilespmem:s13+$0xFFFFFFF0]  }
0x158: {  	v5 =	vld [tilespmem:s10+$0xFFFFFFF0]  }
0x159: {  	v7 =	vld.idx.msk [tilespmem:v23+s23+$0x0], $0xffff  }
0x15a: {  	v8 =	vld.idx.msk [tilespmem:v24+s24+$0x0], $0xffff  }
0x15b: {  	v12 =	vld [tilespmem:s13+$0x0]  }
0x15c: {  	v6 =	vld [tilespmem:s10+$0x0]  }
0x15d: {  	v15 =	vld [tilespmem:s13+$0xFFFFFFC0]  }
0x15e: {  	v13 =	vld [tilespmem:s13+$0x10]  }
0x15f: {  	v14 =	vld [tilespmem:s13+$0x20];
	v16 =	vadd.f32 v8, v7  }
0x160: {  	v18 =	vld.idx.msk [tilespmem:v9+s23+$0x0], $0xffff  }
0x161: {  	v19 =	vld.idx.msk [tilespmem:v3+s24+$0x0], $0xffff;
	v17 =	vmul.f32 $2.000000030e-01, v16  }
0x162: {  	v20 =	vld.idx.msk [tilespmem:v10+s23+$0x0], $0xffff;
	vm0 =	vge.f32 v16, $0.0e+00  }
0x163: {  	v21 =	vld.idx.msk [tilespmem:v4+s24+$0x0], $0xffff;
	v16 =	vsel vm0, v16, v17  }
0x164: {  	v22 =	vld.idx.msk [tilespmem:v5+s24+$0x0], $0xffff;
	v16 =	vsub.f32 v16, v1  }
0x165: {  	v25 =	vld.idx.msk [tilespmem:v15+s23+$0x0], $0xffff  }
0x166: {  	v26 =	vld.idx.msk [tilespmem:v12+s23+$0x0], $0xffff;
	v16 =	vmul.f32 $1.442695020e+00, v16  }
0x167: {  	v7 =	vld [tilespmem:s10+$0x10]  }
0x168: {  	v8 =	vld [tilespmem:s10+$0x20];
	(erf) = vpow2.f32 v16  }
0x169: {  	v17 =	vld.idx.msk [tilespmem:v2+s24+$0x0], $0xffff  }
0x16a: {  	v16 =	vld.idx.msk [tilespmem:v11+s23+$0x0], $0xffff  }
0x16b: {  	v18 =	vadd.f32 v19, v18;
	v19 =	vld.idx.msk [tilespmem:v6+s24+$0x0], $0xffff;
	_ =	sdelay $0x1  }
0x16c: {  	v20 =	vadd.f32 v21, v20  }
0x16d: {  	v21 =	vld.idx.msk [tilespmem:v13+s23+$0x0], $0xffff;
	v27 =	vmul.f32 $2.000000030e-01, v18;
	v17 =	vadd.f32 v17, v25  }
0x16e: {  	v29 =	vmul.f32 $2.000000030e-01, v20;
	vm10 =	vge.f32 v18, $0.0e+00;
	v28 =	vld.idx.msk [tilespmem:v7+s24+$0x0], $0xffff;
	v16 =	vadd.f32 v22, v16  }
0x16f: {  	vm1 =	vge.f32 v20, $0.0e+00;
	v19 =	vadd.f32 v19, v26;
	v25 =	vld.idx.msk [tilespmem:v8+s24+$0x0], $0xffff;
	v26 =	vmul.f32 $2.000000030e-01, v17  }
0x170: {  	v18 =	vsel vm10, v18, v27;
	vm12 =	vge.f32 v17, $0.0e+00;
	v22 =	vld.idx.msk [tilespmem:v14+s23+$0x0], $0xffff;
	v27 =	vmul.f32 $2.000000030e-01, v16;
	v56 =	vpop (erf)  }
0x171: {  	v20 =	vsel vm1, v20, v29;
	v17 =	vsel vm12, v17, v26;
	vm11 =	vge.f32 v16, $0.0e+00;
	[tilespmem:v24+s25+$0x0] =	vst.idx.add.f32.msk $0xffff, v56  }
0x172: {  	v18 =	vsub.f32 v18, v1;
	v17 =	vsub.f32 v17, v1;
	v16 =	vsel vm11, v16, v27;
	v27 =	vld.idx.msk [tilespmem:v23+s1+$0x0], $0xffff  }
0x173: {  	v20 =	vsub.f32 v20, v1;
	v57 =	vmul.f32 $2.000000030e-01, v19;
	v21 =	vadd.f32 v28, v21  }
0x174: {  	v18 =	vmul.f32 $1.442695020e+00, v18;
	v17 =	vmul.f32 $1.442695020e+00, v17  }
0x175: {  	vm13 =	vge.f32 v19, $0.0e+00;
	v20 =	vmul.f32 $1.442695020e+00, v20;
	v26 =	vmul.f32 $2.000000030e-01, v21  }
0x176: {  	vm14 =	vge.f32 v21, $0.0e+00;
	(erf) = vpow2.f32 v17;
	v22 =	vadd.f32 v25, v22  }
0x177: {  	v19 =	vsel vm13, v19, v57;
	v21 =	vsel vm14, v21, v26;
	v25 =	vmul.f32 v56, v27  }
0x178: {  	v16 =	vsub.f32 v16, v1;
	(erf) = vpow2.f32 v18;
	v26 =	vmul.f32 $2.000000030e-01, v22  }
0x179: {  	v19 =	vsub.f32 v19, v1;
	v21 =	vsub.f32 v21, v1;
	vm15 =	vge.f32 v22, $0.0e+00;
	[tilespmem:v24+s26+$0x0] =	vst.idx.add.f32.msk $0xffff, v25  }
0x17a: {  	(erf) = vpow2.f32 v20;
	v16 =	vmul.f32 $1.442695020e+00, v16;
	v17 =	vsel vm15, v22, v26;
	v22 =	vld.idx.msk [tilespmem:v23+s20+$0x0], $0xffff  }
0x17b: {  	v18 =	vmul.f32 $1.442695020e+00, v19;
	v17 =	vsub.f32 v17, v1  }
0x17c: {  	v19 =	vmul.f32 $1.442695020e+00, v21;
	(erf) = vpow2.f32 v16  }
0x17d: {  	(erf) = vpow2.f32 v18;
	v16 =	vmul.f32 $1.442695020e+00, v17  }
0x17e: {  	(erf) = vpow2.f32 v19  }
0x17f: {  	(erf) = vpow2.f32 v16;
	v16 =	vmul.f32 v56, v22;
	v22 =	vpop (erf)  }
0x180: {  	[tilespmem:v2+s25+$0x0] =	vst.idx.add.f32.msk $0xffff, v22  }
0x181: {  	v21 =	vpop (erf);
	[tilespmem:v24+s28+$0x0] =	vst.idx.add.f32.msk $0xffff, v16  }
0x182: {  	[tilespmem:v3+s25+$0x0] =	vst.idx.add.f32.msk $0xffff, v21  }
0x183: {  	v20 =	vpop (erf);
	v25 =	vld.idx.msk [tilespmem:v23+s21+$0x0], $0xffff  }
0x184: {  	[tilespmem:v4+s25+$0x0] =	vst.idx.add.f32.msk $0xffff, v20  }
0x185: {  	v19 =	vpop (erf);
	v26 =	vld.idx.msk [tilespmem:v9+s1+$0x0], $0xffff  }
0x186: {  	[tilespmem:v5+s25+$0x0] =	vst.idx.add.f32.msk $0xffff, v19  }
0x187: {  	v18 =	vpop (erf);
	v27 =	vld.idx.msk [tilespmem:v10+s1+$0x0], $0xffff  }
0x188: {  	[tilespmem:v6+s25+$0x0] =	vst.idx.add.f32.msk $0xffff, v18  }
0x189: {  	v17 =	vpop (erf);
	v58 =	vld.idx.msk [tilespmem:v11+s1+$0x0], $0xffff;
	v25 =	vmul.f32 v56, v25  }
0x18a: {  	[tilespmem:v7+s25+$0x0] =	vst.idx.add.f32.msk $0xffff, v17  }
0x18b: {  	[tilespmem:v24+s4+$0x0] =	vst.idx.add.f32.msk $0xffff, v25  }
0x18c: {  	v23 =	vld.idx.msk [tilespmem:v23+s22+$0x0], $0xffff  }
0x18d: {  	v25 =	vld.idx.msk [tilespmem:v15+s1+$0x0], $0xffff  }
0x18e: {  	v16 =	vpop (erf);
	v30 =	vld.idx.msk [tilespmem:v12+s1+$0x0], $0xffff  }
0x18f: {  	[tilespmem:v8+s25+$0x0] =	vst.idx.add.f32.msk $0xffff, v16  }
0x190: {  	v31 =	vld.idx.msk [tilespmem:v13+s1+$0x0], $0xffff;
	v26 =	vmul.f32 v21, v26  }
0x191: {  	v59 =	vld.idx.msk [tilespmem:v14+s1+$0x0], $0xffff;
	v23 =	vmul.f32 v23, v56  }
0x192: {  	[tilespmem:v3+s26+$0x0] =	vst.idx.add.f32.msk $0xffff, v26;
	v25 =	vmul.f32 v22, v25  }
0x193: {  	[tilespmem:v24+s5+$0x0] =	vst.idx.add.f32.msk $0xffff, v23;
	v23 =	vmul.f32 v20, v27  }
0x194: {  	[tilespmem:v2+s26+$0x0] =	vst.idx.add.f32.msk $0xffff, v25;
	v24 =	vmul.f32 v19, v58  }
0x195: {  	[tilespmem:v4+s26+$0x0] =	vst.idx.add.f32.msk $0xffff, v23;
	v23 =	vmul.f32 v18, v30  }
0x196: {  	[tilespmem:v5+s26+$0x0] =	vst.idx.add.f32.msk $0xffff, v24;
	v24 =	vmul.f32 v17, v31  }
0x197: {  	[tilespmem:v6+s26+$0x0] =	vst.idx.add.f32.msk $0xffff, v23;
	v23 =	vmul.f32 v16, v59  }
0x198: {  	[tilespmem:v7+s26+$0x0] =	vst.idx.add.f32.msk $0xffff, v24  }
0x199: {  	[tilespmem:v8+s26+$0x0] =	vst.idx.add.f32.msk $0xffff, v23  }
0x19a: {  	v23 =	vld.idx.msk [tilespmem:v15+s20+$0x0], $0xffff  }
0x19b: {  	v24 =	vld.idx.msk [tilespmem:v9+s20+$0x0], $0xffff  }
0x19c: {  	v25 =	vld.idx.msk [tilespmem:v10+s20+$0x0], $0xffff  }
0x19d: {  	v26 =	vld.idx.msk [tilespmem:v11+s20+$0x0], $0xffff  }
0x19e: {  	v27 =	vld.idx.msk [tilespmem:v12+s20+$0x0], $0xffff  }
0x19f: {  	v60 =	vld.idx.msk [tilespmem:v13+s20+$0x0], $0xffff;
	v23 =	vmul.f32 v22, v23  }
0x1a0: {  	v61 =	vld.idx.msk [tilespmem:v14+s20+$0x0], $0xffff;
	v24 =	vmul.f32 v21, v24  }
0x1a1: {  	[tilespmem:v2+s28+$0x0] =	vst.idx.add.f32.msk $0xffff, v23;
	v23 =	vmul.f32 v20, v25  }
0x1a2: {  	[tilespmem:v3+s28+$0x0] =	vst.idx.add.f32.msk $0xffff, v24  }
0x1a3: {  	[tilespmem:v4+s28+$0x0] =	vst.idx.add.f32.msk $0xffff, v23;
	v23 =	vmul.f32 v18, v27  }
0x1a4: {  	v24 =	vmul.f32 v19, v26;
	v26 =	vld.idx.msk [tilespmem:v9+s21+$0x0], $0xffff  }
0x1a5: {  	[tilespmem:v6+s28+$0x0] =	vst.idx.add.f32.msk $0xffff, v23;
	v23 =	vmul.f32 v16, v61  }
0x1a6: {  	[tilespmem:v5+s28+$0x0] =	vst.idx.add.f32.msk $0xffff, v24  }
0x1a7: {  	[tilespmem:v8+s28+$0x0] =	vst.idx.add.f32.msk $0xffff, v23  }
0x1a8: {  	v23 =	vld.idx.msk [tilespmem:v15+s21+$0x0], $0xffff  }
0x1a9: {  	v24 =	vmul.f32 v17, v60;
	v62 =	vld.idx.msk [tilespmem:v11+s21+$0x0], $0xffff  }
0x1aa: {  	v27 =	vld.idx.msk [tilespmem:v10+s21+$0x0], $0xffff  }
0x1ab: {  	[tilespmem:v7+s28+$0x0] =	vst.idx.add.f32.msk $0xffff, v24  }
0x1ac: {  	v63 =	vld.idx.msk [tilespmem:v12+s21+$0x0], $0xffff  }
0x1ad: {  	v25 =	vld.idx.msk [tilespmem:v13+s21+$0x0], $0xffff;
	v23 =	vmul.f32 v22, v23  }
0x1ae: {  	v26 =	vmul.f32 v21, v26;
	v24 =	vld.idx.msk [tilespmem:v14+s21+$0x0], $0xffff  }
0x1af: {  	[tilespmem:v2+s4+$0x0] =	vst.idx.add.f32.msk $0xffff, v23;
	v23 =	vmul.f32 v20, v27  }
0x1b0: {  	[tilespmem:v3+s4+$0x0] =	vst.idx.add.f32.msk $0xffff, v26  }
0x1b1: {  	s11 =	simm.s32 $0x0;
	s12 =	simm.s32 $0x1C240;
	v32 =	vmul.f32 v19, v62;
	v33 =	vmul.f32 v18, v63;
	[tilespmem:v4+s4+$0x0] =	vst.idx.add.f32.msk $0xffff, v23  }
.LBB2_7:
0x1b2: {  	v26 =	vld [tilespmem:s12+$0x30];
	v34 =	vmul.f32 v17, v25;
	s10 =	sadd.s32 $0x80, s10  }
0x1b3: {  	s11 =	sadd.s32 $0x8, s11;
	v35 =	vmul.f32 v16, v24;
	v25 =	vld [tilespmem:s10+$0x30]  }
0x1b4: {  	p2 =	slt.u32 s11, $0xC0;
	v28 =	vld [tilespmem:s10+$0xFFFFFFC0]  }
0x1b5: {  	v36 =	vld [tilespmem:s12+$0xFFFFFFD0]  }
0x1b6: {  	v29 =	vld [tilespmem:s10+$0xFFFFFFD0]  }
0x1b7: {  	v37 =	vld [tilespmem:s12+$0xFFFFFFE0]  }
0x1b8: {  	v27 =	vld [tilespmem:s10+$0xFFFFFFE0]  }
0x1b9: {  	v38 =	vld [tilespmem:s12+$0xFFFFFFF0]  }
0x1ba: {  	v23 =	vld.idx.msk [tilespmem:v26+s23+$0x0], $0xffff  }
0x1bb: {  	v39 =	vld.idx.msk [tilespmem:v25+s24+$0x0], $0xffff  }
0x1bc: {  	v30 =	vld [tilespmem:s10+$0xFFFFFFF0]  }
0x1bd: {  	v40 =	vld [tilespmem:s12+$0x0]  }
0x1be: {  	v31 =	vld [tilespmem:s10+$0x0]  }
0x1bf: {  	v41 =	vld [tilespmem:s12+$0x10]  }
0x1c0: {  	v24 =	vld [tilespmem:s10+$0x10]  }
0x1c1: {  	v39 =	vadd.f32 v39, v23;
	v42 =	vld [tilespmem:s12+$0x20]  }
0x1c2: {  	v23 =	vld [tilespmem:s10+$0x20]  }
0x1c3: {  	v44 =	vmul.f32 $2.000000030e-01, v39;
	v43 =	vld [tilespmem:s12+$0xFFFFFFC0]  }
0x1c4: {  	vm0 =	vge.f32 v39, $0.0e+00;
	v45 =	vld.idx.msk [tilespmem:v28+s24+$0x0], $0xffff  }
0x1c5: {  	v39 =	vsel vm0, v39, v44;
	v46 =	vld.idx.msk [tilespmem:v36+s23+$0x0], $0xffff  }
0x1c6: {  	v39 =	vsub.f32 v39, v1;
	v44 =	vld.idx.msk [tilespmem:v29+s24+$0x0], $0xffff  }
0x1c7: {  	v47 =	vld.idx.msk [tilespmem:v37+s23+$0x0], $0xffff  }
0x1c8: {  	v39 =	vmul.f32 $1.442695020e+00, v39;
	v48 =	vld.idx.msk [tilespmem:v27+s24+$0x0], $0xffff  }
0x1c9: {  	v49 =	vld.idx.msk [tilespmem:v38+s23+$0x0], $0xffff  }
0x1ca: {  	v50 =	vld.idx.msk [tilespmem:v30+s24+$0x0], $0xffff;
	(erf) = vpow2.f32 v39  }
0x1cb: {  	v39 =	vld.idx.msk [tilespmem:v43+s23+$0x0], $0xffff  }
0x1cc: {  	v44 =	vadd.f32 v44, v46;
	v46 =	vld.idx.msk [tilespmem:v40+s23+$0x0], $0xffff  }
0x1cd: {  	v51 =	vld.idx.msk [tilespmem:v31+s24+$0x0], $0xffff  }
0x1ce: {  	vm0 =	vge.f32 v44, $0.0e+00;
	v52 =	vmul.f32 $2.000000030e-01, v44;
	v47 =	vadd.f32 v48, v47;
	v48 =	vld.idx.msk [tilespmem:v41+s23+$0x0], $0xffff  }
0x1cf: {  	v53 =	vld.idx.msk [tilespmem:v24+s24+$0x0], $0xffff  }
0x1d0: {  	vm1 =	vge.f32 v47, $0.0e+00;
	v54 =	vmul.f32 $2.000000030e-01, v47;
	v49 =	vadd.f32 v50, v49;
	v50 =	vld.idx.msk [tilespmem:v42+s23+$0x0], $0xffff  }
0x1d1: {  	v44 =	vsel vm0, v44, v52;
	v39 =	vadd.f32 v45, v39;
	v45 =	vld.idx.msk [tilespmem:v23+s24+$0x0], $0xffff  }
0x1d2: {  	v47 =	vsel vm1, v47, v54;
	vm0 =	vge.f32 v49, $0.0e+00;
	v52 =	vmul.f32 $2.000000030e-01, v49;
	[tilespmem:v5+s4+$0x0] =	vst.idx.add.f32.msk $0xffff, v32  }
0x1d3: {  	vm1 =	vge.f32 v39, $0.0e+00;
	v54 =	vmul.f32 $2.000000030e-01, v39;
	v46 =	vadd.f32 v51, v46;
	v32 =	vpop (erf);
	[tilespmem:v6+s4+$0x0] =	vst.idx.add.f32.msk $0xffff, v33  }
0x1d4: {  	v33 =	vsub.f32 v44, v1;
	v44 =	vsel vm0, v49, v52;
	[tilespmem:v25+s25+$0x0] =	vst.idx.add.f32.msk $0xffff, v32  }
0x1d5: {  	vm0 =	vge.f32 v46, $0.0e+00;
	v49 =	vmul.f32 $2.000000030e-01, v46;
	v48 =	vadd.f32 v53, v48;
	v51 =	vld.idx.msk [tilespmem:v26+s1+$0x0], $0xffff  }
0x1d6: {  	v47 =	vsub.f32 v47, v1;
	v39 =	vsel vm1, v39, v54;
	v44 =	vsub.f32 v44, v1;
	v52 =	vld.idx.msk [tilespmem:v15+s22+$0x0], $0xffff  }
0x1d7: {  	vm1 =	vge.f32 v48, $0.0e+00;
	v53 =	vmul.f32 $2.000000030e-01, v48;
	v45 =	vadd.f32 v45, v50;
	v15 =	vmovc v43;
	[tilespmem:v7+s4+$0x0] =	vst.idx.add.f32.msk $0xffff, v34  }
0x1d8: {  	v33 =	vmul.f32 $1.442695020e+00, v33;
	v34 =	vsub.f32 v39, v1;
	v39 =	vsel vm0, v46, v49;
	[tilespmem:v8+s4+$0x0] =	vst.idx.add.f32.msk $0xffff, v35  }
0x1d9: {  	v35 =	vsel vm1, v48, v53;
	vm0 =	vge.f32 v45, $0.0e+00;
	v43 =	vmul.f32 $2.000000030e-01, v45;
	v46 =	vld.idx.msk [tilespmem:v9+s22+$0x0], $0xffff;
	v9 =	vmovc v36  }
0x1da: {  	v34 =	vmul.f32 $1.442695020e+00, v34;
	v36 =	vsub.f32 v39, v1;
	v35 =	vsub.f32 v35, v1;
	v39 =	vld.idx.msk [tilespmem:v10+s22+$0x0], $0xffff;
	v10 =	vmovc v37  }
0x1db: {  	v37 =	vmul.f32 $1.442695020e+00, v47;
	v43 =	vsel vm0, v45, v43;
	v45 =	vmul.f32 v32, v51;
	v47 =	vld.idx.msk [tilespmem:v11+s22+$0x0], $0xffff;
	v11 =	vmovc v38  }
0x1dc: {  	v38 =	vmul.f32 $1.442695020e+00, v44;
	v36 =	vmul.f32 $1.442695020e+00, v36;
	v43 =	vsub.f32 v43, v1;
	v44 =	vld.idx.msk [tilespmem:v12+s22+$0x0], $0xffff;
	v12 =	vmovc v40  }
0x1dd: {  	v35 =	vmul.f32 $1.442695020e+00, v35;
	[tilespmem:v25+s26+$0x0] =	vst.idx.add.f32.msk $0xffff, v45;
	(erf) = vpow2.f32 v34  }
0x1de: {  	v34 =	vmul.f32 $1.442695020e+00, v43;
	v40 =	vld.idx.msk [tilespmem:v26+s20+$0x0], $0xffff;
	(erf) = vpow2.f32 v33  }
0x1df: {  	v22 =	vmul.f32 v52, v22;
	(erf) = vpow2.f32 v37;
	v33 =	vld.idx.msk [tilespmem:v13+s22+$0x0], $0xffff;
	v13 =	vmov v41  }
0x1e0: {  	v21 =	vmul.f32 v46, v21;
	(erf) = vpow2.f32 v38;
	v37 =	vld.idx.msk [tilespmem:v14+s22+$0x0], $0xffff;
	v14 =	vmov v42  }
0x1e1: {  	v20 =	vmul.f32 v39, v20;
	(erf) = vpow2.f32 v36;
	[tilespmem:v2+s5+$0x0] =	vst.idx.add.f32.msk $0xffff, v22;
	v2 =	vmov v28  }
0x1e2: {  	v19 =	vmul.f32 v47, v19;
	(erf) = vpow2.f32 v35;
	[tilespmem:v3+s5+$0x0] =	vst.idx.add.f32.msk $0xffff, v21;
	v3 =	vmov v29  }
0x1e3: {  	v18 =	vmul.f32 v44, v18;
	(erf) = vpow2.f32 v34;
	[tilespmem:v4+s5+$0x0] =	vst.idx.add.f32.msk $0xffff, v20;
	v4 =	vmov v27  }
0x1e4: {  	v20 =	vmul.f32 v32, v40;
	[tilespmem:v5+s5+$0x0] =	vst.idx.add.f32.msk $0xffff, v19;
	v5 =	vmov v30  }
0x1e5: {  	v27 =	vmul.f32 v33, v17;
	[tilespmem:v6+s5+$0x0] =	vst.idx.add.f32.msk $0xffff, v18;
	v6 =	vmov v31  }
0x1e6: {  	v28 =	vmul.f32 v37, v16;
	[tilespmem:v25+s28+$0x0] =	vst.idx.add.f32.msk $0xffff, v20;
	v22 =	vpop (erf)  }
0x1e7: {  	v29 =	vld.idx.msk [tilespmem:v26+s21+$0x0], $0xffff;
	v21 =	vpop (erf)  }
0x1e8: {  	[tilespmem:v2+s25+$0x0] =	vst.idx.add.f32.msk $0xffff, v22;
	v20 =	vpop (erf)  }
0x1e9: {  	[tilespmem:v3+s25+$0x0] =	vst.idx.add.f32.msk $0xffff, v21;
	v19 =	vpop (erf)  }
0x1ea: {  	[tilespmem:v4+s25+$0x0] =	vst.idx.add.f32.msk $0xffff, v20;
	v18 =	vpop (erf)  }
0x1eb: {  	[tilespmem:v30+s25+$0x0] =	vst.idx.add.f32.msk $0xffff, v19;
	v17 =	vpop (erf)  }
0x1ec: {  	[tilespmem:v31+s25+$0x0] =	vst.idx.add.f32.msk $0xffff, v18;
	v16 =	vpop (erf)  }
0x1ed: {  	v29 =	vmul.f32 v32, v29;
	[tilespmem:v24+s25+$0x0] =	vst.idx.add.f32.msk $0xffff, v17  }
0x1ee: {  	[tilespmem:v23+s25+$0x0] =	vst.idx.add.f32.msk $0xffff, v16  }
0x1ef: {  	[tilespmem:v25+s4+$0x0] =	vst.idx.add.f32.msk $0xffff, v29  }
0x1f0: {  	v26 =	vld.idx.msk [tilespmem:v26+s22+$0x0], $0xffff  }
0x1f1: {  	v29 =	vld.idx.msk [tilespmem:v15+s1+$0x0], $0xffff  }
0x1f2: {  	v30 =	vld.idx.msk [tilespmem:v9+s1+$0x0], $0xffff  }
0x1f3: {  	v31 =	vld.idx.msk [tilespmem:v10+s1+$0x0], $0xffff  }
0x1f4: {  	v33 =	vld.idx.msk [tilespmem:v11+s1+$0x0], $0xffff  }
0x1f5: {  	v34 =	vld.idx.msk [tilespmem:v12+s1+$0x0], $0xffff  }
0x1f6: {  	v26 =	vmul.f32 v26, v32;
	v35 =	vld.idx.msk [tilespmem:v13+s1+$0x0], $0xffff  }
0x1f7: {  	v29 =	vmul.f32 v22, v29;
	v32 =	vld.idx.msk [tilespmem:v14+s1+$0x0], $0xffff  }
0x1f8: {  	v30 =	vmul.f32 v21, v30;
	[tilespmem:v25+s5+$0x0] =	vst.idx.add.f32.msk $0xffff, v26  }
0x1f9: {  	v25 =	vmul.f32 v20, v31;
	[tilespmem:v2+s26+$0x0] =	vst.idx.add.f32.msk $0xffff, v29  }
0x1fa: {  	v26 =	vmul.f32 v19, v33;
	[tilespmem:v3+s26+$0x0] =	vst.idx.add.f32.msk $0xffff, v30  }
0x1fb: {  	[tilespmem:v4+s26+$0x0] =	vst.idx.add.f32.msk $0xffff, v25;
	v25 =	vmul.f32 v18, v34  }
0x1fc: {  	[tilespmem:v5+s26+$0x0] =	vst.idx.add.f32.msk $0xffff, v26;
	v26 =	vmul.f32 v17, v35  }
0x1fd: {  	[tilespmem:v6+s26+$0x0] =	vst.idx.add.f32.msk $0xffff, v25;
	v25 =	vmul.f32 v16, v32  }
0x1fe: {  	[tilespmem:v24+s26+$0x0] =	vst.idx.add.f32.msk $0xffff, v26  }
0x1ff: {  	[tilespmem:v23+s26+$0x0] =	vst.idx.add.f32.msk $0xffff, v25  }
0x200: {  	v25 =	vld.idx.msk [tilespmem:v15+s20+$0x0], $0xffff  }
0x201: {  	v26 =	vld.idx.msk [tilespmem:v9+s20+$0x0], $0xffff  }
0x202: {  	v29 =	vld.idx.msk [tilespmem:v10+s20+$0x0], $0xffff  }
0x203: {  	v30 =	vld.idx.msk [tilespmem:v11+s20+$0x0], $0xffff  }
0x204: {  	v31 =	vld.idx.msk [tilespmem:v12+s20+$0x0], $0xffff  }
0x205: {  	v32 =	vld.idx.msk [tilespmem:v13+s20+$0x0], $0xffff  }
0x206: {  	v25 =	vmul.f32 v22, v25;
	v33 =	vld.idx.msk [tilespmem:v14+s20+$0x0], $0xffff  }
0x207: {  	v26 =	vmul.f32 v21, v26;
	[tilespmem:v7+s5+$0x0] =	vst.idx.add.f32.msk $0xffff, v27;
	v7 =	vmov v24  }
0x208: {  	v24 =	vmul.f32 v20, v29;
	[tilespmem:v2+s28+$0x0] =	vst.idx.add.f32.msk $0xffff, v25  }
0x209: {  	v25 =	vmul.f32 v19, v30;
	[tilespmem:v3+s28+$0x0] =	vst.idx.add.f32.msk $0xffff, v26  }
0x20a: {  	[tilespmem:v4+s28+$0x0] =	vst.idx.add.f32.msk $0xffff, v24;
	v24 =	vmul.f32 v18, v31  }
0x20b: {  	[tilespmem:v5+s28+$0x0] =	vst.idx.add.f32.msk $0xffff, v25;
	v25 =	vmul.f32 v17, v32  }
0x20c: {  	[tilespmem:v6+s28+$0x0] =	vst.idx.add.f32.msk $0xffff, v24;
	v24 =	vmul.f32 v16, v33  }
0x20d: {  	[tilespmem:v7+s28+$0x0] =	vst.idx.add.f32.msk $0xffff, v25  }
0x20e: {  	[tilespmem:v23+s28+$0x0] =	vst.idx.add.f32.msk $0xffff, v24  }
0x20f: {  	v24 =	vld.idx.msk [tilespmem:v15+s21+$0x0], $0xffff  }
0x210: {  	v26 =	vld.idx.msk [tilespmem:v9+s21+$0x0], $0xffff  }
0x211: {  	v27 =	vld.idx.msk [tilespmem:v10+s21+$0x0], $0xffff  }
0x212: {  	v29 =	vld.idx.msk [tilespmem:v11+s21+$0x0], $0xffff  }
0x213: {  	v30 =	vld.idx.msk [tilespmem:v12+s21+$0x0], $0xffff  }
0x214: {  	v25 =	vld.idx.msk [tilespmem:v13+s21+$0x0], $0xffff  }
.Ltmp4:
0x215: {  	v31 =	vmul.f32 v22, v24;
	v24 =	vld.idx.msk [tilespmem:v14+s21+$0x0], $0xffff;
	(pc) =	sbr.rel @p2 .LBB2_7-.Ltmp4, $4  }
0x216: {  	v26 =	vmul.f32 v21, v26;
	[tilespmem:v8+s5+$0x0] =	vst.idx.add.f32.msk $0xffff, v28;
	v8 =	vmov v23  }
0x217: {  	v23 =	vmul.f32 v20, v27;
	[tilespmem:v2+s4+$0x0] =	vst.idx.add.f32.msk $0xffff, v31  }
0x218: {  	v32 =	vmul.f32 v19, v29;
	[tilespmem:v3+s4+$0x0] =	vst.idx.add.f32.msk $0xffff, v26  }
0x219: {  	s12 =	sadd.s32 $0x80, s12;
	v33 =	vmul.f32 v18, v30;
	[tilespmem:v4+s4+$0x0] =	vst.idx.add.f32.msk $0xffff, v23  }
0x21a: {  	_ =	sdelay $0x3  }
0x21b: {  	[tilespmem:v5+s4+$0x0] =	vst.idx.add.f32.msk $0xffff, v32  }
0x21c: {  	v15 =	vld.idx.msk [tilespmem:v15+s22+$0x0], $0xffff  }
0x21d: {  	v9 =	vld.idx.msk [tilespmem:v9+s22+$0x0], $0xffff  }
0x21e: {  	v10 =	vld.idx.msk [tilespmem:v10+s22+$0x0], $0xffff  }
0x21f: {  	v23 =	vmul.f32 v17, v25;
	[tilespmem:v6+s4+$0x0] =	vst.idx.add.f32.msk $0xffff, v33  }
0x220: {  	v24 =	vmul.f32 v16, v24;
	v11 =	vld.idx.msk [tilespmem:v11+s22+$0x0], $0xffff  }
0x221: {  	[tilespmem:v7+s4+$0x0] =	vst.idx.add.f32.msk $0xffff, v23  }
0x222: {  	[tilespmem:v8+s4+$0x0] =	vst.idx.add.f32.msk $0xffff, v24  }
0x223: {  	v12 =	vld.idx.msk [tilespmem:v12+s22+$0x0], $0xffff  }
0x224: {  	v13 =	vld.idx.msk [tilespmem:v13+s22+$0x0], $0xffff;
	v15 =	vmul.f32 v15, v22  }
0x225: {  	v14 =	vld.idx.msk [tilespmem:v14+s22+$0x0], $0xffff;
	v9 =	vmul.f32 v9, v21  }
0x226: {  	[tilespmem:v2+s5+$0x0] =	vst.idx.add.f32.msk $0xffff, v15;
	v2 =	vmul.f32 v10, v20  }
0x227: {  	[tilespmem:v3+s5+$0x0] =	vst.idx.add.f32.msk $0xffff, v9;
	v3 =	vmul.f32 v11, v19  }
.Ltmp5:
0x228: {  	[tilespmem:v4+s5+$0x0] =	vst.idx.add.f32.msk $0xffff, v2;
	v2 =	vmul.f32 v12, v18;
	(pc) =	sbr.rel @p1 .LBB2_10-.Ltmp5, $4  }
0x229: {  	[tilespmem:v5+s5+$0x0] =	vst.idx.add.f32.msk $0xffff, v3;
	v3 =	vmul.f32 v13, v17  }
0x22a: {  	[tilespmem:v6+s5+$0x0] =	vst.idx.add.f32.msk $0xffff, v2;
	v2 =	vmul.f32 v14, v16  }
0x22b: {  	[tilespmem:v7+s5+$0x0] =	vst.idx.add.f32.msk $0xffff, v3  }
0x22c: {  	[tilespmem:v8+s5+$0x0] =	vst.idx.add.f32.msk $0xffff, v2  }
0x22d: {  	s10 =	smul.u32 $0x1900, s9;
	_ =	sdelay $0x1  }
0x22e: {  	s10 =	sshrl.u32 s10, $0x3  }
.Ltmp6:
0x22f: {  	s10 =	sadd.s32 $0x4B0, s10;
	(pc) =	sbr.rel .LBB2_4-.Ltmp6, $4  }
0x230: {  	s11 =	sadd.s32 s2, s10  }
0x231: {  	[tilespmem:s29], [sflag:$0x2] =	stream.linear.gather [hbm4b:s11+s1], $0xC80, $0x38;
	[tilespmem:$0x1E780] =	vst v63  }
0x232: {  	s9 =	sadd.s32 $0x1, s9;
	s10 =	sadd.s32 s3, s10  }
0x233: {  	[tilespmem:s30], [sflag:$0x4] =	stream.linear.gather [hbm4b:s10+s1], $0xC80, $0x38;
	[tilespmem:$0x1E780] =	vst v63  }
.LBB2_11:
0x234: {  	_ =	sfence.sel $0x180000  }
0x235: {  	[bflag:$0x0] =	sbarrier.arrive $0xFFFF  }
0x236: {  	_ =	strace $0x90000047  }
0x237: {  	[bflag:$0x2] =	sbarrier.arrive $0xFFFF  }
0x238: {  	s0 =	rddreg [dreg:$0x2]  }
0x239: {  	s0 =	sadd.s32 @!p0 $0x100000, s0  }
0x23a: {  	[sflag:s0] =	ssyncadd.tile.s32 @!p0 $0x1;
	_ =	shalt  }
.Lfunc_end2:
_tile_overlayer_lowered:
.L_overlay_start_2:
0x23b: {  	(tag) =	ssettag $0x2  }
0x23c: {  	s0 =	rddreg [dreg:$0x0];
	s2 =	stileid.u32  }
0x23d: {  	s1 =	rddreg [dreg:$0x1];
	p0 =	sne.s32 s2, $0x0  }
0x23e: {  	s3 =	rddreg [dreg:$0x2];
	[bflag:$0x3] =	sbarrier.arrive $0xFFFF;
	s2 =	simm.s32 @!p0 $0x1C05  }
0x23f: {  	[timem:s3], [sflag:s2] =	dma.local @!p0 [hbm:s0], s1  }
0x240: {  	s0 =	simm.s32 @!p0 $0x5  }
0x241: {  	_ =	swait.ge @!p0 [sflag:s0], s1  }
0x242: {  	s1 =	ssub.s32 @!p0 $0x0, s1;
	[sflag:s0] =	ssyncset.done @!p0 $0x0  }
0x243: {  	[sflag:s0] =	ssyncadd.s32 @!p0 s1  }
0x244: {  	[bflag:$0x3] =	sbarrier.arrive $0xFFFF  }
0x245: {  	_ =	shalt  }

</sc_bundles>
